<compile_context>
chip_gen: v7x
topology: tpu7x:2x2x1
jax: 0.10.2.dev20260603
libtpu: 0.0.44.dev20260713+nightly
codegen_flags: <defaults>
</compile_context>

<pallas_src>
import functools

import jax
import jax.numpy as jnp
from jax import lax
from jax.experimental import pallas as pl
from jax.experimental.pallas import tpu as pltpu
from jax.experimental.pallas import tpu_sc as plsc

N = 10000
E = 320000
D = 128
NC = 2
NS = 16
L = 16
NTILES = NC * NS
CHUNK = 64
NCHUNK = 160
NBUF = 4
EPT = CHUNK * NCHUNK
E_PAD = EPT * NTILES
N_PAD = 10240
RPT = N_PAD // NS

BLK = 640
GRID = N_PAD // BLK


CHUNKD = 128
NCHUNKD = EPT // CHUNKD


def _mesh():
    return plsc.VectorSubcoreMesh(core_axis_name="c", subcore_axis_name="s")


@functools.partial(
    pl.kernel,
    out_type=jax.ShapeDtypeStruct((NC * N_PAD, L), jnp.float32),
    mesh=_mesh(),
    scratch_types=[
        pltpu.VMEM((CHUNKD,), jnp.int32),
        pltpu.VMEM((CHUNKD,), jnp.int32),
        pltpu.VMEM((CHUNKD, L), jnp.float32),
        pltpu.VMEM((CHUNKD, L), jnp.float32),
        pltpu.VMEM_SHARED((N_PAD, L), jnp.float32),
        pltpu.SemaphoreType.DMA,
        pltpu.SemaphoreType.DMA,
    ],
)
def _deg_kernel(dst_hbm, out_hbm, dcur0_v, dcur1_v, ones_v, zeros_v, acc_sh,
                isem0, isem1):
    c = lax.axis_index("c")
    s = lax.axis_index("s")
    w = c * NS + s

    def fill(i, _):
        ones_v[i, :] = jnp.ones((L,), jnp.float32)
        zeros_v[i, :] = jnp.zeros((L,), jnp.float32)
        return 0

    lax.fori_loop(0, CHUNKD, fill, 0)

    zbase = s * RPT
    for b in range(RPT // CHUNKD):
        pltpu.sync_copy(zeros_v, acc_sh.at[pl.ds(zbase + b * CHUNKD, CHUNKD)])
    plsc.subcore_barrier()

    pltpu.async_copy(dst_hbm.at[w * NCHUNKD], dcur0_v, isem0)

    def body(jj, _):
        j = 2 * jj
        pltpu.async_copy(dst_hbm.at[w * NCHUNKD + j + 1], dcur1_v, isem1)
        pltpu.make_async_copy(dst_hbm.at[0], dcur0_v, isem0).wait()
        pltpu.sync_copy(ones_v, acc_sh.at[dcur0_v], add=True)

        @pl.when(jj < NCHUNKD // 2 - 1)
        def _():
            pltpu.async_copy(dst_hbm.at[w * NCHUNKD + j + 2], dcur0_v, isem0)

        pltpu.make_async_copy(dst_hbm.at[0], dcur1_v, isem1).wait()
        pltpu.sync_copy(ones_v, acc_sh.at[dcur1_v], add=True)
        return 0

    lax.fori_loop(0, NCHUNKD // 2, body, 0)
    plsc.subcore_barrier()

    pltpu.sync_copy(
        acc_sh.at[pl.ds(s * RPT, RPT)],
        out_hbm.at[pl.ds(c * N_PAD + s * RPT, RPT)],
    )


def _sidx(src_v, t, pp):
    return src_v.at[2 * t + pp // 2, pl.ds((pp % 2) * CHUNK, CHUNK)]


@functools.partial(
    pl.kernel,
    out_type=jax.ShapeDtypeStruct((NC * N_PAD, D), jnp.float32),
    mesh=_mesh(),
    scratch_types=(
        [pltpu.VMEM((NCHUNK // 2, 2 * CHUNK), jnp.int32)]
        + [pltpu.VMEM((CHUNK,), jnp.int32) for _ in range(NBUF)]
        + [pltpu.VMEM((CHUNK, D), jnp.float32) for _ in range(NBUF)]
        + [pltpu.VMEM_SHARED((N_PAD, D), jnp.float32)]
        + [pltpu.SemaphoreType.DMA for _ in range(3 * NBUF)]
    ),
)
def _agg_kernel(hp_hbm, src_hbm, dst_hbm, out_hbm, src_v, *scr):
    ibuf = scr[0:NBUF]
    rows = scr[NBUF:2 * NBUF]
    acc_sh = scr[2 * NBUF]
    gsem = scr[2 * NBUF + 1:3 * NBUF + 1]
    isem = scr[3 * NBUF + 1:4 * NBUF + 1]
    ssem = scr[4 * NBUF + 1:5 * NBUF + 1]
    c = lax.axis_index("c")
    sc = lax.axis_index("s")
    w = c * NS + sc

    def zr(i, _):
        for jj in range(D // L):
            rows[0][i, pl.ds(jj * L, L)] = jnp.zeros((L,), jnp.float32)
        return 0

    lax.fori_loop(0, CHUNK, zr, 0)

    zbase = sc * RPT
    for b in range(RPT // CHUNK):
        pltpu.sync_copy(rows[0], acc_sh.at[pl.ds(zbase + b * CHUNK, CHUNK)])
    plsc.subcore_barrier()

    pltpu.sync_copy(src_hbm.at[w], src_v)

    for p in range(2):
        pltpu.async_copy(hp_hbm.at[src_v.at[0, pl.ds(p * CHUNK, CHUNK)]],
                         rows[p], gsem[p])
        pltpu.async_copy(dst_hbm.at[w * NCHUNK + p], ibuf[p], isem[p])

    def body(t, _):
        for p in range(NBUF):
            j = t * NBUF + p
            q = (p + 2) % NBUF
            pltpu.make_async_copy(hp_hbm.at[_sidx(src_v, t, p)], rows[p],
                                  gsem[p]).wait()
            pltpu.make_async_copy(dst_hbm.at[0], ibuf[p], isem[p]).wait()
            pltpu.sync_copy(rows[p], acc_sh.at[ibuf[p]], add=True)

            @pl.when(j + 2 < NCHUNK)
            def _():
                pltpu.async_copy(hp_hbm.at[_sidx(src_v, t, p + 2)],
                                 rows[q], gsem[q])
                pltpu.async_copy(dst_hbm.at[w * NCHUNK + j + 2], ibuf[q],
                                 isem[q])
        return 0

    lax.fori_loop(0, NCHUNK // NBUF, body, 0)
    plsc.subcore_barrier()

    pltpu.sync_copy(
        acc_sh.at[pl.ds(sc * RPT, RPT)],
        out_hbm.at[pl.ds(c * N_PAD + sc * RPT, RPT)],
    )


def _mm_body(x_ref, w_ref, o_ref):
    o_ref[...] = jnp.dot(x_ref[...], w_ref[...],
                         preferred_element_type=jnp.float32)


def _matmul(x, w):
    return pl.pallas_call(
        _mm_body,
        grid=(GRID,),
        in_specs=[
            pl.BlockSpec((BLK, D), lambda i: (i, 0)),
            pl.BlockSpec((D, D), lambda i: (0, 0)),
        ],
        out_specs=pl.BlockSpec((BLK, D), lambda i: (i, 0)),
        out_shape=jax.ShapeDtypeStruct((N_PAD, D), jnp.float32),
    )(x, w)


def _scale_body(d_ref, u_ref, hp_ref, inv_ref):
    cnt = d_ref[0, :, 0:1] + d_ref[1, :, 0:1]
    inv = lax.rsqrt(cnt + 1.0)
    inv_ref[...] = inv
    hp_ref[...] = u_ref[...] * inv


def _scale(degp, u):
    return pl.pallas_call(
        _scale_body,
        grid=(GRID,),
        in_specs=[
            pl.BlockSpec((NC, BLK, L), lambda i: (0, i, 0)),
            pl.BlockSpec((BLK, D), lambda i: (i, 0)),
        ],
        out_specs=[
            pl.BlockSpec((BLK, D), lambda i: (i, 0)),
            pl.BlockSpec((BLK, 1), lambda i: (i, 0)),
        ],
        out_shape=[
            jax.ShapeDtypeStruct((N_PAD, D), jnp.float32),
            jax.ShapeDtypeStruct((N_PAD, 1), jnp.float32),
        ],
    )(degp, u)


def _row_mask(i):
    ridx = lax.broadcasted_iota(jnp.int32, (BLK, 1), 0) + i * BLK
    return ridx < N


def _mid_body(s_ref, hp_ref, inv_ref, b_ref, w_ref, o_ref):
    inv = inv_ref[...]
    t = (s_ref[0] + s_ref[1] + hp_ref[...]) * inv + b_ref[...]
    h = jnp.maximum(t, 0.0)
    h = jnp.where(_row_mask(pl.program_id(0)), h, 0.0)
    o_ref[...] = jnp.dot(h, w_ref[...],
                         preferred_element_type=jnp.float32) * inv


def _mid(s, hp, inv, b, w):
    return pl.pallas_call(
        _mid_body,
        grid=(GRID,),
        in_specs=[
            pl.BlockSpec((NC, BLK, D), lambda i: (0, i, 0)),
            pl.BlockSpec((BLK, D), lambda i: (i, 0)),
            pl.BlockSpec((BLK, 1), lambda i: (i, 0)),
            pl.BlockSpec((1, D), lambda i: (0, 0)),
            pl.BlockSpec((D, D), lambda i: (0, 0)),
        ],
        out_specs=pl.BlockSpec((BLK, D), lambda i: (i, 0)),
        out_shape=jax.ShapeDtypeStruct((N_PAD, D), jnp.float32),
    )(s, hp, inv, b, w)


def _fin_body(s_ref, hp_ref, inv_ref, b_ref, wc_ref, bc_ref, o_ref, acc_ref):
    i = pl.program_id(0)

    @pl.when(i == 0)
    def _():
        acc_ref[...] = jnp.zeros_like(acc_ref)

    t = (s_ref[0] + s_ref[1] + hp_ref[...]) * inv_ref[...] + b_ref[...]
    h = jnp.maximum(t, 0.0)
    h = jnp.where(_row_mask(i), h, 0.0)
    acc_ref[...] += jnp.sum(h, axis=0, keepdims=True)

    @pl.when(i == pl.num_programs(0) - 1)
    def _():
        g = acc_ref[...] * (1.0 / N)
        logits = jnp.dot(g, wc_ref[...],
                         preferred_element_type=jnp.float32) + bc_ref[...]
        m = jnp.max(logits, axis=1, keepdims=True)
        lse = jnp.log(jnp.sum(jnp.exp(logits - m), axis=1, keepdims=True)) + m
        o_ref[...] = logits - lse


def _final(s, hp, inv, b, wcp, bcp):
    return pl.pallas_call(
        _fin_body,
        grid=(GRID,),
        in_specs=[
            pl.BlockSpec((NC, BLK, D), lambda i: (0, i, 0)),
            pl.BlockSpec((BLK, D), lambda i: (i, 0)),
            pl.BlockSpec((BLK, 1), lambda i: (i, 0)),
            pl.BlockSpec((1, D), lambda i: (0, 0)),
            pl.BlockSpec((D, D), lambda i: (0, 0)),
            pl.BlockSpec((1, D), lambda i: (0, 0)),
        ],
        out_specs=pl.BlockSpec((1, D), lambda i: (0, 0)),
        out_shape=jax.ShapeDtypeStruct((1, D), jnp.float32),
        scratch_shapes=[pltpu.VMEM((1, D), jnp.float32)],
    )(s, hp, inv, b, wcp, bcp)


def kernel(x, edge_index, W1, b1, W2, b2, Wc, bc):
    src = edge_index[0].astype(jnp.int32)
    dst = edge_index[1].astype(jnp.int32)
    pad = E_PAD - E
    srcp = jnp.concatenate([src, jnp.full((pad,), N, jnp.int32)])
    dstp = jnp.concatenate([dst, jnp.full((pad,), N, jnp.int32)])
    srcp = srcp.reshape(NTILES, NCHUNK // 2, 2 * CHUNK)
    dstp_d = dstp.reshape(NTILES * NCHUNKD, CHUNKD)
    dstp = dstp.reshape(NTILES * NCHUNK, CHUNK)

    degp = _deg_kernel(dstp_d).reshape(NC, N_PAD, L)

    xp = jnp.pad(x, ((0, N_PAD - N), (0, 0)))
    u1 = _matmul(xp, W1)
    h1p, inv = _scale(degp, u1)

    s1 = _agg_kernel(h1p, srcp, dstp).reshape(NC, N_PAD, D)

    h2p = _mid(s1, h1p, inv, b1.reshape(1, D), W2)

    s2 = _agg_kernel(h2p, srcp, dstp).reshape(NC, N_PAD, D)

    wcp = jnp.pad(Wc, ((0, 0), (0, D - Wc.shape[1])))
    bcp = jnp.concatenate([bc, jnp.full((D - bc.shape[0],), -1e30,
                                        jnp.float32)]).reshape(1, D)
    out = _final(s2, h2p, inv, b2.reshape(1, D), wcp, bcp)
    return out[0, :2]

# --- scband reference (transcript-rebuilt; emitter-appended) ---
"""Pipeline reference for scband-sentence-gcn-82257213653075 (READ-ONLY COPY).

The authoritative reference and input builder live on the scoring server;
editing this copy changes nothing except your own understanding.
"""

import jax, jax.numpy as jnp
import numpy as np

N = 10000
E = 320000
D_IN = 128
D_H = 128
N_CLS = 2

def setup_inputs(seed: int = 0):
    key = jax.random.key(seed)
    k1, k2, k3, k4, k5, k6, k7, k8 = jax.random.split(key, 8)
    x = jax.random.normal(k1, (N, D_IN), dtype=jnp.float32)
    # int64 spec; generated as int32 to stay compatible with default jax x64-disabled mode
    edge_index = jax.random.randint(k2, (2, E), 0, N, dtype=jnp.int32)
    W1 = jax.random.normal(k3, (D_IN, D_H), dtype=jnp.float32) * 0.05
    b1 = jnp.zeros((D_H,), dtype=jnp.float32)
    W2 = jax.random.normal(k4, (D_H, D_H), dtype=jnp.float32) * 0.05
    b2 = jnp.zeros((D_H,), dtype=jnp.float32)
    Wc = jax.random.normal(k5, (D_H, N_CLS), dtype=jnp.float32) * 0.05
    bc = jnp.zeros((N_CLS,), dtype=jnp.float32)
    return {"x": x, "edge_index": edge_index, "W1": W1, "b1": b1, "W2": W2, "b2": b2, "Wc": Wc, "bc": bc}

def gcn_conv(x, edge_index, W, b):
    # GCNConv with self-loops and symmetric normalization: D^-1/2 (A+I) D^-1/2 X W + b
    n = x.shape[0]
    loop = jnp.arange(n, dtype=edge_index.dtype)
    src = jnp.concatenate([edge_index[0], loop])
    dst = jnp.concatenate([edge_index[1], loop])
    deg = jax.ops.segment_sum(jnp.ones(src.shape[0], dtype=x.dtype), dst, num_segments=n)
    inv_sqrt = jnp.where(deg > 0, 1.0 / jnp.sqrt(deg), 0.0)
    h = x @ W
    coef = inv_sqrt[src] * inv_sqrt[dst]
    msg = h[src] * coef[:, None]
    out = jax.ops.segment_sum(msg, dst, num_segments=n)
    return out + b

def reference(x, edge_index, W1, b1, W2, b2, Wc, bc):
    h = jax.nn.relu(gcn_conv(x, edge_index, W1, b1))
    h = jax.nn.relu(gcn_conv(h, edge_index, W2, b2))
    g = jnp.mean(h, axis=0)
    logits = g @ Wc + bc
    return jax.nn.log_softmax(logits, axis=0)

if __name__ == "__main__":
    import jax
    _d = setup_inputs()
    print(jax.jit(kernel)(*tuple(_d.values())))

</pallas_src>

<mosaic_0001>
#map = affine_map<(d0, d1) -> (0, 0)>
#map1 = affine_map<(d0, d1) -> (0, 0, 0)>
module attributes {stable_mosaic.version = 14 : i64} {
  func.func @_agg_kernel(%arg0: i32, %arg1: i32, %arg2: memref<10240x128xf32, #tpu.memory_space<hbm>>, %arg3: memref<32x80x128xi32, #tpu.memory_space<hbm>>, %arg4: memref<5120x64xi32, #tpu.memory_space<hbm>>, %arg5: memref<20480x128xf32, #tpu.memory_space<hbm>>, %arg6: memref<80x128xi32, #tpu.memory_space<vmem>>, %arg7: memref<64xi32, #tpu.memory_space<vmem>>, %arg8: memref<64xi32, #tpu.memory_space<vmem>>, %arg9: memref<64xi32, #tpu.memory_space<vmem>>, %arg10: memref<64xi32, #tpu.memory_space<vmem>>, %arg11: memref<64x128xf32, #tpu.memory_space<vmem>>, %arg12: memref<64x128xf32, #tpu.memory_space<vmem>>, %arg13: memref<64x128xf32, #tpu.memory_space<vmem>>, %arg14: memref<64x128xf32, #tpu.memory_space<vmem>>, %arg15: memref<10240x128xf32, #tpu.memory_space<vmem_shared>>, %arg16: memref<!tpu.dma_semaphore, #tpu.memory_space<semaphore_mem>>, %arg17: memref<!tpu.dma_semaphore, #tpu.memory_space<semaphore_mem>>, %arg18: memref<!tpu.dma_semaphore, #tpu.memory_space<semaphore_mem>>, %arg19: memref<!tpu.dma_semaphore, #tpu.memory_space<semaphore_mem>>, %arg20: memref<!tpu.dma_semaphore, #tpu.memory_space<semaphore_mem>>, %arg21: memref<!tpu.dma_semaphore, #tpu.memory_space<semaphore_mem>>, %arg22: memref<!tpu.dma_semaphore, #tpu.memory_space<semaphore_mem>>, %arg23: memref<!tpu.dma_semaphore, #tpu.memory_space<semaphore_mem>>, %arg24: memref<!tpu.dma_semaphore, #tpu.memory_space<semaphore_mem>>, %arg25: memref<!tpu.dma_semaphore, #tpu.memory_space<semaphore_mem>>, %arg26: memref<!tpu.dma_semaphore, #tpu.memory_space<semaphore_mem>>, %arg27: memref<!tpu.dma_semaphore, #tpu.memory_space<semaphore_mem>>) attributes {dimension_semantics = [#tpu.dimension_semantics<core_parallel>, #tpu.dimension_semantics<subcore_parallel>], iteration_bounds = array<i64: 2, 16>, scalar_prefetch = 0 : i64, scratch_operands = 22 : i64, tpu.core_type = #tpu.core_type<sc_vector_subcore>, window_params = [{transform_indices = #map}, {transform_indices = #map1}, {transform_indices = #map}, {transform_indices = #map}]} {
    %mul3A = arith.constant 16 : i32
    %mul3A_0 = arith.muli %arg0, %mul3A : i32
    %add3A = arith.addi %mul3A_0, %arg1 : i32
    %scan3A = arith.constant 0 : i32
    %scan3A_1 = arith.constant 0 : i32
    %scan3A_2 = arith.constant 64 : i32
    %scan3A_3 = arith.addi %scan3A_1, %scan3A_2 : i32
    %scan3A_4 = arith.constant 1 : i32
    %scan3A_5 = scf.for %scan3A_77 = %scan3A_1 to %scan3A_3 step %scan3A_4 iter_args(%scan3A_78 = %scan3A) -> (i32)  : i32 {
      %broadcast_in_dim3A = arith.constant 0.000000e+00 : f32
      %broadcast_in_dim3A_79 = vector.broadcast %broadcast_in_dim3A : f32 to vector<16xf32>
      %swap3A = arith.index_cast %scan3A_77 : i32 to index
      %swap3A_80 = arith.constant 0 : index
      %swap3A_81 = tpu.vector_load %arg11[%swap3A, %swap3A_80] {strides = array<i32>} : memref<64x128xf32, #tpu.memory_space<vmem>>, vector<1x16xf32>,
      %swap3A_82 = vector.shape_cast %swap3A_81 : vector<1x16xf32> to vector<16xf32>
      %swap3A_83 = vector.shape_cast %broadcast_in_dim3A_79 : vector<16xf32> to vector<1x16xf32>
      tpu.vector_store %arg11[%swap3A, %swap3A_80], %swap3A_83 {strides = array<i32>} : memref<64x128xf32, #tpu.memory_space<vmem>>, vector<1x16xf32>,
      %broadcast_in_dim3A_84 = arith.constant 0.000000e+00 : f32
      %broadcast_in_dim3A_85 = vector.broadcast %broadcast_in_dim3A_84 : f32 to vector<16xf32>
      %swap3A_86 = arith.index_cast %scan3A_77 : i32 to index
      %swap3A_87 = arith.constant 16 : index
      %swap3A_88 = tpu.vector_load %arg11[%swap3A_86, %swap3A_87] {strides = array<i32>} : memref<64x128xf32, #tpu.memory_space<vmem>>, vector<1x16xf32>,
      %swap3A_89 = vector.shape_cast %swap3A_88 : vector<1x16xf32> to vector<16xf32>
      %swap3A_90 = vector.shape_cast %broadcast_in_dim3A_85 : vector<16xf32> to vector<1x16xf32>
      tpu.vector_store %arg11[%swap3A_86, %swap3A_87], %swap3A_90 {strides = array<i32>} : memref<64x128xf32, #tpu.memory_space<vmem>>, vector<1x16xf32>,
      %broadcast_in_dim3A_91 = arith.constant 0.000000e+00 : f32
      %broadcast_in_dim3A_92 = vector.broadcast %broadcast_in_dim3A_91 : f32 to vector<16xf32>
      %swap3A_93 = arith.index_cast %scan3A_77 : i32 to index
      %swap3A_94 = arith.constant 32 : index
      %swap3A_95 = tpu.vector_load %arg11[%swap3A_93, %swap3A_94] {strides = array<i32>} : memref<64x128xf32, #tpu.memory_space<vmem>>, vector<1x16xf32>,
      %swap3A_96 = vector.shape_cast %swap3A_95 : vector<1x16xf32> to vector<16xf32>
      %swap3A_97 = vector.shape_cast %broadcast_in_dim3A_92 : vector<16xf32> to vector<1x16xf32>
      tpu.vector_store %arg11[%swap3A_93, %swap3A_94], %swap3A_97 {strides = array<i32>} : memref<64x128xf32, #tpu.memory_space<vmem>>, vector<1x16xf32>,
      %broadcast_in_dim3A_98 = arith.constant 0.000000e+00 : f32
      %broadcast_in_dim3A_99 = vector.broadcast %broadcast_in_dim3A_98 : f32 to vector<16xf32>
      %swap3A_100 = arith.index_cast %scan3A_77 : i32 to index
      %swap3A_101 = arith.constant 48 : index
      %swap3A_102 = tpu.vector_load %arg11[%swap3A_100, %swap3A_101] {strides = array<i32>} : memref<64x128xf32, #tpu.memory_space<vmem>>, vector<1x16xf32>,
      %swap3A_103 = vector.shape_cast %swap3A_102 : vector<1x16xf32> to vector<16xf32>
      %swap3A_104 = vector.shape_cast %broadcast_in_dim3A_99 : vector<16xf32> to vector<1x16xf32>
      tpu.vector_store %arg11[%swap3A_100, %swap3A_101], %swap3A_104 {strides = array<i32>} : memref<64x128xf32, #tpu.memory_space<vmem>>, vector<1x16xf32>,
      %broadcast_in_dim3A_105 = arith.constant 0.000000e+00 : f32
      %broadcast_in_dim3A_106 = vector.broadcast %broadcast_in_dim3A_105 : f32 to vector<16xf32>
      %swap3A_107 = arith.index_cast %scan3A_77 : i32 to index
      %swap3A_108 = arith.constant 64 : index
      %swap3A_109 = tpu.vector_load %arg11[%swap3A_107, %swap3A_108] {strides = array<i32>} : memref<64x128xf32, #tpu.memory_space<vmem>>, vector<1x16xf32>,
      %swap3A_110 = vector.shape_cast %swap3A_109 : vector<1x16xf32> to vector<16xf32>
      %swap3A_111 = vector.shape_cast %broadcast_in_dim3A_106 : vector<16xf32> to vector<1x16xf32>
      tpu.vector_store %arg11[%swap3A_107, %swap3A_108], %swap3A_111 {strides = array<i32>} : memref<64x128xf32, #tpu.memory_space<vmem>>, vector<1x16xf32>,
      %broadcast_in_dim3A_112 = arith.constant 0.000000e+00 : f32
      %broadcast_in_dim3A_113 = vector.broadcast %broadcast_in_dim3A_112 : f32 to vector<16xf32>
      %swap3A_114 = arith.index_cast %scan3A_77 : i32 to index
      %swap3A_115 = arith.constant 80 : index
      %swap3A_116 = tpu.vector_load %arg11[%swap3A_114, %swap3A_115] {strides = array<i32>} : memref<64x128xf32, #tpu.memory_space<vmem>>, vector<1x16xf32>,
      %swap3A_117 = vector.shape_cast %swap3A_116 : vector<1x16xf32> to vector<16xf32>
      %swap3A_118 = vector.shape_cast %broadcast_in_dim3A_113 : vector<16xf32> to vector<1x16xf32>
      tpu.vector_store %arg11[%swap3A_114, %swap3A_115], %swap3A_118 {strides = array<i32>} : memref<64x128xf32, #tpu.memory_space<vmem>>, vector<1x16xf32>,
      %broadcast_in_dim3A_119 = arith.constant 0.000000e+00 : f32
      %broadcast_in_dim3A_120 = vector.broadcast %broadcast_in_dim3A_119 : f32 to vector<16xf32>
      %swap3A_121 = arith.index_cast %scan3A_77 : i32 to index
      %swap3A_122 = arith.constant 96 : index
      %swap3A_123 = tpu.vector_load %arg11[%swap3A_121, %swap3A_122] {strides = array<i32>} : memref<64x128xf32, #tpu.memory_space<vmem>>, vector<1x16xf32>,
      %swap3A_124 = vector.shape_cast %swap3A_123 : vector<1x16xf32> to vector<16xf32>
      %swap3A_125 = vector.shape_cast %broadcast_in_dim3A_120 : vector<16xf32> to vector<1x16xf32>
      tpu.vector_store %arg11[%swap3A_121, %swap3A_122], %swap3A_125 {strides = array<i32>} : memref<64x128xf32, #tpu.memory_space<vmem>>, vector<1x16xf32>,
      %broadcast_in_dim3A_126 = arith.constant 0.000000e+00 : f32
      %broadcast_in_dim3A_127 = vector.broadcast %broadcast_in_dim3A_126 : f32 to vector<16xf32>
      %swap3A_128 = arith.index_cast %scan3A_77 : i32 to index
      %swap3A_129 = arith.constant 112 : index
      %swap3A_130 = tpu.vector_load %arg11[%swap3A_128, %swap3A_129] {strides = array<i32>} : memref<64x128xf32, #tpu.memory_space<vmem>>, vector<1x16xf32>,
      %swap3A_131 = vector.shape_cast %swap3A_130 : vector<1x16xf32> to vector<16xf32>
      %swap3A_132 = vector.shape_cast %broadcast_in_dim3A_127 : vector<16xf32> to vector<1x16xf32>
      tpu.vector_store %arg11[%swap3A_128, %swap3A_129], %swap3A_132 {strides = array<i32>} : memref<64x128xf32, #tpu.memory_space<vmem>>, vector<1x16xf32>,
      %scan3A_133 = arith.constant 0 : i32
      scf.yield %scan3A_133 : i32
    }
    %scan3A_6 = arith.constant 64 : i32
    %mul3A_7 = arith.constant 640 : i32
    %mul3A_8 = arith.muli %arg1, %mul3A_7 : i32
    %add3A_9 = arith.constant 0 : i32
    %add3A_10 = arith.addi %mul3A_8, %add3A_9 : i32
    "tpu.region"() ({
      %run_scoped3A = tpu.sem_alloc : memref<!tpu.dma_semaphore, #tpu.memory_space<semaphore_mem>>
      %dma_start3A_77 = arith.constant 0 : i32
      %dma_start3A_78 = tpu.memref_slice %arg15[%add3A_10, %dma_start3A_77] : memref<10240x128xf32, #tpu.memory_space<vmem_shared>> -> memref<64x128xf32, #tpu.memory_space<vmem_shared>>
      %dma_start3A_79 = arith.constant 0 : i32
      %dma_start3A_80 = tpu.memref_slice %arg15[%add3A_10, %dma_start3A_79] : memref<10240x128xf32, #tpu.memory_space<vmem_shared>> -> memref<64x128xf32, #tpu.memory_space<vmem_shared>>
      tpu.enqueue_dma source(%arg11 : memref<64x128xf32, #tpu.memory_space<vmem>>) target(%dma_start3A_80 : memref<64x128xf32, #tpu.memory_space<vmem_shared>>) target_semaphore(%run_scoped3A : memref<!tpu.dma_semaphore, #tpu.memory_space<semaphore_mem>>)
      %dma_wait3A = arith.constant 0 : i32
      %dma_wait3A_81 = tpu.memref_slice %arg15[%add3A_10, %dma_wait3A] : memref<10240x128xf32, #tpu.memory_space<vmem_shared>> -> memref<64x128xf32, #tpu.memory_space<vmem_shared>>
      %dma_wait3A_82 = arith.constant 0 : i32
      %dma_wait3A_83 = tpu.memref_slice %arg15[%add3A_10, %dma_wait3A_82] : memref<10240x128xf32, #tpu.memory_space<vmem_shared>> -> memref<64x128xf32, #tpu.memory_space<vmem_shared>>
      tpu.wait_dma2 semaphore(%run_scoped3A : memref<!tpu.dma_semaphore, #tpu.memory_space<semaphore_mem>>) src(%arg11 : memref<64x128xf32, #tpu.memory_space<vmem>>) dst(%dma_wait3A_83 : memref<64x128xf32, #tpu.memory_space<vmem_shared>>)
      tpu.yield
    }) : () -> ()
    %add3A_11 = arith.constant 64 : i32
    %add3A_12 = arith.addi %mul3A_8, %add3A_11 : i32
    "tpu.region"() ({
      %run_scoped3A = tpu.sem_alloc : memref<!tpu.dma_semaphore, #tpu.memory_space<semaphore_mem>>
      %dma_start3A_77 = arith.constant 0 : i32
      %dma_start3A_78 = tpu.memref_slice %arg15[%add3A_12, %dma_start3A_77] : memref<10240x128xf32, #tpu.memory_space<vmem_shared>> -> memref<64x128xf32, #tpu.memory_space<vmem_shared>>
      %dma_start3A_79 = arith.constant 0 : i32
      %dma_start3A_80 = tpu.memref_slice %arg15[%add3A_12, %dma_start3A_79] : memref<10240x128xf32, #tpu.memory_space<vmem_shared>> -> memref<64x128xf32, #tpu.memory_space<vmem_shared>>
      tpu.enqueue_dma source(%arg11 : memref<64x128xf32, #tpu.memory_space<vmem>>) target(%dma_start3A_80 : memref<64x128xf32, #tpu.memory_space<vmem_shared>>) target_semaphore(%run_scoped3A : memref<!tpu.dma_semaphore, #tpu.memory_space<semaphore_mem>>)
      %dma_wait3A = arith.constant 0 : i32
      %dma_wait3A_81 = tpu.memref_slice %arg15[%add3A_12, %dma_wait3A] : memref<10240x128xf32, #tpu.memory_space<vmem_shared>> -> memref<64x128xf32, #tpu.memory_space<vmem_shared>>
      %dma_wait3A_82 = arith.constant 0 : i32
      %dma_wait3A_83 = tpu.memref_slice %arg15[%add3A_12, %dma_wait3A_82] : memref<10240x128xf32, #tpu.memory_space<vmem_shared>> -> memref<64x128xf32, #tpu.memory_space<vmem_shared>>
      tpu.wait_dma2 semaphore(%run_scoped3A : memref<!tpu.dma_semaphore, #tpu.memory_space<semaphore_mem>>) src(%arg11 : memref<64x128xf32, #tpu.memory_space<vmem>>) dst(%dma_wait3A_83 : memref<64x128xf32, #tpu.memory_space<vmem_shared>>)
      tpu.yield
    }) : () -> ()
    %add3A_13 = arith.constant 128 : i32
    %add3A_14 = arith.addi %mul3A_8, %add3A_13 : i32
    "tpu.region"() ({
      %run_scoped3A = tpu.sem_alloc : memref<!tpu.dma_semaphore, #tpu.memory_space<semaphore_mem>>
      %dma_start3A_77 = arith.constant 0 : i32
      %dma_start3A_78 = tpu.memref_slice %arg15[%add3A_14, %dma_start3A_77] : memref<10240x128xf32, #tpu.memory_space<vmem_shared>> -> memref<64x128xf32, #tpu.memory_space<vmem_shared>>
      %dma_start3A_79 = arith.constant 0 : i32
      %dma_start3A_80 = tpu.memref_slice %arg15[%add3A_14, %dma_start3A_79] : memref<10240x128xf32, #tpu.memory_space<vmem_shared>> -> memref<64x128xf32, #tpu.memory_space<vmem_shared>>
      tpu.enqueue_dma source(%arg11 : memref<64x128xf32, #tpu.memory_space<vmem>>) target(%dma_start3A_80 : memref<64x128xf32, #tpu.memory_space<vmem_shared>>) target_semaphore(%run_scoped3A : memref<!tpu.dma_semaphore, #tpu.memory_space<semaphore_mem>>)
      %dma_wait3A = arith.constant 0 : i32
      %dma_wait3A_81 = tpu.memref_slice %arg15[%add3A_14, %dma_wait3A] : memref<10240x128xf32, #tpu.memory_space<vmem_shared>> -> memref<64x128xf32, #tpu.memory_space<vmem_shared>>
      %dma_wait3A_82 = arith.constant 0 : i32
      %dma_wait3A_83 = tpu.memref_slice %arg15[%add3A_14, %dma_wait3A_82] : memref<10240x128xf32, #tpu.memory_space<vmem_shared>> -> memref<64x128xf32, #tpu.memory_space<vmem_shared>>
      tpu.wait_dma2 semaphore(%run_scoped3A : memref<!tpu.dma_semaphore, #tpu.memory_space<semaphore_mem>>) src(%arg11 : memref<64x128xf32, #tpu.memory_space<vmem>>) dst(%dma_wait3A_83 : memref<64x128xf32, #tpu.memory_space<vmem_shared>>)
      tpu.yield
    }) : () -> ()
    %add3A_15 = arith.constant 192 : i32
    %add3A_16 = arith.addi %mul3A_8, %add3A_15 : i32
    "tpu.region"() ({
      %run_scoped3A = tpu.sem_alloc : memref<!tpu.dma_semaphore, #tpu.memory_space<semaphore_mem>>
      %dma_start3A_77 = arith.constant 0 : i32
      %dma_start3A_78 = tpu.memref_slice %arg15[%add3A_16, %dma_start3A_77] : memref<10240x128xf32, #tpu.memory_space<vmem_shared>> -> memref<64x128xf32, #tpu.memory_space<vmem_shared>>
      %dma_start3A_79 = arith.constant 0 : i32
      %dma_start3A_80 = tpu.memref_slice %arg15[%add3A_16, %dma_start3A_79] : memref<10240x128xf32, #tpu.memory_space<vmem_shared>> -> memref<64x128xf32, #tpu.memory_space<vmem_shared>>
      tpu.enqueue_dma source(%arg11 : memref<64x128xf32, #tpu.memory_space<vmem>>) target(%dma_start3A_80 : memref<64x128xf32, #tpu.memory_space<vmem_shared>>) target_semaphore(%run_scoped3A : memref<!tpu.dma_semaphore, #tpu.memory_space<semaphore_mem>>)
      %dma_wait3A = arith.constant 0 : i32
      %dma_wait3A_81 = tpu.memref_slice %arg15[%add3A_16, %dma_wait3A] : memref<10240x128xf32, #tpu.memory_space<vmem_shared>> -> memref<64x128xf32, #tpu.memory_space<vmem_shared>>
      %dma_wait3A_82 = arith.constant 0 : i32
      %dma_wait3A_83 = tpu.memref_slice %arg15[%add3A_16, %dma_wait3A_82] : memref<10240x128xf32, #tpu.memory_space<vmem_shared>> -> memref<64x128xf32, #tpu.memory_space<vmem_shared>>
      tpu.wait_dma2 semaphore(%run_scoped3A : memref<!tpu.dma_semaphore, #tpu.memory_space<semaphore_mem>>) src(%arg11 : memref<64x128xf32, #tpu.memory_space<vmem>>) dst(%dma_wait3A_83 : memref<64x128xf32, #tpu.memory_space<vmem_shared>>)
      tpu.yield
    }) : () -> ()
    %add3A_17 = arith.constant 256 : i32
    %add3A_18 = arith.addi %mul3A_8, %add3A_17 : i32
    "tpu.region"() ({
      %run_scoped3A = tpu.sem_alloc : memref<!tpu.dma_semaphore, #tpu.memory_space<semaphore_mem>>
      %dma_start3A_77 = arith.constant 0 : i32
      %dma_start3A_78 = tpu.memref_slice %arg15[%add3A_18, %dma_start3A_77] : memref<10240x128xf32, #tpu.memory_space<vmem_shared>> -> memref<64x128xf32, #tpu.memory_space<vmem_shared>>
      %dma_start3A_79 = arith.constant 0 : i32
      %dma_start3A_80 = tpu.memref_slice %arg15[%add3A_18, %dma_start3A_79] : memref<10240x128xf32, #tpu.memory_space<vmem_shared>> -> memref<64x128xf32, #tpu.memory_space<vmem_shared>>
      tpu.enqueue_dma source(%arg11 : memref<64x128xf32, #tpu.memory_space<vmem>>) target(%dma_start3A_80 : memref<64x128xf32, #tpu.memory_space<vmem_shared>>) target_semaphore(%run_scoped3A : memref<!tpu.dma_semaphore, #tpu.memory_space<semaphore_mem>>)
      %dma_wait3A = arith.constant 0 : i32
      %dma_wait3A_81 = tpu.memref_slice %arg15[%add3A_18, %dma_wait3A] : memref<10240x128xf32, #tpu.memory_space<vmem_shared>> -> memref<64x128xf32, #tpu.memory_space<vmem_shared>>
      %dma_wait3A_82 = arith.constant 0 : i32
      %dma_wait3A_83 = tpu.memref_slice %arg15[%add3A_18, %dma_wait3A_82] : memref<10240x128xf32, #tpu.memory_space<vmem_shared>> -> memref<64x128xf32, #tpu.memory_space<vmem_shared>>
      tpu.wait_dma2 semaphore(%run_scoped3A : memref<!tpu.dma_semaphore, #tpu.memory_space<semaphore_mem>>) src(%arg11 : memref<64x128xf32, #tpu.memory_space<vmem>>) dst(%dma_wait3A_83 : memref<64x128xf32, #tpu.memory_space<vmem_shared>>)
      tpu.yield
    }) : () -> ()
    %add3A_19 = arith.constant 320 : i32
    %add3A_20 = arith.addi %mul3A_8, %add3A_19 : i32
    "tpu.region"() ({
      %run_scoped3A = tpu.sem_alloc : memref<!tpu.dma_semaphore, #tpu.memory_space<semaphore_mem>>
      %dma_start3A_77 = arith.constant 0 : i32
      %dma_start3A_78 = tpu.memref_slice %arg15[%add3A_20, %dma_start3A_77] : memref<10240x128xf32, #tpu.memory_space<vmem_shared>> -> memref<64x128xf32, #tpu.memory_space<vmem_shared>>
      %dma_start3A_79 = arith.constant 0 : i32
      %dma_start3A_80 = tpu.memref_slice %arg15[%add3A_20, %dma_start3A_79] : memref<10240x128xf32, #tpu.memory_space<vmem_shared>> -> memref<64x128xf32, #tpu.memory_space<vmem_shared>>
      tpu.enqueue_dma source(%arg11 : memref<64x128xf32, #tpu.memory_space<vmem>>) target(%dma_start3A_80 : memref<64x128xf32, #tpu.memory_space<vmem_shared>>) target_semaphore(%run_scoped3A : memref<!tpu.dma_semaphore, #tpu.memory_space<semaphore_mem>>)
      %dma_wait3A = arith.constant 0 : i32
      %dma_wait3A_81 = tpu.memref_slice %arg15[%add3A_20, %dma_wait3A] : memref<10240x128xf32, #tpu.memory_space<vmem_shared>> -> memref<64x128xf32, #tpu.memory_space<vmem_shared>>
      %dma_wait3A_82 = arith.constant 0 : i32
      %dma_wait3A_83 = tpu.memref_slice %arg15[%add3A_20, %dma_wait3A_82] : memref<10240x128xf32, #tpu.memory_space<vmem_shared>> -> memref<64x128xf32, #tpu.memory_space<vmem_shared>>
      tpu.wait_dma2 semaphore(%run_scoped3A : memref<!tpu.dma_semaphore, #tpu.memory_space<semaphore_mem>>) src(%arg11 : memref<64x128xf32, #tpu.memory_space<vmem>>) dst(%dma_wait3A_83 : memref<64x128xf32, #tpu.memory_space<vmem_shared>>)
      tpu.yield
    }) : () -> ()
    %add3A_21 = arith.constant 384 : i32
    %add3A_22 = arith.addi %mul3A_8, %add3A_21 : i32
    "tpu.region"() ({
      %run_scoped3A = tpu.sem_alloc : memref<!tpu.dma_semaphore, #tpu.memory_space<semaphore_mem>>
      %dma_start3A_77 = arith.constant 0 : i32
      %dma_start3A_78 = tpu.memref_slice %arg15[%add3A_22, %dma_start3A_77] : memref<10240x128xf32, #tpu.memory_space<vmem_shared>> -> memref<64x128xf32, #tpu.memory_space<vmem_shared>>
      %dma_start3A_79 = arith.constant 0 : i32
      %dma_start3A_80 = tpu.memref_slice %arg15[%add3A_22, %dma_start3A_79] : memref<10240x128xf32, #tpu.memory_space<vmem_shared>> -> memref<64x128xf32, #tpu.memory_space<vmem_shared>>
      tpu.enqueue_dma source(%arg11 : memref<64x128xf32, #tpu.memory_space<vmem>>) target(%dma_start3A_80 : memref<64x128xf32, #tpu.memory_space<vmem_shared>>) target_semaphore(%run_scoped3A : memref<!tpu.dma_semaphore, #tpu.memory_space<semaphore_mem>>)
      %dma_wait3A = arith.constant 0 : i32
      %dma_wait3A_81 = tpu.memref_slice %arg15[%add3A_22, %dma_wait3A] : memref<10240x128xf32, #tpu.memory_space<vmem_shared>> -> memref<64x128xf32, #tpu.memory_space<vmem_shared>>
      %dma_wait3A_82 = arith.constant 0 : i32
      %dma_wait3A_83 = tpu.memref_slice %arg15[%add3A_22, %dma_wait3A_82] : memref<10240x128xf32, #tpu.memory_space<vmem_shared>> -> memref<64x128xf32, #tpu.memory_space<vmem_shared>>
      tpu.wait_dma2 semaphore(%run_scoped3A : memref<!tpu.dma_semaphore, #tpu.memory_space<semaphore_mem>>) src(%arg11 : memref<64x128xf32, #tpu.memory_space<vmem>>) dst(%dma_wait3A_83 : memref<64x128xf32, #tpu.memory_space<vmem_shared>>)
      tpu.yield
    }) : () -> ()
    %add3A_23 = arith.constant 448 : i32
    %add3A_24 = arith.addi %mul3A_8, %add3A_23 : i32
    "tpu.region"() ({
      %run_scoped3A = tpu.sem_alloc : memref<!tpu.dma_semaphore, #tpu.memory_space<semaphore_mem>>
      %dma_start3A_77 = arith.constant 0 : i32
      %dma_start3A_78 = tpu.memref_slice %arg15[%add3A_24, %dma_start3A_77] : memref<10240x128xf32, #tpu.memory_space<vmem_shared>> -> memref<64x128xf32, #tpu.memory_space<vmem_shared>>
      %dma_start3A_79 = arith.constant 0 : i32
      %dma_start3A_80 = tpu.memref_slice %arg15[%add3A_24, %dma_start3A_79] : memref<10240x128xf32, #tpu.memory_space<vmem_shared>> -> memref<64x128xf32, #tpu.memory_space<vmem_shared>>
      tpu.enqueue_dma source(%arg11 : memref<64x128xf32, #tpu.memory_space<vmem>>) target(%dma_start3A_80 : memref<64x128xf32, #tpu.memory_space<vmem_shared>>) target_semaphore(%run_scoped3A : memref<!tpu.dma_semaphore, #tpu.memory_space<semaphore_mem>>)
      %dma_wait3A = arith.constant 0 : i32
      %dma_wait3A_81 = tpu.memref_slice %arg15[%add3A_24, %dma_wait3A] : memref<10240x128xf32, #tpu.memory_space<vmem_shared>> -> memref<64x128xf32, #tpu.memory_space<vmem_shared>>
      %dma_wait3A_82 = arith.constant 0 : i32
      %dma_wait3A_83 = tpu.memref_slice %arg15[%add3A_24, %dma_wait3A_82] : memref<10240x128xf32, #tpu.memory_space<vmem_shared>> -> memref<64x128xf32, #tpu.memory_space<vmem_shared>>
      tpu.wait_dma2 semaphore(%run_scoped3A : memref<!tpu.dma_semaphore, #tpu.memory_space<semaphore_mem>>) src(%arg11 : memref<64x128xf32, #tpu.memory_space<vmem>>) dst(%dma_wait3A_83 : memref<64x128xf32, #tpu.memory_space<vmem_shared>>)
      tpu.yield
    }) : () -> ()
    %add3A_25 = arith.constant 512 : i32
    %add3A_26 = arith.addi %mul3A_8, %add3A_25 : i32
    "tpu.region"() ({
      %run_scoped3A = tpu.sem_alloc : memref<!tpu.dma_semaphore, #tpu.memory_space<semaphore_mem>>
      %dma_start3A_77 = arith.constant 0 : i32
      %dma_start3A_78 = tpu.memref_slice %arg15[%add3A_26, %dma_start3A_77] : memref<10240x128xf32, #tpu.memory_space<vmem_shared>> -> memref<64x128xf32, #tpu.memory_space<vmem_shared>>
      %dma_start3A_79 = arith.constant 0 : i32
      %dma_start3A_80 = tpu.memref_slice %arg15[%add3A_26, %dma_start3A_79] : memref<10240x128xf32, #tpu.memory_space<vmem_shared>> -> memref<64x128xf32, #tpu.memory_space<vmem_shared>>
      tpu.enqueue_dma source(%arg11 : memref<64x128xf32, #tpu.memory_space<vmem>>) target(%dma_start3A_80 : memref<64x128xf32, #tpu.memory_space<vmem_shared>>) target_semaphore(%run_scoped3A : memref<!tpu.dma_semaphore, #tpu.memory_space<semaphore_mem>>)
      %dma_wait3A = arith.constant 0 : i32
      %dma_wait3A_81 = tpu.memref_slice %arg15[%add3A_26, %dma_wait3A] : memref<10240x128xf32, #tpu.memory_space<vmem_shared>> -> memref<64x128xf32, #tpu.memory_space<vmem_shared>>
      %dma_wait3A_82 = arith.constant 0 : i32
      %dma_wait3A_83 = tpu.memref_slice %arg15[%add3A_26, %dma_wait3A_82] : memref<10240x128xf32, #tpu.memory_space<vmem_shared>> -> memref<64x128xf32, #tpu.memory_space<vmem_shared>>
      tpu.wait_dma2 semaphore(%run_scoped3A : memref<!tpu.dma_semaphore, #tpu.memory_space<semaphore_mem>>) src(%arg11 : memref<64x128xf32, #tpu.memory_space<vmem>>) dst(%dma_wait3A_83 : memref<64x128xf32, #tpu.memory_space<vmem_shared>>)
      tpu.yield
    }) : () -> ()
    %add3A_27 = arith.constant 576 : i32
    %add3A_28 = arith.addi %mul3A_8, %add3A_27 : i32
    "tpu.region"() ({
      %run_scoped3A = tpu.sem_alloc : memref<!tpu.dma_semaphore, #tpu.memory_space<semaphore_mem>>
      %dma_start3A_77 = arith.constant 0 : i32
      %dma_start3A_78 = tpu.memref_slice %arg15[%add3A_28, %dma_start3A_77] : memref<10240x128xf32, #tpu.memory_space<vmem_shared>> -> memref<64x128xf32, #tpu.memory_space<vmem_shared>>
      %dma_start3A_79 = arith.constant 0 : i32
      %dma_start3A_80 = tpu.memref_slice %arg15[%add3A_28, %dma_start3A_79] : memref<10240x128xf32, #tpu.memory_space<vmem_shared>> -> memref<64x128xf32, #tpu.memory_space<vmem_shared>>
      tpu.enqueue_dma source(%arg11 : memref<64x128xf32, #tpu.memory_space<vmem>>) target(%dma_start3A_80 : memref<64x128xf32, #tpu.memory_space<vmem_shared>>) target_semaphore(%run_scoped3A : memref<!tpu.dma_semaphore, #tpu.memory_space<semaphore_mem>>)
      %dma_wait3A = arith.constant 0 : i32
      %dma_wait3A_81 = tpu.memref_slice %arg15[%add3A_28, %dma_wait3A] : memref<10240x128xf32, #tpu.memory_space<vmem_shared>> -> memref<64x128xf32, #tpu.memory_space<vmem_shared>>
      %dma_wait3A_82 = arith.constant 0 : i32
      %dma_wait3A_83 = tpu.memref_slice %arg15[%add3A_28, %dma_wait3A_82] : memref<10240x128xf32, #tpu.memory_space<vmem_shared>> -> memref<64x128xf32, #tpu.memory_space<vmem_shared>>
      tpu.wait_dma2 semaphore(%run_scoped3A : memref<!tpu.dma_semaphore, #tpu.memory_space<semaphore_mem>>) src(%arg11 : memref<64x128xf32, #tpu.memory_space<vmem>>) dst(%dma_wait3A_83 : memref<64x128xf32, #tpu.memory_space<vmem_shared>>)
      tpu.yield
    }) : () -> ()
    %barrier3A = arith.constant 0 : index
    tpu.barrier barrier_id(%barrier3A)
    "tpu.region"() ({
      %run_scoped3A = tpu.sem_alloc : memref<!tpu.dma_semaphore, #tpu.memory_space<semaphore_mem>>
      %dma_start3A_77 = arith.constant 0 : i32
      %dma_start3A_78 = arith.constant 0 : i32
      %dma_start3A_79 = tpu.memref_slice %arg3[%add3A, %dma_start3A_77, %dma_start3A_78] : memref<32x80x128xi32, #tpu.memory_space<hbm>> -> memref<1x80x128xi32, #tpu.memory_space<hbm>>
      %dma_start3A_80 = tpu.memref_squeeze %dma_start3A_79 : memref<1x80x128xi32, #tpu.memory_space<hbm>> -> memref<80x128xi32, #tpu.memory_space<hbm>>
      %dma_start3A_81 = arith.constant 0 : i32
      %dma_start3A_82 = arith.constant 0 : i32
      %dma_start3A_83 = tpu.memref_slice %arg3[%add3A, %dma_start3A_81, %dma_start3A_82] : memref<32x80x128xi32, #tpu.memory_space<hbm>> -> memref<1x80x128xi32, #tpu.memory_space<hbm>>
      %dma_start3A_84 = tpu.memref_squeeze %dma_start3A_83 : memref<1x80x128xi32, #tpu.memory_space<hbm>> -> memref<80x128xi32, #tpu.memory_space<hbm>>
      tpu.enqueue_dma source(%dma_start3A_84 : memref<80x128xi32, #tpu.memory_space<hbm>>) target(%arg6 : memref<80x128xi32, #tpu.memory_space<vmem>>) target_semaphore(%run_scoped3A : memref<!tpu.dma_semaphore, #tpu.memory_space<semaphore_mem>>)
      %dma_wait3A = arith.constant 0 : i32
      %dma_wait3A_85 = arith.constant 0 : i32
      %dma_wait3A_86 = tpu.memref_slice %arg3[%add3A, %dma_wait3A, %dma_wait3A_85] : memref<32x80x128xi32, #tpu.memory_space<hbm>> -> memref<1x80x128xi32, #tpu.memory_space<hbm>>
      %dma_wait3A_87 = tpu.memref_squeeze %dma_wait3A_86 : memref<1x80x128xi32, #tpu.memory_space<hbm>> -> memref<80x128xi32, #tpu.memory_space<hbm>>
      %dma_wait3A_88 = arith.constant 0 : i32
      %dma_wait3A_89 = arith.constant 0 : i32
      %dma_wait3A_90 = tpu.memref_slice %arg3[%add3A, %dma_wait3A_88, %dma_wait3A_89] : memref<32x80x128xi32, #tpu.memory_space<hbm>> -> memref<1x80x128xi32, #tpu.memory_space<hbm>>
      %dma_wait3A_91 = tpu.memref_squeeze %dma_wait3A_90 : memref<1x80x128xi32, #tpu.memory_space<hbm>> -> memref<80x128xi32, #tpu.memory_space<hbm>>
      tpu.wait_dma2 semaphore(%run_scoped3A : memref<!tpu.dma_semaphore, #tpu.memory_space<semaphore_mem>>) src(%dma_wait3A_91 : memref<80x128xi32, #tpu.memory_space<hbm>>) dst(%arg6 : memref<80x128xi32, #tpu.memory_space<vmem>>)
      tpu.yield
    }) : () -> ()
    %dma_start3A = arith.constant 0 : i32
    %dma_start3A_29 = arith.constant 0 : i32
    %dma_start3A_30 = tpu.memref_slice %arg6[%dma_start3A, %dma_start3A_29] : memref<80x128xi32, #tpu.memory_space<vmem>> -> memref<1x64xi32, #tpu.memory_space<vmem>>
    %dma_start3A_31 = tpu.memref_squeeze %dma_start3A_30 : memref<1x64xi32, #tpu.memory_space<vmem>> -> memref<64xi32, #tpu.memory_space<vmem>>
    %dma_start3A_32 = arith.constant 0 : i32
    %dma_start3A_33 = arith.constant 0 : i32
    %dma_start3A_34 = tpu.memref_slice %arg2[%dma_start3A_32, %dma_start3A_33] : memref<10240x128xf32, #tpu.memory_space<hbm>> -> memref<10240x128xf32, #tpu.memory_space<hbm>>
    tpu.enqueue_indirect_dma source(%dma_start3A_34 : memref<10240x128xf32, #tpu.memory_space<hbm>>) target(%arg11 : memref<64x128xf32, #tpu.memory_space<vmem>>) offsets(%dma_start3A_31 : memref<64xi32, #tpu.memory_space<vmem>>) semaphore(%arg16 : memref<!tpu.dma_semaphore, #tpu.memory_space<semaphore_mem>>)
    %mul3A_35 = arith.constant 160 : i32
    %mul3A_36 = arith.muli %add3A, %mul3A_35 : i32
    %add3A_37 = arith.constant 0 : i32
    %add3A_38 = arith.addi %mul3A_36, %add3A_37 : i32
    %dma_start3A_39 = arith.constant 0 : i32
    %dma_start3A_40 = tpu.memref_slice %arg4[%add3A_38, %dma_start3A_39] : memref<5120x64xi32, #tpu.memory_space<hbm>> -> memref<1x64xi32, #tpu.memory_space<hbm>>
    %dma_start3A_41 = tpu.memref_squeeze %dma_start3A_40 : memref<1x64xi32, #tpu.memory_space<hbm>> -> memref<64xi32, #tpu.memory_space<hbm>>
    %dma_start3A_42 = arith.constant 0 : i32
    %dma_start3A_43 = tpu.memref_slice %arg4[%add3A_38, %dma_start3A_42] : memref<5120x64xi32, #tpu.memory_space<hbm>> -> memref<1x64xi32, #tpu.memory_space<hbm>>
    %dma_start3A_44 = tpu.memref_squeeze %dma_start3A_43 : memref<1x64xi32, #tpu.memory_space<hbm>> -> memref<64xi32, #tpu.memory_space<hbm>>
    tpu.enqueue_dma source(%dma_start3A_44 : memref<64xi32, #tpu.memory_space<hbm>>) target(%arg7 : memref<64xi32, #tpu.memory_space<vmem>>) target_semaphore(%arg20 : memref<!tpu.dma_semaphore, #tpu.memory_space<semaphore_mem>>)
    %dma_start3A_45 = arith.constant 0 : i32
    %dma_start3A_46 = arith.constant 64 : i32
    %dma_start3A_47 = tpu.memref_slice %arg6[%dma_start3A_45, %dma_start3A_46] : memref<80x128xi32, #tpu.memory_space<vmem>> -> memref<1x64xi32, #tpu.memory_space<vmem>>
    %dma_start3A_48 = tpu.memref_squeeze %dma_start3A_47 : memref<1x64xi32, #tpu.memory_space<vmem>> -> memref<64xi32, #tpu.memory_space<vmem>>
    %dma_start3A_49 = arith.constant 0 : i32
    %dma_start3A_50 = arith.constant 0 : i32
    %dma_start3A_51 = tpu.memref_slice %arg2[%dma_start3A_49, %dma_start3A_50] : memref<10240x128xf32, #tpu.memory_space<hbm>> -> memref<10240x128xf32, #tpu.memory_space<hbm>>
    tpu.enqueue_indirect_dma source(%dma_start3A_51 : memref<10240x128xf32, #tpu.memory_space<hbm>>) target(%arg12 : memref<64x128xf32, #tpu.memory_space<vmem>>) offsets(%dma_start3A_48 : memref<64xi32, #tpu.memory_space<vmem>>) semaphore(%arg17 : memref<!tpu.dma_semaphore, #tpu.memory_space<semaphore_mem>>)
    %mul3A_52 = arith.constant 160 : i32
    %mul3A_53 = arith.muli %add3A, %mul3A_52 : i32
    %add3A_54 = arith.constant 1 : i32
    %add3A_55 = arith.addi %mul3A_53, %add3A_54 : i32
    %dma_start3A_56 = arith.constant 0 : i32
    %dma_start3A_57 = tpu.memref_slice %arg4[%add3A_55, %dma_start3A_56] : memref<5120x64xi32, #tpu.memory_space<hbm>> -> memref<1x64xi32, #tpu.memory_space<hbm>>
    %dma_start3A_58 = tpu.memref_squeeze %dma_start3A_57 : memref<1x64xi32, #tpu.memory_space<hbm>> -> memref<64xi32, #tpu.memory_space<hbm>>
    %dma_start3A_59 = arith.constant 0 : i32
    %dma_start3A_60 = tpu.memref_slice %arg4[%add3A_55, %dma_start3A_59] : memref<5120x64xi32, #tpu.memory_space<hbm>> -> memref<1x64xi32, #tpu.memory_space<hbm>>
    %dma_start3A_61 = tpu.memref_squeeze %dma_start3A_60 : memref<1x64xi32, #tpu.memory_space<hbm>> -> memref<64xi32, #tpu.memory_space<hbm>>
    tpu.enqueue_dma source(%dma_start3A_61 : memref<64xi32, #tpu.memory_space<hbm>>) target(%arg8 : memref<64xi32, #tpu.memory_space<vmem>>) target_semaphore(%arg21 : memref<!tpu.dma_semaphore, #tpu.memory_space<semaphore_mem>>)
    %scan3A_62 = arith.constant 0 : i32
    %scan3A_63 = arith.constant 0 : i32
    %scan3A_64 = arith.constant 40 : i32
    %scan3A_65 = arith.addi %scan3A_63, %scan3A_64 : i32
    %scan3A_66 = arith.constant 1 : i32
    %scan3A_67 = scf.for %scan3A_77 = %scan3A_63 to %scan3A_65 step %scan3A_66 iter_args(%scan3A_78 = %scan3A_62) -> (i32)  : i32 {
      %mul3A_79 = arith.constant 4 : i32
      %mul3A_80 = arith.muli %scan3A_77, %mul3A_79 : i32
      %add3A_81 = arith.constant 0 : i32
      %add3A_82 = arith.addi %mul3A_80, %add3A_81 : i32
      %mul3A_83 = arith.constant 2 : i32
      %mul3A_84 = arith.muli %mul3A_83, %scan3A_77 : i32
      %add3A_85 = arith.constant 0 : i32
      %add3A_86 = arith.addi %mul3A_84, %add3A_85 : i32
      %dma_wait3A = arith.constant 0 : i32
      %dma_wait3A_87 = tpu.memref_slice %arg6[%add3A_86, %dma_wait3A] : memref<80x128xi32, #tpu.memory_space<vmem>> -> memref<1x64xi32, #tpu.memory_space<vmem>>
      %dma_wait3A_88 = tpu.memref_squeeze %dma_wait3A_87 : memref<1x64xi32, #tpu.memory_space<vmem>> -> memref<64xi32, #tpu.memory_space<vmem>>
      %dma_wait3A_89 = arith.constant 0 : i32
      %dma_wait3A_90 = arith.constant 0 : i32
      %dma_wait3A_91 = tpu.memref_slice %arg2[%dma_wait3A_89, %dma_wait3A_90] : memref<10240x128xf32, #tpu.memory_space<hbm>> -> memref<10240x128xf32, #tpu.memory_space<hbm>>
      tpu.wait_indirect_dma semaphore(%arg16 : memref<!tpu.dma_semaphore, #tpu.memory_space<semaphore_mem>>) src(%dma_wait3A_91 : memref<10240x128xf32, #tpu.memory_space<hbm>>) dst(%arg11 : memref<64x128xf32, #tpu.memory_space<vmem>>)
      %dma_wait3A_92 = arith.constant 0 : i32
      %dma_wait3A_93 = arith.constant 0 : i32
      %dma_wait3A_94 = tpu.memref_slice %arg4[%dma_wait3A_92, %dma_wait3A_93] : memref<5120x64xi32, #tpu.memory_space<hbm>> -> memref<1x64xi32, #tpu.memory_space<hbm>>
      %dma_wait3A_95 = tpu.memref_squeeze %dma_wait3A_94 : memref<1x64xi32, #tpu.memory_space<hbm>> -> memref<64xi32, #tpu.memory_space<hbm>>
      %dma_wait3A_96 = arith.constant 0 : i32
      %dma_wait3A_97 = tpu.memref_slice %arg4[%dma_wait3A_92, %dma_wait3A_96] : memref<5120x64xi32, #tpu.memory_space<hbm>> -> memref<1x64xi32, #tpu.memory_space<hbm>>
      %dma_wait3A_98 = tpu.memref_squeeze %dma_wait3A_97 : memref<1x64xi32, #tpu.memory_space<hbm>> -> memref<64xi32, #tpu.memory_space<hbm>>
      tpu.wait_dma2 semaphore(%arg20 : memref<!tpu.dma_semaphore, #tpu.memory_space<semaphore_mem>>) src(%dma_wait3A_98 : memref<64xi32, #tpu.memory_space<hbm>>) dst(%arg7 : memref<64xi32, #tpu.memory_space<vmem>>)
      "tpu.region"() ({
        %run_scoped3A = tpu.sem_alloc : memref<!tpu.dma_semaphore, #tpu.memory_space<semaphore_mem>>
        %dma_start3A_188 = arith.constant 0 : i32
        %dma_start3A_189 = arith.constant 0 : i32
        %dma_start3A_190 = tpu.memref_slice %arg15[%dma_start3A_188, %dma_start3A_189] : memref<10240x128xf32, #tpu.memory_space<vmem_shared>> -> memref<10240x128xf32, #tpu.memory_space<vmem_shared>>
        tpu.enqueue_indirect_dma source(%arg11 : memref<64x128xf32, #tpu.memory_space<vmem>>) target(%dma_start3A_190 : memref<10240x128xf32, #tpu.memory_space<vmem_shared>>) offsets(%arg7 : memref<64xi32, #tpu.memory_space<vmem>>) semaphore(%run_scoped3A : memref<!tpu.dma_semaphore, #tpu.memory_space<semaphore_mem>>) {add = true}
        %dma_wait3A_191 = arith.constant 0 : i32
        %dma_wait3A_192 = arith.constant 0 : i32
        %dma_wait3A_193 = tpu.memref_slice %arg15[%dma_wait3A_191, %dma_wait3A_192] : memref<10240x128xf32, #tpu.memory_space<vmem_shared>> -> memref<10240x128xf32, #tpu.memory_space<vmem_shared>>
        tpu.wait_indirect_dma semaphore(%run_scoped3A : memref<!tpu.dma_semaphore, #tpu.memory_space<semaphore_mem>>) src(%arg11 : memref<64x128xf32, #tpu.memory_space<vmem>>) dst(%dma_wait3A_193 : memref<10240x128xf32, #tpu.memory_space<vmem_shared>>)
        tpu.yield
      }) : () -> ()
      %add3A_99 = arith.constant 2 : i32
      %add3A_100 = arith.addi %add3A_82, %add3A_99 : i32
      %lt3A = arith.constant 160 : i32
      %lt3A_101 = arith.cmpi slt, %add3A_100, %lt3A : i32
      %convert_element_type3A = arith.extui %lt3A_101 : i1 to i32
      %cond3A = arith.constant 0 : i32
      %cond3A_102 = arith.cmpi ne, %convert_element_type3A, %cond3A : i32
      scf.if %cond3A_102 {
        %mul3A_188 = arith.constant 2 : i32
        %mul3A_189 = arith.muli %mul3A_188, %scan3A_77 : i32
        %add3A_190 = arith.constant 1 : i32
        %add3A_191 = arith.addi %mul3A_189, %add3A_190 : i32
        %dma_start3A_192 = arith.constant 0 : i32
        %dma_start3A_193 = tpu.memref_slice %arg6[%add3A_191, %dma_start3A_192] : memref<80x128xi32, #tpu.memory_space<vmem>> -> memref<1x64xi32, #tpu.memory_space<vmem>>
        %dma_start3A_194 = tpu.memref_squeeze %dma_start3A_193 : memref<1x64xi32, #tpu.memory_space<vmem>> -> memref<64xi32, #tpu.memory_space<vmem>>
        %dma_start3A_195 = arith.constant 0 : i32
        %dma_start3A_196 = arith.constant 0 : i32
        %dma_start3A_197 = tpu.memref_slice %arg2[%dma_start3A_195, %dma_start3A_196] : memref<10240x128xf32, #tpu.memory_space<hbm>> -> memref<10240x128xf32, #tpu.memory_space<hbm>>
        tpu.enqueue_indirect_dma source(%dma_start3A_197 : memref<10240x128xf32, #tpu.memory_space<hbm>>) target(%arg13 : memref<64x128xf32, #tpu.memory_space<vmem>>) offsets(%dma_start3A_194 : memref<64xi32, #tpu.memory_space<vmem>>) semaphore(%arg18 : memref<!tpu.dma_semaphore, #tpu.memory_space<semaphore_mem>>)
        %mul3A_198 = arith.constant 160 : i32
        %mul3A_199 = arith.muli %add3A, %mul3A_198 : i32
        %add3A_200 = arith.addi %mul3A_199, %add3A_82 : i32
        %add3A_201 = arith.constant 2 : i32
        %add3A_202 = arith.addi %add3A_200, %add3A_201 : i32
        %dma_start3A_203 = arith.constant 0 : i32
        %dma_start3A_204 = tpu.memref_slice %arg4[%add3A_202, %dma_start3A_203] : memref<5120x64xi32, #tpu.memory_space<hbm>> -> memref<1x64xi32, #tpu.memory_space<hbm>>
        %dma_start3A_205 = tpu.memref_squeeze %dma_start3A_204 : memref<1x64xi32, #tpu.memory_space<hbm>> -> memref<64xi32, #tpu.memory_space<hbm>>
        %dma_start3A_206 = arith.constant 0 : i32
        %dma_start3A_207 = tpu.memref_slice %arg4[%add3A_202, %dma_start3A_206] : memref<5120x64xi32, #tpu.memory_space<hbm>> -> memref<1x64xi32, #tpu.memory_space<hbm>>
        %dma_start3A_208 = tpu.memref_squeeze %dma_start3A_207 : memref<1x64xi32, #tpu.memory_space<hbm>> -> memref<64xi32, #tpu.memory_space<hbm>>
        tpu.enqueue_dma source(%dma_start3A_208 : memref<64xi32, #tpu.memory_space<hbm>>) target(%arg9 : memref<64xi32, #tpu.memory_space<vmem>>) target_semaphore(%arg22 : memref<!tpu.dma_semaphore, #tpu.memory_space<semaphore_mem>>)
      } else {
      }
      %mul3A_103 = arith.constant 4 : i32
      %mul3A_104 = arith.muli %scan3A_77, %mul3A_103 : i32
      %add3A_105 = arith.constant 1 : i32
      %add3A_106 = arith.addi %mul3A_104, %add3A_105 : i32
      %mul3A_107 = arith.constant 2 : i32
      %mul3A_108 = arith.muli %mul3A_107, %scan3A_77 : i32
      %add3A_109 = arith.constant 0 : i32
      %add3A_110 = arith.addi %mul3A_108, %add3A_109 : i32
      %dma_wait3A_111 = arith.constant 64 : i32
      %dma_wait3A_112 = tpu.memref_slice %arg6[%add3A_110, %dma_wait3A_111] : memref<80x128xi32, #tpu.memory_space<vmem>> -> memref<1x64xi32, #tpu.memory_space<vmem>>
      %dma_wait3A_113 = tpu.memref_squeeze %dma_wait3A_112 : memref<1x64xi32, #tpu.memory_space<vmem>> -> memref<64xi32, #tpu.memory_space<vmem>>
      %dma_wait3A_114 = arith.constant 0 : i32
      %dma_wait3A_115 = arith.constant 0 : i32
      %dma_wait3A_116 = tpu.memref_slice %arg2[%dma_wait3A_114, %dma_wait3A_115] : memref<10240x128xf32, #tpu.memory_space<hbm>> -> memref<10240x128xf32, #tpu.memory_space<hbm>>
      tpu.wait_indirect_dma semaphore(%arg17 : memref<!tpu.dma_semaphore, #tpu.memory_space<semaphore_mem>>) src(%dma_wait3A_116 : memref<10240x128xf32, #tpu.memory_space<hbm>>) dst(%arg12 : memref<64x128xf32, #tpu.memory_space<vmem>>)
      %dma_wait3A_117 = arith.constant 0 : i32
      %dma_wait3A_118 = arith.constant 0 : i32
      %dma_wait3A_119 = tpu.memref_slice %arg4[%dma_wait3A_117, %dma_wait3A_118] : memref<5120x64xi32, #tpu.memory_space<hbm>> -> memref<1x64xi32, #tpu.memory_space<hbm>>
      %dma_wait3A_120 = tpu.memref_squeeze %dma_wait3A_119 : memref<1x64xi32, #tpu.memory_space<hbm>> -> memref<64xi32, #tpu.memory_space<hbm>>
      %dma_wait3A_121 = arith.constant 0 : i32
      %dma_wait3A_122 = tpu.memref_slice %arg4[%dma_wait3A_117, %dma_wait3A_121] : memref<5120x64xi32, #tpu.memory_space<hbm>> -> memref<1x64xi32, #tpu.memory_space<hbm>>
      %dma_wait3A_123 = tpu.memref_squeeze %dma_wait3A_122 : memref<1x64xi32, #tpu.memory_space<hbm>> -> memref<64xi32, #tpu.memory_space<hbm>>
      tpu.wait_dma2 semaphore(%arg21 : memref<!tpu.dma_semaphore, #tpu.memory_space<semaphore_mem>>) src(%dma_wait3A_123 : memref<64xi32, #tpu.memory_space<hbm>>) dst(%arg8 : memref<64xi32, #tpu.memory_space<vmem>>)
      "tpu.region"() ({
        %run_scoped3A = tpu.sem_alloc : memref<!tpu.dma_semaphore, #tpu.memory_space<semaphore_mem>>
        %dma_start3A_188 = arith.constant 0 : i32
        %dma_start3A_189 = arith.constant 0 : i32
        %dma_start3A_190 = tpu.memref_slice %arg15[%dma_start3A_188, %dma_start3A_189] : memref<10240x128xf32, #tpu.memory_space<vmem_shared>> -> memref<10240x128xf32, #tpu.memory_space<vmem_shared>>
        tpu.enqueue_indirect_dma source(%arg12 : memref<64x128xf32, #tpu.memory_space<vmem>>) target(%dma_start3A_190 : memref<10240x128xf32, #tpu.memory_space<vmem_shared>>) offsets(%arg8 : memref<64xi32, #tpu.memory_space<vmem>>) semaphore(%run_scoped3A : memref<!tpu.dma_semaphore, #tpu.memory_space<semaphore_mem>>) {add = true}
        %dma_wait3A_191 = arith.constant 0 : i32
        %dma_wait3A_192 = arith.constant 0 : i32
        %dma_wait3A_193 = tpu.memref_slice %arg15[%dma_wait3A_191, %dma_wait3A_192] : memref<10240x128xf32, #tpu.memory_space<vmem_shared>> -> memref<10240x128xf32, #tpu.memory_space<vmem_shared>>
        tpu.wait_indirect_dma semaphore(%run_scoped3A : memref<!tpu.dma_semaphore, #tpu.memory_space<semaphore_mem>>) src(%arg12 : memref<64x128xf32, #tpu.memory_space<vmem>>) dst(%dma_wait3A_193 : memref<10240x128xf32, #tpu.memory_space<vmem_shared>>)
        tpu.yield
      }) : () -> ()
      %add3A_124 = arith.constant 2 : i32
      %add3A_125 = arith.addi %add3A_106, %add3A_124 : i32
      %lt3A_126 = arith.constant 160 : i32
      %lt3A_127 = arith.cmpi slt, %add3A_125, %lt3A_126 : i32
      %convert_element_type3A_128 = arith.extui %lt3A_127 : i1 to i32
      %cond3A_129 = arith.constant 0 : i32
      %cond3A_130 = arith.cmpi ne, %convert_element_type3A_128, %cond3A_129 : i32
      scf.if %cond3A_130 {
        %mul3A_188 = arith.constant 2 : i32
        %mul3A_189 = arith.muli %mul3A_188, %scan3A_77 : i32
        %add3A_190 = arith.constant 1 : i32
        %add3A_191 = arith.addi %mul3A_189, %add3A_190 : i32
        %dma_start3A_192 = arith.constant 64 : i32
        %dma_start3A_193 = tpu.memref_slice %arg6[%add3A_191, %dma_start3A_192] : memref<80x128xi32, #tpu.memory_space<vmem>> -> memref<1x64xi32, #tpu.memory_space<vmem>>
        %dma_start3A_194 = tpu.memref_squeeze %dma_start3A_193 : memref<1x64xi32, #tpu.memory_space<vmem>> -> memref<64xi32, #tpu.memory_space<vmem>>
        %dma_start3A_195 = arith.constant 0 : i32
        %dma_start3A_196 = arith.constant 0 : i32
        %dma_start3A_197 = tpu.memref_slice %arg2[%dma_start3A_195, %dma_start3A_196] : memref<10240x128xf32, #tpu.memory_space<hbm>> -> memref<10240x128xf32, #tpu.memory_space<hbm>>
        tpu.enqueue_indirect_dma source(%dma_start3A_197 : memref<10240x128xf32, #tpu.memory_space<hbm>>) target(%arg14 : memref<64x128xf32, #tpu.memory_space<vmem>>) offsets(%dma_start3A_194 : memref<64xi32, #tpu.memory_space<vmem>>) semaphore(%arg19 : memref<!tpu.dma_semaphore, #tpu.memory_space<semaphore_mem>>)
        %mul3A_198 = arith.constant 160 : i32
        %mul3A_199 = arith.muli %add3A, %mul3A_198 : i32
        %add3A_200 = arith.addi %mul3A_199, %add3A_106 : i32
        %add3A_201 = arith.constant 2 : i32
        %add3A_202 = arith.addi %add3A_200, %add3A_201 : i32
        %dma_start3A_203 = arith.constant 0 : i32
        %dma_start3A_204 = tpu.memref_slice %arg4[%add3A_202, %dma_start3A_203] : memref<5120x64xi32, #tpu.memory_space<hbm>> -> memref<1x64xi32, #tpu.memory_space<hbm>>
        %dma_start3A_205 = tpu.memref_squeeze %dma_start3A_204 : memref<1x64xi32, #tpu.memory_space<hbm>> -> memref<64xi32, #tpu.memory_space<hbm>>
        %dma_start3A_206 = arith.constant 0 : i32
        %dma_start3A_207 = tpu.memref_slice %arg4[%add3A_202, %dma_start3A_206] : memref<5120x64xi32, #tpu.memory_space<hbm>> -> memref<1x64xi32, #tpu.memory_space<hbm>>
        %dma_start3A_208 = tpu.memref_squeeze %dma_start3A_207 : memref<1x64xi32, #tpu.memory_space<hbm>> -> memref<64xi32, #tpu.memory_space<hbm>>
        tpu.enqueue_dma source(%dma_start3A_208 : memref<64xi32, #tpu.memory_space<hbm>>) target(%arg10 : memref<64xi32, #tpu.memory_space<vmem>>) target_semaphore(%arg23 : memref<!tpu.dma_semaphore, #tpu.memory_space<semaphore_mem>>)
      } else {
      }
      %mul3A_131 = arith.constant 4 : i32
      %mul3A_132 = arith.muli %scan3A_77, %mul3A_131 : i32
      %add3A_133 = arith.constant 2 : i32
      %add3A_134 = arith.addi %mul3A_132, %add3A_133 : i32
      %mul3A_135 = arith.constant 2 : i32
      %mul3A_136 = arith.muli %mul3A_135, %scan3A_77 : i32
      %add3A_137 = arith.constant 1 : i32
      %add3A_138 = arith.addi %mul3A_136, %add3A_137 : i32
      %dma_wait3A_139 = arith.constant 0 : i32
      %dma_wait3A_140 = tpu.memref_slice %arg6[%add3A_138, %dma_wait3A_139] : memref<80x128xi32, #tpu.memory_space<vmem>> -> memref<1x64xi32, #tpu.memory_space<vmem>>
      %dma_wait3A_141 = tpu.memref_squeeze %dma_wait3A_140 : memref<1x64xi32, #tpu.memory_space<vmem>> -> memref<64xi32, #tpu.memory_space<vmem>>
      %dma_wait3A_142 = arith.constant 0 : i32
      %dma_wait3A_143 = arith.constant 0 : i32
      %dma_wait3A_144 = tpu.memref_slice %arg2[%dma_wait3A_142, %dma_wait3A_143] : memref<10240x128xf32, #tpu.memory_space<hbm>> -> memref<10240x128xf32, #tpu.memory_space<hbm>>
      tpu.wait_indirect_dma semaphore(%arg18 : memref<!tpu.dma_semaphore, #tpu.memory_space<semaphore_mem>>) src(%dma_wait3A_144 : memref<10240x128xf32, #tpu.memory_space<hbm>>) dst(%arg13 : memref<64x128xf32, #tpu.memory_space<vmem>>)
      %dma_wait3A_145 = arith.constant 0 : i32
      %dma_wait3A_146 = arith.constant 0 : i32
      %dma_wait3A_147 = tpu.memref_slice %arg4[%dma_wait3A_145, %dma_wait3A_146] : memref<5120x64xi32, #tpu.memory_space<hbm>> -> memref<1x64xi32, #tpu.memory_space<hbm>>
      %dma_wait3A_148 = tpu.memref_squeeze %dma_wait3A_147 : memref<1x64xi32, #tpu.memory_space<hbm>> -> memref<64xi32, #tpu.memory_space<hbm>>
      %dma_wait3A_149 = arith.constant 0 : i32
      %dma_wait3A_150 = tpu.memref_slice %arg4[%dma_wait3A_145, %dma_wait3A_149] : memref<5120x64xi32, #tpu.memory_space<hbm>> -> memref<1x64xi32, #tpu.memory_space<hbm>>
      %dma_wait3A_151 = tpu.memref_squeeze %dma_wait3A_150 : memref<1x64xi32, #tpu.memory_space<hbm>> -> memref<64xi32, #tpu.memory_space<hbm>>
      tpu.wait_dma2 semaphore(%arg22 : memref<!tpu.dma_semaphore, #tpu.memory_space<semaphore_mem>>) src(%dma_wait3A_151 : memref<64xi32, #tpu.memory_space<hbm>>) dst(%arg9 : memref<64xi32, #tpu.memory_space<vmem>>)
      "tpu.region"() ({
        %run_scoped3A = tpu.sem_alloc : memref<!tpu.dma_semaphore, #tpu.memory_space<semaphore_mem>>
        %dma_start3A_188 = arith.constant 0 : i32
        %dma_start3A_189 = arith.constant 0 : i32
        %dma_start3A_190 = tpu.memref_slice %arg15[%dma_start3A_188, %dma_start3A_189] : memref<10240x128xf32, #tpu.memory_space<vmem_shared>> -> memref<10240x128xf32, #tpu.memory_space<vmem_shared>>
        tpu.enqueue_indirect_dma source(%arg13 : memref<64x128xf32, #tpu.memory_space<vmem>>) target(%dma_start3A_190 : memref<10240x128xf32, #tpu.memory_space<vmem_shared>>) offsets(%arg9 : memref<64xi32, #tpu.memory_space<vmem>>) semaphore(%run_scoped3A : memref<!tpu.dma_semaphore, #tpu.memory_space<semaphore_mem>>) {add = true}
        %dma_wait3A_191 = arith.constant 0 : i32
        %dma_wait3A_192 = arith.constant 0 : i32
        %dma_wait3A_193 = tpu.memref_slice %arg15[%dma_wait3A_191, %dma_wait3A_192] : memref<10240x128xf32, #tpu.memory_space<vmem_shared>> -> memref<10240x128xf32, #tpu.memory_space<vmem_shared>>
        tpu.wait_indirect_dma semaphore(%run_scoped3A : memref<!tpu.dma_semaphore, #tpu.memory_space<semaphore_mem>>) src(%arg13 : memref<64x128xf32, #tpu.memory_space<vmem>>) dst(%dma_wait3A_193 : memref<10240x128xf32, #tpu.memory_space<vmem_shared>>)
        tpu.yield
      }) : () -> ()
      %add3A_152 = arith.constant 2 : i32
      %add3A_153 = arith.addi %add3A_134, %add3A_152 : i32
      %lt3A_154 = arith.constant 160 : i32
      %lt3A_155 = arith.cmpi slt, %add3A_153, %lt3A_154 : i32
      %convert_element_type3A_156 = arith.extui %lt3A_155 : i1 to i32
      %cond3A_157 = arith.constant 0 : i32
      %cond3A_158 = arith.cmpi ne, %convert_element_type3A_156, %cond3A_157 : i32
      scf.if %cond3A_158 {
        %mul3A_188 = arith.constant 2 : i32
        %mul3A_189 = arith.muli %mul3A_188, %scan3A_77 : i32
        %add3A_190 = arith.constant 2 : i32
        %add3A_191 = arith.addi %mul3A_189, %add3A_190 : i32
        %dma_start3A_192 = arith.constant 0 : i32
        %dma_start3A_193 = tpu.memref_slice %arg6[%add3A_191, %dma_start3A_192] : memref<80x128xi32, #tpu.memory_space<vmem>> -> memref<1x64xi32, #tpu.memory_space<vmem>>
        %dma_start3A_194 = tpu.memref_squeeze %dma_start3A_193 : memref<1x64xi32, #tpu.memory_space<vmem>> -> memref<64xi32, #tpu.memory_space<vmem>>
        %dma_start3A_195 = arith.constant 0 : i32
        %dma_start3A_196 = arith.constant 0 : i32
        %dma_start3A_197 = tpu.memref_slice %arg2[%dma_start3A_195, %dma_start3A_196] : memref<10240x128xf32, #tpu.memory_space<hbm>> -> memref<10240x128xf32, #tpu.memory_space<hbm>>
        tpu.enqueue_indirect_dma source(%dma_start3A_197 : memref<10240x128xf32, #tpu.memory_space<hbm>>) target(%arg11 : memref<64x128xf32, #tpu.memory_space<vmem>>) offsets(%dma_start3A_194 : memref<64xi32, #tpu.memory_space<vmem>>) semaphore(%arg16 : memref<!tpu.dma_semaphore, #tpu.memory_space<semaphore_mem>>)
        %mul3A_198 = arith.constant 160 : i32
        %mul3A_199 = arith.muli %add3A, %mul3A_198 : i32
        %add3A_200 = arith.addi %mul3A_199, %add3A_134 : i32
        %add3A_201 = arith.constant 2 : i32
        %add3A_202 = arith.addi %add3A_200, %add3A_201 : i32
        %dma_start3A_203 = arith.constant 0 : i32
        %dma_start3A_204 = tpu.memref_slice %arg4[%add3A_202, %dma_start3A_203] : memref<5120x64xi32, #tpu.memory_space<hbm>> -> memref<1x64xi32, #tpu.memory_space<hbm>>
        %dma_start3A_205 = tpu.memref_squeeze %dma_start3A_204 : memref<1x64xi32, #tpu.memory_space<hbm>> -> memref<64xi32, #tpu.memory_space<hbm>>
        %dma_start3A_206 = arith.constant 0 : i32
        %dma_start3A_207 = tpu.memref_slice %arg4[%add3A_202, %dma_start3A_206] : memref<5120x64xi32, #tpu.memory_space<hbm>> -> memref<1x64xi32, #tpu.memory_space<hbm>>
        %dma_start3A_208 = tpu.memref_squeeze %dma_start3A_207 : memref<1x64xi32, #tpu.memory_space<hbm>> -> memref<64xi32, #tpu.memory_space<hbm>>
        tpu.enqueue_dma source(%dma_start3A_208 : memref<64xi32, #tpu.memory_space<hbm>>) target(%arg7 : memref<64xi32, #tpu.memory_space<vmem>>) target_semaphore(%arg20 : memref<!tpu.dma_semaphore, #tpu.memory_space<semaphore_mem>>)
      } else {
      }
      %mul3A_159 = arith.constant 4 : i32
      %mul3A_160 = arith.muli %scan3A_77, %mul3A_159 : i32
      %add3A_161 = arith.constant 3 : i32
      %add3A_162 = arith.addi %mul3A_160, %add3A_161 : i32
      %mul3A_163 = arith.constant 2 : i32
      %mul3A_164 = arith.muli %mul3A_163, %scan3A_77 : i32
      %add3A_165 = arith.constant 1 : i32
      %add3A_166 = arith.addi %mul3A_164, %add3A_165 : i32
      %dma_wait3A_167 = arith.constant 64 : i32
      %dma_wait3A_168 = tpu.memref_slice %arg6[%add3A_166, %dma_wait3A_167] : memref<80x128xi32, #tpu.memory_space<vmem>> -> memref<1x64xi32, #tpu.memory_space<vmem>>
      %dma_wait3A_169 = tpu.memref_squeeze %dma_wait3A_168 : memref<1x64xi32, #tpu.memory_space<vmem>> -> memref<64xi32, #tpu.memory_space<vmem>>
      %dma_wait3A_170 = arith.constant 0 : i32
      %dma_wait3A_171 = arith.constant 0 : i32
      %dma_wait3A_172 = tpu.memref_slice %arg2[%dma_wait3A_170, %dma_wait3A_171] : memref<10240x128xf32, #tpu.memory_space<hbm>> -> memref<10240x128xf32, #tpu.memory_space<hbm>>
      tpu.wait_indirect_dma semaphore(%arg19 : memref<!tpu.dma_semaphore, #tpu.memory_space<semaphore_mem>>) src(%dma_wait3A_172 : memref<10240x128xf32, #tpu.memory_space<hbm>>) dst(%arg14 : memref<64x128xf32, #tpu.memory_space<vmem>>)
      %dma_wait3A_173 = arith.constant 0 : i32
      %dma_wait3A_174 = arith.constant 0 : i32
      %dma_wait3A_175 = tpu.memref_slice %arg4[%dma_wait3A_173, %dma_wait3A_174] : memref<5120x64xi32, #tpu.memory_space<hbm>> -> memref<1x64xi32, #tpu.memory_space<hbm>>
      %dma_wait3A_176 = tpu.memref_squeeze %dma_wait3A_175 : memref<1x64xi32, #tpu.memory_space<hbm>> -> memref<64xi32, #tpu.memory_space<hbm>>
      %dma_wait3A_177 = arith.constant 0 : i32
      %dma_wait3A_178 = tpu.memref_slice %arg4[%dma_wait3A_173, %dma_wait3A_177] : memref<5120x64xi32, #tpu.memory_space<hbm>> -> memref<1x64xi32, #tpu.memory_space<hbm>>
      %dma_wait3A_179 = tpu.memref_squeeze %dma_wait3A_178 : memref<1x64xi32, #tpu.memory_space<hbm>> -> memref<64xi32, #tpu.memory_space<hbm>>
      tpu.wait_dma2 semaphore(%arg23 : memref<!tpu.dma_semaphore, #tpu.memory_space<semaphore_mem>>) src(%dma_wait3A_179 : memref<64xi32, #tpu.memory_space<hbm>>) dst(%arg10 : memref<64xi32, #tpu.memory_space<vmem>>)
      "tpu.region"() ({
        %run_scoped3A = tpu.sem_alloc : memref<!tpu.dma_semaphore, #tpu.memory_space<semaphore_mem>>
        %dma_start3A_188 = arith.constant 0 : i32
        %dma_start3A_189 = arith.constant 0 : i32
        %dma_start3A_190 = tpu.memref_slice %arg15[%dma_start3A_188, %dma_start3A_189] : memref<10240x128xf32, #tpu.memory_space<vmem_shared>> -> memref<10240x128xf32, #tpu.memory_space<vmem_shared>>
        tpu.enqueue_indirect_dma source(%arg14 : memref<64x128xf32, #tpu.memory_space<vmem>>) target(%dma_start3A_190 : memref<10240x128xf32, #tpu.memory_space<vmem_shared>>) offsets(%arg10 : memref<64xi32, #tpu.memory_space<vmem>>) semaphore(%run_scoped3A : memref<!tpu.dma_semaphore, #tpu.memory_space<semaphore_mem>>) {add = true}
        %dma_wait3A_191 = arith.constant 0 : i32
        %dma_wait3A_192 = arith.constant 0 : i32
        %dma_wait3A_193 = tpu.memref_slice %arg15[%dma_wait3A_191, %dma_wait3A_192] : memref<10240x128xf32, #tpu.memory_space<vmem_shared>> -> memref<10240x128xf32, #tpu.memory_space<vmem_shared>>
        tpu.wait_indirect_dma semaphore(%run_scoped3A : memref<!tpu.dma_semaphore, #tpu.memory_space<semaphore_mem>>) src(%arg14 : memref<64x128xf32, #tpu.memory_space<vmem>>) dst(%dma_wait3A_193 : memref<10240x128xf32, #tpu.memory_space<vmem_shared>>)
        tpu.yield
      }) : () -> ()
      %add3A_180 = arith.constant 2 : i32
      %add3A_181 = arith.addi %add3A_162, %add3A_180 : i32
      %lt3A_182 = arith.constant 160 : i32
      %lt3A_183 = arith.cmpi slt, %add3A_181, %lt3A_182 : i32
      %convert_element_type3A_184 = arith.extui %lt3A_183 : i1 to i32
      %cond3A_185 = arith.constant 0 : i32
      %cond3A_186 = arith.cmpi ne, %convert_element_type3A_184, %cond3A_185 : i32
      scf.if %cond3A_186 {
        %mul3A_188 = arith.constant 2 : i32
        %mul3A_189 = arith.muli %mul3A_188, %scan3A_77 : i32
        %add3A_190 = arith.constant 2 : i32
        %add3A_191 = arith.addi %mul3A_189, %add3A_190 : i32
        %dma_start3A_192 = arith.constant 64 : i32
        %dma_start3A_193 = tpu.memref_slice %arg6[%add3A_191, %dma_start3A_192] : memref<80x128xi32, #tpu.memory_space<vmem>> -> memref<1x64xi32, #tpu.memory_space<vmem>>
        %dma_start3A_194 = tpu.memref_squeeze %dma_start3A_193 : memref<1x64xi32, #tpu.memory_space<vmem>> -> memref<64xi32, #tpu.memory_space<vmem>>
        %dma_start3A_195 = arith.constant 0 : i32
        %dma_start3A_196 = arith.constant 0 : i32
        %dma_start3A_197 = tpu.memref_slice %arg2[%dma_start3A_195, %dma_start3A_196] : memref<10240x128xf32, #tpu.memory_space<hbm>> -> memref<10240x128xf32, #tpu.memory_space<hbm>>
        tpu.enqueue_indirect_dma source(%dma_start3A_197 : memref<10240x128xf32, #tpu.memory_space<hbm>>) target(%arg12 : memref<64x128xf32, #tpu.memory_space<vmem>>) offsets(%dma_start3A_194 : memref<64xi32, #tpu.memory_space<vmem>>) semaphore(%arg17 : memref<!tpu.dma_semaphore, #tpu.memory_space<semaphore_mem>>)
        %mul3A_198 = arith.constant 160 : i32
        %mul3A_199 = arith.muli %add3A, %mul3A_198 : i32
        %add3A_200 = arith.addi %mul3A_199, %add3A_162 : i32
        %add3A_201 = arith.constant 2 : i32
        %add3A_202 = arith.addi %add3A_200, %add3A_201 : i32
        %dma_start3A_203 = arith.constant 0 : i32
        %dma_start3A_204 = tpu.memref_slice %arg4[%add3A_202, %dma_start3A_203] : memref<5120x64xi32, #tpu.memory_space<hbm>> -> memref<1x64xi32, #tpu.memory_space<hbm>>
        %dma_start3A_205 = tpu.memref_squeeze %dma_start3A_204 : memref<1x64xi32, #tpu.memory_space<hbm>> -> memref<64xi32, #tpu.memory_space<hbm>>
        %dma_start3A_206 = arith.constant 0 : i32
        %dma_start3A_207 = tpu.memref_slice %arg4[%add3A_202, %dma_start3A_206] : memref<5120x64xi32, #tpu.memory_space<hbm>> -> memref<1x64xi32, #tpu.memory_space<hbm>>
        %dma_start3A_208 = tpu.memref_squeeze %dma_start3A_207 : memref<1x64xi32, #tpu.memory_space<hbm>> -> memref<64xi32, #tpu.memory_space<hbm>>
        tpu.enqueue_dma source(%dma_start3A_208 : memref<64xi32, #tpu.memory_space<hbm>>) target(%arg8 : memref<64xi32, #tpu.memory_space<vmem>>) target_semaphore(%arg21 : memref<!tpu.dma_semaphore, #tpu.memory_space<semaphore_mem>>)
      } else {
      }
      %scan3A_187 = arith.constant 0 : i32
      scf.yield %scan3A_187 : i32
    }
    %scan3A_68 = arith.constant 40 : i32
    %barrier3A_69 = arith.constant 0 : index
    tpu.barrier barrier_id(%barrier3A_69)
    %mul3A_70 = arith.constant 640 : i32
    %mul3A_71 = arith.muli %arg1, %mul3A_70 : i32
    %mul3A_72 = arith.constant 10240 : i32
    %mul3A_73 = arith.muli %arg0, %mul3A_72 : i32
    %mul3A_74 = arith.constant 640 : i32
    %mul3A_75 = arith.muli %arg1, %mul3A_74 : i32
    %add3A_76 = arith.addi %mul3A_73, %mul3A_75 : i32
    "tpu.region"() ({
      %run_scoped3A = tpu.sem_alloc : memref<!tpu.dma_semaphore, #tpu.memory_space<semaphore_mem>>
      %dma_start3A_77 = arith.constant 0 : i32
      %dma_start3A_78 = tpu.memref_slice %arg5[%add3A_76, %dma_start3A_77] : memref<20480x128xf32, #tpu.memory_space<hbm>> -> memref<640x128xf32, #tpu.memory_space<hbm>>
      %dma_start3A_79 = arith.constant 0 : i32
      %dma_start3A_80 = tpu.memref_slice %arg15[%mul3A_71, %dma_start3A_79] : memref<10240x128xf32, #tpu.memory_space<vmem_shared>> -> memref<640x128xf32, #tpu.memory_space<vmem_shared>>
      tpu.enqueue_dma source(%dma_start3A_80 : memref<640x128xf32, #tpu.memory_space<vmem_shared>>) target(%dma_start3A_78 : memref<640x128xf32, #tpu.memory_space<hbm>>) target_semaphore(%run_scoped3A : memref<!tpu.dma_semaphore, #tpu.memory_space<semaphore_mem>>)
      %dma_wait3A = arith.constant 0 : i32
      %dma_wait3A_81 = tpu.memref_slice %arg5[%add3A_76, %dma_wait3A] : memref<20480x128xf32, #tpu.memory_space<hbm>> -> memref<640x128xf32, #tpu.memory_space<hbm>>
      %dma_wait3A_82 = arith.constant 0 : i32
      %dma_wait3A_83 = tpu.memref_slice %arg15[%mul3A_71, %dma_wait3A_82] : memref<10240x128xf32, #tpu.memory_space<vmem_shared>> -> memref<640x128xf32, #tpu.memory_space<vmem_shared>>
      tpu.wait_dma2 semaphore(%run_scoped3A : memref<!tpu.dma_semaphore, #tpu.memory_space<semaphore_mem>>) src(%dma_wait3A_83 : memref<640x128xf32, #tpu.memory_space<vmem_shared>>) dst(%dma_wait3A_81 : memref<640x128xf32, #tpu.memory_space<hbm>>)
      tpu.yield
    }) : () -> ()
    return
  }
}

#map = affine_map<(d0, d1) -> (0, 0)>
module attributes {stable_mosaic.version = 14 : i64} {
  func.func @_deg_kernel(%arg0: i32, %arg1: i32, %arg2: memref<2560x128xi32, #tpu.memory_space<hbm>>, %arg3: memref<20480x16xf32, #tpu.memory_space<hbm>>, %arg4: memref<128xi32, #tpu.memory_space<vmem>>, %arg5: memref<128xi32, #tpu.memory_space<vmem>>, %arg6: memref<128x16xf32, #tpu.memory_space<vmem>>, %arg7: memref<128x16xf32, #tpu.memory_space<vmem>>, %arg8: memref<10240x16xf32, #tpu.memory_space<vmem_shared>>, %arg9: memref<!tpu.dma_semaphore, #tpu.memory_space<semaphore_mem>>, %arg10: memref<!tpu.dma_semaphore, #tpu.memory_space<semaphore_mem>>) attributes {dimension_semantics = [#tpu.dimension_semantics<core_parallel>, #tpu.dimension_semantics<subcore_parallel>], iteration_bounds = array<i64: 2, 16>, scalar_prefetch = 0 : i64, scratch_operands = 7 : i64, tpu.core_type = #tpu.core_type<sc_vector_subcore>, window_params = [{transform_indices = #map}, {transform_indices = #map}]} {
    %mul3A = arith.constant 16 : i32
    %mul3A_0 = arith.muli %arg0, %mul3A : i32
    %add3A = arith.addi %mul3A_0, %arg1 : i32
    %scan3A = arith.constant 0 : i32
    %scan3A_1 = arith.constant 0 : i32
    %scan3A_2 = arith.constant 128 : i32
    %scan3A_3 = arith.addi %scan3A_1, %scan3A_2 : i32
    %scan3A_4 = arith.constant 1 : i32
    %scan3A_5 = scf.for %scan3A_41 = %scan3A_1 to %scan3A_3 step %scan3A_4 iter_args(%scan3A_42 = %scan3A) -> (i32)  : i32 {
      %broadcast_in_dim3A = arith.constant 1.000000e+00 : f32
      %broadcast_in_dim3A_43 = vector.broadcast %broadcast_in_dim3A : f32 to vector<16xf32>
      %swap3A = arith.index_cast %scan3A_41 : i32 to index
      %swap3A_44 = arith.constant 0 : index
      %swap3A_45 = tpu.vector_load %arg6[%swap3A, %swap3A_44] {strides = array<i32>} : memref<128x16xf32, #tpu.memory_space<vmem>>, vector<1x16xf32>,
      %swap3A_46 = vector.shape_cast %swap3A_45 : vector<1x16xf32> to vector<16xf32>
      %swap3A_47 = vector.shape_cast %broadcast_in_dim3A_43 : vector<16xf32> to vector<1x16xf32>
      tpu.vector_store %arg6[%swap3A, %swap3A_44], %swap3A_47 {strides = array<i32>} : memref<128x16xf32, #tpu.memory_space<vmem>>, vector<1x16xf32>,
      %broadcast_in_dim3A_48 = arith.constant 0.000000e+00 : f32
      %broadcast_in_dim3A_49 = vector.broadcast %broadcast_in_dim3A_48 : f32 to vector<16xf32>
      %swap3A_50 = arith.index_cast %scan3A_41 : i32 to index
      %swap3A_51 = arith.constant 0 : index
      %swap3A_52 = tpu.vector_load %arg7[%swap3A_50, %swap3A_51] {strides = array<i32>} : memref<128x16xf32, #tpu.memory_space<vmem>>, vector<1x16xf32>,
      %swap3A_53 = vector.shape_cast %swap3A_52 : vector<1x16xf32> to vector<16xf32>
      %swap3A_54 = vector.shape_cast %broadcast_in_dim3A_49 : vector<16xf32> to vector<1x16xf32>
      tpu.vector_store %arg7[%swap3A_50, %swap3A_51], %swap3A_54 {strides = array<i32>} : memref<128x16xf32, #tpu.memory_space<vmem>>, vector<1x16xf32>,
      %scan3A_55 = arith.constant 0 : i32
      scf.yield %scan3A_55 : i32
    }
    %scan3A_6 = arith.constant 128 : i32
    %mul3A_7 = arith.constant 640 : i32
    %mul3A_8 = arith.muli %arg1, %mul3A_7 : i32
    %add3A_9 = arith.constant 0 : i32
    %add3A_10 = arith.addi %mul3A_8, %add3A_9 : i32
    "tpu.region"() ({
      %run_scoped3A = tpu.sem_alloc : memref<!tpu.dma_semaphore, #tpu.memory_space<semaphore_mem>>
      %dma_start3A_41 = arith.constant 0 : i32
      %dma_start3A_42 = tpu.memref_slice %arg8[%add3A_10, %dma_start3A_41] : memref<10240x16xf32, #tpu.memory_space<vmem_shared>> -> memref<128x16xf32, #tpu.memory_space<vmem_shared>>
      %dma_start3A_43 = arith.constant 0 : i32
      %dma_start3A_44 = tpu.memref_slice %arg8[%add3A_10, %dma_start3A_43] : memref<10240x16xf32, #tpu.memory_space<vmem_shared>> -> memref<128x16xf32, #tpu.memory_space<vmem_shared>>
      tpu.enqueue_dma source(%arg7 : memref<128x16xf32, #tpu.memory_space<vmem>>) target(%dma_start3A_44 : memref<128x16xf32, #tpu.memory_space<vmem_shared>>) target_semaphore(%run_scoped3A : memref<!tpu.dma_semaphore, #tpu.memory_space<semaphore_mem>>)
      %dma_wait3A = arith.constant 0 : i32
      %dma_wait3A_45 = tpu.memref_slice %arg8[%add3A_10, %dma_wait3A] : memref<10240x16xf32, #tpu.memory_space<vmem_shared>> -> memref<128x16xf32, #tpu.memory_space<vmem_shared>>
      %dma_wait3A_46 = arith.constant 0 : i32
      %dma_wait3A_47 = tpu.memref_slice %arg8[%add3A_10, %dma_wait3A_46] : memref<10240x16xf32, #tpu.memory_space<vmem_shared>> -> memref<128x16xf32, #tpu.memory_space<vmem_shared>>
      tpu.wait_dma2 semaphore(%run_scoped3A : memref<!tpu.dma_semaphore, #tpu.memory_space<semaphore_mem>>) src(%arg7 : memref<128x16xf32, #tpu.memory_space<vmem>>) dst(%dma_wait3A_47 : memref<128x16xf32, #tpu.memory_space<vmem_shared>>)
      tpu.yield
    }) : () -> ()
    %add3A_11 = arith.constant 128 : i32
    %add3A_12 = arith.addi %mul3A_8, %add3A_11 : i32
    "tpu.region"() ({
      %run_scoped3A = tpu.sem_alloc : memref<!tpu.dma_semaphore, #tpu.memory_space<semaphore_mem>>
      %dma_start3A_41 = arith.constant 0 : i32
      %dma_start3A_42 = tpu.memref_slice %arg8[%add3A_12, %dma_start3A_41] : memref<10240x16xf32, #tpu.memory_space<vmem_shared>> -> memref<128x16xf32, #tpu.memory_space<vmem_shared>>
      %dma_start3A_43 = arith.constant 0 : i32
      %dma_start3A_44 = tpu.memref_slice %arg8[%add3A_12, %dma_start3A_43] : memref<10240x16xf32, #tpu.memory_space<vmem_shared>> -> memref<128x16xf32, #tpu.memory_space<vmem_shared>>
      tpu.enqueue_dma source(%arg7 : memref<128x16xf32, #tpu.memory_space<vmem>>) target(%dma_start3A_44 : memref<128x16xf32, #tpu.memory_space<vmem_shared>>) target_semaphore(%run_scoped3A : memref<!tpu.dma_semaphore, #tpu.memory_space<semaphore_mem>>)
      %dma_wait3A = arith.constant 0 : i32
      %dma_wait3A_45 = tpu.memref_slice %arg8[%add3A_12, %dma_wait3A] : memref<10240x16xf32, #tpu.memory_space<vmem_shared>> -> memref<128x16xf32, #tpu.memory_space<vmem_shared>>
      %dma_wait3A_46 = arith.constant 0 : i32
      %dma_wait3A_47 = tpu.memref_slice %arg8[%add3A_12, %dma_wait3A_46] : memref<10240x16xf32, #tpu.memory_space<vmem_shared>> -> memref<128x16xf32, #tpu.memory_space<vmem_shared>>
      tpu.wait_dma2 semaphore(%run_scoped3A : memref<!tpu.dma_semaphore, #tpu.memory_space<semaphore_mem>>) src(%arg7 : memref<128x16xf32, #tpu.memory_space<vmem>>) dst(%dma_wait3A_47 : memref<128x16xf32, #tpu.memory_space<vmem_shared>>)
      tpu.yield
    }) : () -> ()
    %add3A_13 = arith.constant 256 : i32
    %add3A_14 = arith.addi %mul3A_8, %add3A_13 : i32
    "tpu.region"() ({
      %run_scoped3A = tpu.sem_alloc : memref<!tpu.dma_semaphore, #tpu.memory_space<semaphore_mem>>
      %dma_start3A_41 = arith.constant 0 : i32
      %dma_start3A_42 = tpu.memref_slice %arg8[%add3A_14, %dma_start3A_41] : memref<10240x16xf32, #tpu.memory_space<vmem_shared>> -> memref<128x16xf32, #tpu.memory_space<vmem_shared>>
      %dma_start3A_43 = arith.constant 0 : i32
      %dma_start3A_44 = tpu.memref_slice %arg8[%add3A_14, %dma_start3A_43] : memref<10240x16xf32, #tpu.memory_space<vmem_shared>> -> memref<128x16xf32, #tpu.memory_space<vmem_shared>>
      tpu.enqueue_dma source(%arg7 : memref<128x16xf32, #tpu.memory_space<vmem>>) target(%dma_start3A_44 : memref<128x16xf32, #tpu.memory_space<vmem_shared>>) target_semaphore(%run_scoped3A : memref<!tpu.dma_semaphore, #tpu.memory_space<semaphore_mem>>)
      %dma_wait3A = arith.constant 0 : i32
      %dma_wait3A_45 = tpu.memref_slice %arg8[%add3A_14, %dma_wait3A] : memref<10240x16xf32, #tpu.memory_space<vmem_shared>> -> memref<128x16xf32, #tpu.memory_space<vmem_shared>>
      %dma_wait3A_46 = arith.constant 0 : i32
      %dma_wait3A_47 = tpu.memref_slice %arg8[%add3A_14, %dma_wait3A_46] : memref<10240x16xf32, #tpu.memory_space<vmem_shared>> -> memref<128x16xf32, #tpu.memory_space<vmem_shared>>
      tpu.wait_dma2 semaphore(%run_scoped3A : memref<!tpu.dma_semaphore, #tpu.memory_space<semaphore_mem>>) src(%arg7 : memref<128x16xf32, #tpu.memory_space<vmem>>) dst(%dma_wait3A_47 : memref<128x16xf32, #tpu.memory_space<vmem_shared>>)
      tpu.yield
    }) : () -> ()
    %add3A_15 = arith.constant 384 : i32
    %add3A_16 = arith.addi %mul3A_8, %add3A_15 : i32
    "tpu.region"() ({
      %run_scoped3A = tpu.sem_alloc : memref<!tpu.dma_semaphore, #tpu.memory_space<semaphore_mem>>
      %dma_start3A_41 = arith.constant 0 : i32
      %dma_start3A_42 = tpu.memref_slice %arg8[%add3A_16, %dma_start3A_41] : memref<10240x16xf32, #tpu.memory_space<vmem_shared>> -> memref<128x16xf32, #tpu.memory_space<vmem_shared>>
      %dma_start3A_43 = arith.constant 0 : i32
      %dma_start3A_44 = tpu.memref_slice %arg8[%add3A_16, %dma_start3A_43] : memref<10240x16xf32, #tpu.memory_space<vmem_shared>> -> memref<128x16xf32, #tpu.memory_space<vmem_shared>>
      tpu.enqueue_dma source(%arg7 : memref<128x16xf32, #tpu.memory_space<vmem>>) target(%dma_start3A_44 : memref<128x16xf32, #tpu.memory_space<vmem_shared>>) target_semaphore(%run_scoped3A : memref<!tpu.dma_semaphore, #tpu.memory_space<semaphore_mem>>)
      %dma_wait3A = arith.constant 0 : i32
      %dma_wait3A_45 = tpu.memref_slice %arg8[%add3A_16, %dma_wait3A] : memref<10240x16xf32, #tpu.memory_space<vmem_shared>> -> memref<128x16xf32, #tpu.memory_space<vmem_shared>>
      %dma_wait3A_46 = arith.constant 0 : i32
      %dma_wait3A_47 = tpu.memref_slice %arg8[%add3A_16, %dma_wait3A_46] : memref<10240x16xf32, #tpu.memory_space<vmem_shared>> -> memref<128x16xf32, #tpu.memory_space<vmem_shared>>
      tpu.wait_dma2 semaphore(%run_scoped3A : memref<!tpu.dma_semaphore, #tpu.memory_space<semaphore_mem>>) src(%arg7 : memref<128x16xf32, #tpu.memory_space<vmem>>) dst(%dma_wait3A_47 : memref<128x16xf32, #tpu.memory_space<vmem_shared>>)
      tpu.yield
    }) : () -> ()
    %add3A_17 = arith.constant 512 : i32
    %add3A_18 = arith.addi %mul3A_8, %add3A_17 : i32
    "tpu.region"() ({
      %run_scoped3A = tpu.sem_alloc : memref<!tpu.dma_semaphore, #tpu.memory_space<semaphore_mem>>
      %dma_start3A_41 = arith.constant 0 : i32
      %dma_start3A_42 = tpu.memref_slice %arg8[%add3A_18, %dma_start3A_41] : memref<10240x16xf32, #tpu.memory_space<vmem_shared>> -> memref<128x16xf32, #tpu.memory_space<vmem_shared>>
      %dma_start3A_43 = arith.constant 0 : i32
      %dma_start3A_44 = tpu.memref_slice %arg8[%add3A_18, %dma_start3A_43] : memref<10240x16xf32, #tpu.memory_space<vmem_shared>> -> memref<128x16xf32, #tpu.memory_space<vmem_shared>>
      tpu.enqueue_dma source(%arg7 : memref<128x16xf32, #tpu.memory_space<vmem>>) target(%dma_start3A_44 : memref<128x16xf32, #tpu.memory_space<vmem_shared>>) target_semaphore(%run_scoped3A : memref<!tpu.dma_semaphore, #tpu.memory_space<semaphore_mem>>)
      %dma_wait3A = arith.constant 0 : i32
      %dma_wait3A_45 = tpu.memref_slice %arg8[%add3A_18, %dma_wait3A] : memref<10240x16xf32, #tpu.memory_space<vmem_shared>> -> memref<128x16xf32, #tpu.memory_space<vmem_shared>>
      %dma_wait3A_46 = arith.constant 0 : i32
      %dma_wait3A_47 = tpu.memref_slice %arg8[%add3A_18, %dma_wait3A_46] : memref<10240x16xf32, #tpu.memory_space<vmem_shared>> -> memref<128x16xf32, #tpu.memory_space<vmem_shared>>
      tpu.wait_dma2 semaphore(%run_scoped3A : memref<!tpu.dma_semaphore, #tpu.memory_space<semaphore_mem>>) src(%arg7 : memref<128x16xf32, #tpu.memory_space<vmem>>) dst(%dma_wait3A_47 : memref<128x16xf32, #tpu.memory_space<vmem_shared>>)
      tpu.yield
    }) : () -> ()
    %barrier3A = arith.constant 0 : index
    tpu.barrier barrier_id(%barrier3A)
    %mul3A_19 = arith.constant 80 : i32
    %mul3A_20 = arith.muli %add3A, %mul3A_19 : i32
    %dma_start3A = arith.constant 0 : i32
    %dma_start3A_21 = tpu.memref_slice %arg2[%mul3A_20, %dma_start3A] : memref<2560x128xi32, #tpu.memory_space<hbm>> -> memref<1x128xi32, #tpu.memory_space<hbm>>
    %dma_start3A_22 = tpu.memref_squeeze %dma_start3A_21 : memref<1x128xi32, #tpu.memory_space<hbm>> -> memref<128xi32, #tpu.memory_space<hbm>>
    %dma_start3A_23 = arith.constant 0 : i32
    %dma_start3A_24 = tpu.memref_slice %arg2[%mul3A_20, %dma_start3A_23] : memref<2560x128xi32, #tpu.memory_space<hbm>> -> memref<1x128xi32, #tpu.memory_space<hbm>>
    %dma_start3A_25 = tpu.memref_squeeze %dma_start3A_24 : memref<1x128xi32, #tpu.memory_space<hbm>> -> memref<128xi32, #tpu.memory_space<hbm>>
    tpu.enqueue_dma source(%dma_start3A_25 : memref<128xi32, #tpu.memory_space<hbm>>) target(%arg4 : memref<128xi32, #tpu.memory_space<vmem>>) target_semaphore(%arg9 : memref<!tpu.dma_semaphore, #tpu.memory_space<semaphore_mem>>)
    %scan3A_26 = arith.constant 0 : i32
    %scan3A_27 = arith.constant 0 : i32
    %scan3A_28 = arith.constant 40 : i32
    %scan3A_29 = arith.addi %scan3A_27, %scan3A_28 : i32
    %scan3A_30 = arith.constant 1 : i32
    %scan3A_31 = scf.for %scan3A_41 = %scan3A_27 to %scan3A_29 step %scan3A_30 iter_args(%scan3A_42 = %scan3A_26) -> (i32)  : i32 {
      %mul3A_43 = arith.constant 2 : i32
      %mul3A_44 = arith.muli %mul3A_43, %scan3A_41 : i32
      %mul3A_45 = arith.constant 80 : i32
      %mul3A_46 = arith.muli %add3A, %mul3A_45 : i32
      %add3A_47 = arith.addi %mul3A_46, %mul3A_44 : i32
      %add3A_48 = arith.constant 1 : i32
      %add3A_49 = arith.addi %add3A_47, %add3A_48 : i32
      %dma_start3A_50 = arith.constant 0 : i32
      %dma_start3A_51 = tpu.memref_slice %arg2[%add3A_49, %dma_start3A_50] : memref<2560x128xi32, #tpu.memory_space<hbm>> -> memref<1x128xi32, #tpu.memory_space<hbm>>
      %dma_start3A_52 = tpu.memref_squeeze %dma_start3A_51 : memref<1x128xi32, #tpu.memory_space<hbm>> -> memref<128xi32, #tpu.memory_space<hbm>>
      %dma_start3A_53 = arith.constant 0 : i32
      %dma_start3A_54 = tpu.memref_slice %arg2[%add3A_49, %dma_start3A_53] : memref<2560x128xi32, #tpu.memory_space<hbm>> -> memref<1x128xi32, #tpu.memory_space<hbm>>
      %dma_start3A_55 = tpu.memref_squeeze %dma_start3A_54 : memref<1x128xi32, #tpu.memory_space<hbm>> -> memref<128xi32, #tpu.memory_space<hbm>>
      tpu.enqueue_dma source(%dma_start3A_55 : memref<128xi32, #tpu.memory_space<hbm>>) target(%arg5 : memref<128xi32, #tpu.memory_space<vmem>>) target_semaphore(%arg10 : memref<!tpu.dma_semaphore, #tpu.memory_space<semaphore_mem>>)
      %dma_wait3A = arith.constant 0 : i32
      %dma_wait3A_56 = arith.constant 0 : i32
      %dma_wait3A_57 = tpu.memref_slice %arg2[%dma_wait3A, %dma_wait3A_56] : memref<2560x128xi32, #tpu.memory_space<hbm>> -> memref<1x128xi32, #tpu.memory_space<hbm>>
      %dma_wait3A_58 = tpu.memref_squeeze %dma_wait3A_57 : memref<1x128xi32, #tpu.memory_space<hbm>> -> memref<128xi32, #tpu.memory_space<hbm>>
      %dma_wait3A_59 = arith.constant 0 : i32
      %dma_wait3A_60 = tpu.memref_slice %arg2[%dma_wait3A, %dma_wait3A_59] : memref<2560x128xi32, #tpu.memory_space<hbm>> -> memref<1x128xi32, #tpu.memory_space<hbm>>
      %dma_wait3A_61 = tpu.memref_squeeze %dma_wait3A_60 : memref<1x128xi32, #tpu.memory_space<hbm>> -> memref<128xi32, #tpu.memory_space<hbm>>
      tpu.wait_dma2 semaphore(%arg9 : memref<!tpu.dma_semaphore, #tpu.memory_space<semaphore_mem>>) src(%dma_wait3A_61 : memref<128xi32, #tpu.memory_space<hbm>>) dst(%arg4 : memref<128xi32, #tpu.memory_space<vmem>>)
      "tpu.region"() ({
        %run_scoped3A = tpu.sem_alloc : memref<!tpu.dma_semaphore, #tpu.memory_space<semaphore_mem>>
        %dma_start3A_72 = arith.constant 0 : i32
        %dma_start3A_73 = arith.constant 0 : i32
        %dma_start3A_74 = tpu.memref_slice %arg8[%dma_start3A_72, %dma_start3A_73] : memref<10240x16xf32, #tpu.memory_space<vmem_shared>> -> memref<10240x16xf32, #tpu.memory_space<vmem_shared>>
        tpu.enqueue_indirect_dma source(%arg6 : memref<128x16xf32, #tpu.memory_space<vmem>>) target(%dma_start3A_74 : memref<10240x16xf32, #tpu.memory_space<vmem_shared>>) offsets(%arg4 : memref<128xi32, #tpu.memory_space<vmem>>) semaphore(%run_scoped3A : memref<!tpu.dma_semaphore, #tpu.memory_space<semaphore_mem>>) {add = true}
        %dma_wait3A_75 = arith.constant 0 : i32
        %dma_wait3A_76 = arith.constant 0 : i32
        %dma_wait3A_77 = tpu.memref_slice %arg8[%dma_wait3A_75, %dma_wait3A_76] : memref<10240x16xf32, #tpu.memory_space<vmem_shared>> -> memref<10240x16xf32, #tpu.memory_space<vmem_shared>>
        tpu.wait_indirect_dma semaphore(%run_scoped3A : memref<!tpu.dma_semaphore, #tpu.memory_space<semaphore_mem>>) src(%arg6 : memref<128x16xf32, #tpu.memory_space<vmem>>) dst(%dma_wait3A_77 : memref<10240x16xf32, #tpu.memory_space<vmem_shared>>)
        tpu.yield
      }) : () -> ()
      %lt3A = arith.constant 39 : i32
      %lt3A_62 = arith.cmpi slt, %scan3A_41, %lt3A : i32
      %convert_element_type3A = arith.extui %lt3A_62 : i1 to i32
      %cond3A = arith.constant 0 : i32
      %cond3A_63 = arith.cmpi ne, %convert_element_type3A, %cond3A : i32
      scf.if %cond3A_63 {
        %mul3A_72 = arith.constant 80 : i32
        %mul3A_73 = arith.muli %add3A, %mul3A_72 : i32
        %add3A_74 = arith.addi %mul3A_73, %mul3A_44 : i32
        %add3A_75 = arith.constant 2 : i32
        %add3A_76 = arith.addi %add3A_74, %add3A_75 : i32
        %dma_start3A_77 = arith.constant 0 : i32
        %dma_start3A_78 = tpu.memref_slice %arg2[%add3A_76, %dma_start3A_77] : memref<2560x128xi32, #tpu.memory_space<hbm>> -> memref<1x128xi32, #tpu.memory_space<hbm>>
        %dma_start3A_79 = tpu.memref_squeeze %dma_start3A_78 : memref<1x128xi32, #tpu.memory_space<hbm>> -> memref<128xi32, #tpu.memory_space<hbm>>
        %dma_start3A_80 = arith.constant 0 : i32
        %dma_start3A_81 = tpu.memref_slice %arg2[%add3A_76, %dma_start3A_80] : memref<2560x128xi32, #tpu.memory_space<hbm>> -> memref<1x128xi32, #tpu.memory_space<hbm>>
        %dma_start3A_82 = tpu.memref_squeeze %dma_start3A_81 : memref<1x128xi32, #tpu.memory_space<hbm>> -> memref<128xi32, #tpu.memory_space<hbm>>
        tpu.enqueue_dma source(%dma_start3A_82 : memref<128xi32, #tpu.memory_space<hbm>>) target(%arg4 : memref<128xi32, #tpu.memory_space<vmem>>) target_semaphore(%arg9 : memref<!tpu.dma_semaphore, #tpu.memory_space<semaphore_mem>>)
      } else {
      }
      %dma_wait3A_64 = arith.constant 0 : i32
      %dma_wait3A_65 = arith.constant 0 : i32
      %dma_wait3A_66 = tpu.memref_slice %arg2[%dma_wait3A_64, %dma_wait3A_65] : memref<2560x128xi32, #tpu.memory_space<hbm>> -> memref<1x128xi32, #tpu.memory_space<hbm>>
      %dma_wait3A_67 = tpu.memref_squeeze %dma_wait3A_66 : memref<1x128xi32, #tpu.memory_space<hbm>> -> memref<128xi32, #tpu.memory_space<hbm>>
      %dma_wait3A_68 = arith.constant 0 : i32
      %dma_wait3A_69 = tpu.memref_slice %arg2[%dma_wait3A_64, %dma_wait3A_68] : memref<2560x128xi32, #tpu.memory_space<hbm>> -> memref<1x128xi32, #tpu.memory_space<hbm>>
      %dma_wait3A_70 = tpu.memref_squeeze %dma_wait3A_69 : memref<1x128xi32, #tpu.memory_space<hbm>> -> memref<128xi32, #tpu.memory_space<hbm>>
      tpu.wait_dma2 semaphore(%arg10 : memref<!tpu.dma_semaphore, #tpu.memory_space<semaphore_mem>>) src(%dma_wait3A_70 : memref<128xi32, #tpu.memory_space<hbm>>) dst(%arg5 : memref<128xi32, #tpu.memory_space<vmem>>)
      "tpu.region"() ({
        %run_scoped3A = tpu.sem_alloc : memref<!tpu.dma_semaphore, #tpu.memory_space<semaphore_mem>>
        %dma_start3A_72 = arith.constant 0 : i32
        %dma_start3A_73 = arith.constant 0 : i32
        %dma_start3A_74 = tpu.memref_slice %arg8[%dma_start3A_72, %dma_start3A_73] : memref<10240x16xf32, #tpu.memory_space<vmem_shared>> -> memref<10240x16xf32, #tpu.memory_space<vmem_shared>>
        tpu.enqueue_indirect_dma source(%arg6 : memref<128x16xf32, #tpu.memory_space<vmem>>) target(%dma_start3A_74 : memref<10240x16xf32, #tpu.memory_space<vmem_shared>>) offsets(%arg5 : memref<128xi32, #tpu.memory_space<vmem>>) semaphore(%run_scoped3A : memref<!tpu.dma_semaphore, #tpu.memory_space<semaphore_mem>>) {add = true}
        %dma_wait3A_75 = arith.constant 0 : i32
        %dma_wait3A_76 = arith.constant 0 : i32
        %dma_wait3A_77 = tpu.memref_slice %arg8[%dma_wait3A_75, %dma_wait3A_76] : memref<10240x16xf32, #tpu.memory_space<vmem_shared>> -> memref<10240x16xf32, #tpu.memory_space<vmem_shared>>
        tpu.wait_indirect_dma semaphore(%run_scoped3A : memref<!tpu.dma_semaphore, #tpu.memory_space<semaphore_mem>>) src(%arg6 : memref<128x16xf32, #tpu.memory_space<vmem>>) dst(%dma_wait3A_77 : memref<10240x16xf32, #tpu.memory_space<vmem_shared>>)
        tpu.yield
      }) : () -> ()
      %scan3A_71 = arith.constant 0 : i32
      scf.yield %scan3A_71 : i32
    }
    %scan3A_32 = arith.constant 40 : i32
    %barrier3A_33 = arith.constant 0 : index
    tpu.barrier barrier_id(%barrier3A_33)
    %mul3A_34 = arith.constant 640 : i32
    %mul3A_35 = arith.muli %arg1, %mul3A_34 : i32
    %mul3A_36 = arith.constant 10240 : i32
    %mul3A_37 = arith.muli %arg0, %mul3A_36 : i32
    %mul3A_38 = arith.constant 640 : i32
    %mul3A_39 = arith.muli %arg1, %mul3A_38 : i32
    %add3A_40 = arith.addi %mul3A_37, %mul3A_39 : i32
    "tpu.region"() ({
      %run_scoped3A = tpu.sem_alloc : memref<!tpu.dma_semaphore, #tpu.memory_space<semaphore_mem>>
      %dma_start3A_41 = arith.constant 0 : i32
      %dma_start3A_42 = tpu.memref_slice %arg3[%add3A_40, %dma_start3A_41] : memref<20480x16xf32, #tpu.memory_space<hbm>> -> memref<640x16xf32, #tpu.memory_space<hbm>>
      %dma_start3A_43 = arith.constant 0 : i32
      %dma_start3A_44 = tpu.memref_slice %arg8[%mul3A_35, %dma_start3A_43] : memref<10240x16xf32, #tpu.memory_space<vmem_shared>> -> memref<640x16xf32, #tpu.memory_space<vmem_shared>>
      tpu.enqueue_dma source(%dma_start3A_44 : memref<640x16xf32, #tpu.memory_space<vmem_shared>>) target(%dma_start3A_42 : memref<640x16xf32, #tpu.memory_space<hbm>>) target_semaphore(%run_scoped3A : memref<!tpu.dma_semaphore, #tpu.memory_space<semaphore_mem>>)
      %dma_wait3A = arith.constant 0 : i32
      %dma_wait3A_45 = tpu.memref_slice %arg3[%add3A_40, %dma_wait3A] : memref<20480x16xf32, #tpu.memory_space<hbm>> -> memref<640x16xf32, #tpu.memory_space<hbm>>
      %dma_wait3A_46 = arith.constant 0 : i32
      %dma_wait3A_47 = tpu.memref_slice %arg8[%mul3A_35, %dma_wait3A_46] : memref<10240x16xf32, #tpu.memory_space<vmem_shared>> -> memref<640x16xf32, #tpu.memory_space<vmem_shared>>
      tpu.wait_dma2 semaphore(%run_scoped3A : memref<!tpu.dma_semaphore, #tpu.memory_space<semaphore_mem>>) src(%dma_wait3A_47 : memref<640x16xf32, #tpu.memory_space<vmem_shared>>) dst(%dma_wait3A_45 : memref<640x16xf32, #tpu.memory_space<hbm>>)
      tpu.yield
    }) : () -> ()
    return
  }
}

#map = affine_map<(d0, d1) -> (0, 0)>
#map1 = affine_map<(d0, d1) -> (0, 0, 0)>
module attributes {stable_mosaic.version = 14 : i64} {
  func.func @_agg_kernel(%arg0: i32, %arg1: i32, %arg2: memref<10240x128xf32, #tpu.memory_space<hbm>>, %arg3: memref<32x80x128xi32, #tpu.memory_space<hbm>>, %arg4: memref<5120x64xi32, #tpu.memory_space<hbm>>, %arg5: memref<20480x128xf32, #tpu.memory_space<hbm>>, %arg6: memref<80x128xi32, #tpu.memory_space<vmem>>, %arg7: memref<64xi32, #tpu.memory_space<vmem>>, %arg8: memref<64xi32, #tpu.memory_space<vmem>>, %arg9: memref<64xi32, #tpu.memory_space<vmem>>, %arg10: memref<64xi32, #tpu.memory_space<vmem>>, %arg11: memref<64x128xf32, #tpu.memory_space<vmem>>, %arg12: memref<64x128xf32, #tpu.memory_space<vmem>>, %arg13: memref<64x128xf32, #tpu.memory_space<vmem>>, %arg14: memref<64x128xf32, #tpu.memory_space<vmem>>, %arg15: memref<10240x128xf32, #tpu.memory_space<vmem_shared>>, %arg16: memref<!tpu.dma_semaphore, #tpu.memory_space<semaphore_mem>>, %arg17: memref<!tpu.dma_semaphore, #tpu.memory_space<semaphore_mem>>, %arg18: memref<!tpu.dma_semaphore, #tpu.memory_space<semaphore_mem>>, %arg19: memref<!tpu.dma_semaphore, #tpu.memory_space<semaphore_mem>>, %arg20: memref<!tpu.dma_semaphore, #tpu.memory_space<semaphore_mem>>, %arg21: memref<!tpu.dma_semaphore, #tpu.memory_space<semaphore_mem>>, %arg22: memref<!tpu.dma_semaphore, #tpu.memory_space<semaphore_mem>>, %arg23: memref<!tpu.dma_semaphore, #tpu.memory_space<semaphore_mem>>, %arg24: memref<!tpu.dma_semaphore, #tpu.memory_space<semaphore_mem>>, %arg25: memref<!tpu.dma_semaphore, #tpu.memory_space<semaphore_mem>>, %arg26: memref<!tpu.dma_semaphore, #tpu.memory_space<semaphore_mem>>, %arg27: memref<!tpu.dma_semaphore, #tpu.memory_space<semaphore_mem>>) attributes {dimension_semantics = [#tpu.dimension_semantics<core_parallel>, #tpu.dimension_semantics<subcore_parallel>], iteration_bounds = array<i64: 2, 16>, scalar_prefetch = 0 : i64, scratch_operands = 22 : i64, tpu.core_type = #tpu.core_type<sc_vector_subcore>, window_params = [{transform_indices = #map}, {transform_indices = #map1}, {transform_indices = #map}, {transform_indices = #map}]} {
    %mul3A = arith.constant 16 : i32
    %mul3A_0 = arith.muli %arg0, %mul3A : i32
    %add3A = arith.addi %mul3A_0, %arg1 : i32
    %scan3A = arith.constant 0 : i32
    %scan3A_1 = arith.constant 0 : i32
    %scan3A_2 = arith.constant 64 : i32
    %scan3A_3 = arith.addi %scan3A_1, %scan3A_2 : i32
    %scan3A_4 = arith.constant 1 : i32
    %scan3A_5 = scf.for %scan3A_77 = %scan3A_1 to %scan3A_3 step %scan3A_4 iter_args(%scan3A_78 = %scan3A) -> (i32)  : i32 {
      %broadcast_in_dim3A = arith.constant 0.000000e+00 : f32
      %broadcast_in_dim3A_79 = vector.broadcast %broadcast_in_dim3A : f32 to vector<16xf32>
      %swap3A = arith.index_cast %scan3A_77 : i32 to index
      %swap3A_80 = arith.constant 0 : index
      %swap3A_81 = tpu.vector_load %arg11[%swap3A, %swap3A_80] {strides = array<i32>} : memref<64x128xf32, #tpu.memory_space<vmem>>, vector<1x16xf32>,
      %swap3A_82 = vector.shape_cast %swap3A_81 : vector<1x16xf32> to vector<16xf32>
      %swap3A_83 = vector.shape_cast %broadcast_in_dim3A_79 : vector<16xf32> to vector<1x16xf32>
      tpu.vector_store %arg11[%swap3A, %swap3A_80], %swap3A_83 {strides = array<i32>} : memref<64x128xf32, #tpu.memory_space<vmem>>, vector<1x16xf32>,
      %broadcast_in_dim3A_84 = arith.constant 0.000000e+00 : f32
      %broadcast_in_dim3A_85 = vector.broadcast %broadcast_in_dim3A_84 : f32 to vector<16xf32>
      %swap3A_86 = arith.index_cast %scan3A_77 : i32 to index
      %swap3A_87 = arith.constant 16 : index
      %swap3A_88 = tpu.vector_load %arg11[%swap3A_86, %swap3A_87] {strides = array<i32>} : memref<64x128xf32, #tpu.memory_space<vmem>>, vector<1x16xf32>,
      %swap3A_89 = vector.shape_cast %swap3A_88 : vector<1x16xf32> to vector<16xf32>
      %swap3A_90 = vector.shape_cast %broadcast_in_dim3A_85 : vector<16xf32> to vector<1x16xf32>
      tpu.vector_store %arg11[%swap3A_86, %swap3A_87], %swap3A_90 {strides = array<i32>} : memref<64x128xf32, #tpu.memory_space<vmem>>, vector<1x16xf32>,
      %broadcast_in_dim3A_91 = arith.constant 0.000000e+00 : f32
      %broadcast_in_dim3A_92 = vector.broadcast %broadcast_in_dim3A_91 : f32 to vector<16xf32>
      %swap3A_93 = arith.index_cast %scan3A_77 : i32 to index
      %swap3A_94 = arith.constant 32 : index
      %swap3A_95 = tpu.vector_load %arg11[%swap3A_93, %swap3A_94] {strides = array<i32>} : memref<64x128xf32, #tpu.memory_space<vmem>>, vector<1x16xf32>,
      %swap3A_96 = vector.shape_cast %swap3A_95 : vector<1x16xf32> to vector<16xf32>
      %swap3A_97 = vector.shape_cast %broadcast_in_dim3A_92 : vector<16xf32> to vector<1x16xf32>
      tpu.vector_store %arg11[%swap3A_93, %swap3A_94], %swap3A_97 {strides = array<i32>} : memref<64x128xf32, #tpu.memory_space<vmem>>, vector<1x16xf32>,
      %broadcast_in_dim3A_98 = arith.constant 0.000000e+00 : f32
      %broadcast_in_dim3A_99 = vector.broadcast %broadcast_in_dim3A_98 : f32 to vector<16xf32>
      %swap3A_100 = arith.index_cast %scan3A_77 : i32 to index
      %swap3A_101 = arith.constant 48 : index
      %swap3A_102 = tpu.vector_load %arg11[%swap3A_100, %swap3A_101] {strides = array<i32>} : memref<64x128xf32, #tpu.memory_space<vmem>>, vector<1x16xf32>,
      %swap3A_103 = vector.shape_cast %swap3A_102 : vector<1x16xf32> to vector<16xf32>
      %swap3A_104 = vector.shape_cast %broadcast_in_dim3A_99 : vector<16xf32> to vector<1x16xf32>
      tpu.vector_store %arg11[%swap3A_100, %swap3A_101], %swap3A_104 {strides = array<i32>} : memref<64x128xf32, #tpu.memory_space<vmem>>, vector<1x16xf32>,
      %broadcast_in_dim3A_105 = arith.constant 0.000000e+00 : f32
      %broadcast_in_dim3A_106 = vector.broadcast %broadcast_in_dim3A_105 : f32 to vector<16xf32>
      %swap3A_107 = arith.index_cast %scan3A_77 : i32 to index
      %swap3A_108 = arith.constant 64 : index
      %swap3A_109 = tpu.vector_load %arg11[%swap3A_107, %swap3A_108] {strides = array<i32>} : memref<64x128xf32, #tpu.memory_space<vmem>>, vector<1x16xf32>,
      %swap3A_110 = vector.shape_cast %swap3A_109 : vector<1x16xf32> to vector<16xf32>
      %swap3A_111 = vector.shape_cast %broadcast_in_dim3A_106 : vector<16xf32> to vector<1x16xf32>
      tpu.vector_store %arg11[%swap3A_107, %swap3A_108], %swap3A_111 {strides = array<i32>} : memref<64x128xf32, #tpu.memory_space<vmem>>, vector<1x16xf32>,
      %broadcast_in_dim3A_112 = arith.constant 0.000000e+00 : f32
      %broadcast_in_dim3A_113 = vector.broadcast %broadcast_in_dim3A_112 : f32 to vector<16xf32>
      %swap3A_114 = arith.index_cast %scan3A_77 : i32 to index
      %swap3A_115 = arith.constant 80 : index
      %swap3A_116 = tpu.vector_load %arg11[%swap3A_114, %swap3A_115] {strides = array<i32>} : memref<64x128xf32, #tpu.memory_space<vmem>>, vector<1x16xf32>,
      %swap3A_117 = vector.shape_cast %swap3A_116 : vector<1x16xf32> to vector<16xf32>
      %swap3A_118 = vector.shape_cast %broadcast_in_dim3A_113 : vector<16xf32> to vector<1x16xf32>
      tpu.vector_store %arg11[%swap3A_114, %swap3A_115], %swap3A_118 {strides = array<i32>} : memref<64x128xf32, #tpu.memory_space<vmem>>, vector<1x16xf32>,
      %broadcast_in_dim3A_119 = arith.constant 0.000000e+00 : f32
      %broadcast_in_dim3A_120 = vector.broadcast %broadcast_in_dim3A_119 : f32 to vector<16xf32>
      %swap3A_121 = arith.index_cast %scan3A_77 : i32 to index
      %swap3A_122 = arith.constant 96 : index
      %swap3A_123 = tpu.vector_load %arg11[%swap3A_121, %swap3A_122] {strides = array<i32>} : memref<64x128xf32, #tpu.memory_space<vmem>>, vector<1x16xf32>,
      %swap3A_124 = vector.shape_cast %swap3A_123 : vector<1x16xf32> to vector<16xf32>
      %swap3A_125 = vector.shape_cast %broadcast_in_dim3A_120 : vector<16xf32> to vector<1x16xf32>
      tpu.vector_store %arg11[%swap3A_121, %swap3A_122], %swap3A_125 {strides = array<i32>} : memref<64x128xf32, #tpu.memory_space<vmem>>, vector<1x16xf32>,
      %broadcast_in_dim3A_126 = arith.constant 0.000000e+00 : f32
      %broadcast_in_dim3A_127 = vector.broadcast %broadcast_in_dim3A_126 : f32 to vector<16xf32>
      %swap3A_128 = arith.index_cast %scan3A_77 : i32 to index
      %swap3A_129 = arith.constant 112 : index
      %swap3A_130 = tpu.vector_load %arg11[%swap3A_128, %swap3A_129] {strides = array<i32>} : memref<64x128xf32, #tpu.memory_space<vmem>>, vector<1x16xf32>,
      %swap3A_131 = vector.shape_cast %swap3A_130 : vector<1x16xf32> to vector<16xf32>
      %swap3A_132 = vector.shape_cast %broadcast_in_dim3A_127 : vector<16xf32> to vector<1x16xf32>
      tpu.vector_store %arg11[%swap3A_128, %swap3A_129], %swap3A_132 {strides = array<i32>} : memref<64x128xf32, #tpu.memory_space<vmem>>, vector<1x16xf32>,
      %scan3A_133 = arith.constant 0 : i32
      scf.yield %scan3A_133 : i32
    }
    %scan3A_6 = arith.constant 64 : i32
    %mul3A_7 = arith.constant 640 : i32
    %mul3A_8 = arith.muli %arg1, %mul3A_7 : i32
    %add3A_9 = arith.constant 0 : i32
    %add3A_10 = arith.addi %mul3A_8, %add3A_9 : i32
    "tpu.region"() ({
      %run_scoped3A = tpu.sem_alloc : memref<!tpu.dma_semaphore, #tpu.memory_space<semaphore_mem>>
      %dma_start3A_77 = arith.constant 0 : i32
      %dma_start3A_78 = tpu.memref_slice %arg15[%add3A_10, %dma_start3A_77] : memref<10240x128xf32, #tpu.memory_space<vmem_shared>> -> memref<64x128xf32, #tpu.memory_space<vmem_shared>>
      %dma_start3A_79 = arith.constant 0 : i32
      %dma_start3A_80 = tpu.memref_slice %arg15[%add3A_10, %dma_start3A_79] : memref<10240x128xf32, #tpu.memory_space<vmem_shared>> -> memref<64x128xf32, #tpu.memory_space<vmem_shared>>
      tpu.enqueue_dma source(%arg11 : memref<64x128xf32, #tpu.memory_space<vmem>>) target(%dma_start3A_80 : memref<64x128xf32, #tpu.memory_space<vmem_shared>>) target_semaphore(%run_scoped3A : memref<!tpu.dma_semaphore, #tpu.memory_space<semaphore_mem>>)
      %dma_wait3A = arith.constant 0 : i32
      %dma_wait3A_81 = tpu.memref_slice %arg15[%add3A_10, %dma_wait3A] : memref<10240x128xf32, #tpu.memory_space<vmem_shared>> -> memref<64x128xf32, #tpu.memory_space<vmem_shared>>
      %dma_wait3A_82 = arith.constant 0 : i32
      %dma_wait3A_83 = tpu.memref_slice %arg15[%add3A_10, %dma_wait3A_82] : memref<10240x128xf32, #tpu.memory_space<vmem_shared>> -> memref<64x128xf32, #tpu.memory_space<vmem_shared>>
      tpu.wait_dma2 semaphore(%run_scoped3A : memref<!tpu.dma_semaphore, #tpu.memory_space<semaphore_mem>>) src(%arg11 : memref<64x128xf32, #tpu.memory_space<vmem>>) dst(%dma_wait3A_83 : memref<64x128xf32, #tpu.memory_space<vmem_shared>>)
      tpu.yield
    }) : () -> ()
    %add3A_11 = arith.constant 64 : i32
    %add3A_12 = arith.addi %mul3A_8, %add3A_11 : i32
    "tpu.region"() ({
      %run_scoped3A = tpu.sem_alloc : memref<!tpu.dma_semaphore, #tpu.memory_space<semaphore_mem>>
      %dma_start3A_77 = arith.constant 0 : i32
      %dma_start3A_78 = tpu.memref_slice %arg15[%add3A_12, %dma_start3A_77] : memref<10240x128xf32, #tpu.memory_space<vmem_shared>> -> memref<64x128xf32, #tpu.memory_space<vmem_shared>>
      %dma_start3A_79 = arith.constant 0 : i32
      %dma_start3A_80 = tpu.memref_slice %arg15[%add3A_12, %dma_start3A_79] : memref<10240x128xf32, #tpu.memory_space<vmem_shared>> -> memref<64x128xf32, #tpu.memory_space<vmem_shared>>
      tpu.enqueue_dma source(%arg11 : memref<64x128xf32, #tpu.memory_space<vmem>>) target(%dma_start3A_80 : memref<64x128xf32, #tpu.memory_space<vmem_shared>>) target_semaphore(%run_scoped3A : memref<!tpu.dma_semaphore, #tpu.memory_space<semaphore_mem>>)
      %dma_wait3A = arith.constant 0 : i32
      %dma_wait3A_81 = tpu.memref_slice %arg15[%add3A_12, %dma_wait3A] : memref<10240x128xf32, #tpu.memory_space<vmem_shared>> -> memref<64x128xf32, #tpu.memory_space<vmem_shared>>
      %dma_wait3A_82 = arith.constant 0 : i32
      %dma_wait3A_83 = tpu.memref_slice %arg15[%add3A_12, %dma_wait3A_82] : memref<10240x128xf32, #tpu.memory_space<vmem_shared>> -> memref<64x128xf32, #tpu.memory_space<vmem_shared>>
      tpu.wait_dma2 semaphore(%run_scoped3A : memref<!tpu.dma_semaphore, #tpu.memory_space<semaphore_mem>>) src(%arg11 : memref<64x128xf32, #tpu.memory_space<vmem>>) dst(%dma_wait3A_83 : memref<64x128xf32, #tpu.memory_space<vmem_shared>>)
      tpu.yield
    }) : () -> ()
    %add3A_13 = arith.constant 128 : i32
    %add3A_14 = arith.addi %mul3A_8, %add3A_13 : i32
    "tpu.region"() ({
      %run_scoped3A = tpu.sem_alloc : memref<!tpu.dma_semaphore, #tpu.memory_space<semaphore_mem>>
      %dma_start3A_77 = arith.constant 0 : i32
      %dma_start3A_78 = tpu.memref_slice %arg15[%add3A_14, %dma_start3A_77] : memref<10240x128xf32, #tpu.memory_space<vmem_shared>> -> memref<64x128xf32, #tpu.memory_space<vmem_shared>>
      %dma_start3A_79 = arith.constant 0 : i32
      %dma_start3A_80 = tpu.memref_slice %arg15[%add3A_14, %dma_start3A_79] : memref<10240x128xf32, #tpu.memory_space<vmem_shared>> -> memref<64x128xf32, #tpu.memory_space<vmem_shared>>
      tpu.enqueue_dma source(%arg11 : memref<64x128xf32, #tpu.memory_space<vmem>>) target(%dma_start3A_80 : memref<64x128xf32, #tpu.memory_space<vmem_shared>>) target_semaphore(%run_scoped3A : memref<!tpu.dma_semaphore, #tpu.memory_space<semaphore_mem>>)
      %dma_wait3A = arith.constant 0 : i32
      %dma_wait3A_81 = tpu.memref_slice %arg15[%add3A_14, %dma_wait3A] : memref<10240x128xf32, #tpu.memory_space<vmem_shared>> -> memref<64x128xf32, #tpu.memory_space<vmem_shared>>
      %dma_wait3A_82 = arith.constant 0 : i32
      %dma_wait3A_83 = tpu.memref_slice %arg15[%add3A_14, %dma_wait3A_82] : memref<10240x128xf32, #tpu.memory_space<vmem_shared>> -> memref<64x128xf32, #tpu.memory_space<vmem_shared>>
      tpu.wait_dma2 semaphore(%run_scoped3A : memref<!tpu.dma_semaphore, #tpu.memory_space<semaphore_mem>>) src(%arg11 : memref<64x128xf32, #tpu.memory_space<vmem>>) dst(%dma_wait3A_83 : memref<64x128xf32, #tpu.memory_space<vmem_shared>>)
      tpu.yield
    }) : () -> ()
    %add3A_15 = arith.constant 192 : i32
    %add3A_16 = arith.addi %mul3A_8, %add3A_15 : i32
    "tpu.region"() ({
      %run_scoped3A = tpu.sem_alloc : memref<!tpu.dma_semaphore, #tpu.memory_space<semaphore_mem>>
      %dma_start3A_77 = arith.constant 0 : i32
      %dma_start3A_78 = tpu.memref_slice %arg15[%add3A_16, %dma_start3A_77] : memref<10240x128xf32, #tpu.memory_space<vmem_shared>> -> memref<64x128xf32, #tpu.memory_space<vmem_shared>>
      %dma_start3A_79 = arith.constant 0 : i32
      %dma_start3A_80 = tpu.memref_slice %arg15[%add3A_16, %dma_start3A_79] : memref<10240x128xf32, #tpu.memory_space<vmem_shared>> -> memref<64x128xf32, #tpu.memory_space<vmem_shared>>
      tpu.enqueue_dma source(%arg11 : memref<64x128xf32, #tpu.memory_space<vmem>>) target(%dma_start3A_80 : memref<64x128xf32, #tpu.memory_space<vmem_shared>>) target_semaphore(%run_scoped3A : memref<!tpu.dma_semaphore, #tpu.memory_space<semaphore_mem>>)
      %dma_wait3A = arith.constant 0 : i32
      %dma_wait3A_81 = tpu.memref_slice %arg15[%add3A_16, %dma_wait3A] : memref<10240x128xf32, #tpu.memory_space<vmem_shared>> -> memref<64x128xf32, #tpu.memory_space<vmem_shared>>
      %dma_wait3A_82 = arith.constant 0 : i32
      %dma_wait3A_83 = tpu.memref_slice %arg15[%add3A_16, %dma_wait3A_82] : memref<10240x128xf32, #tpu.memory_space<vmem_shared>> -> memref<64x128xf32, #tpu.memory_space<vmem_shared>>
      tpu.wait_dma2 semaphore(%run_scoped3A : memref<!tpu.dma_semaphore, #tpu.memory_space<semaphore_mem>>) src(%arg11 : memref<64x128xf32, #tpu.memory_space<vmem>>) dst(%dma_wait3A_83 : memref<64x128xf32, #tpu.memory_space<vmem_shared>>)
      tpu.yield
    }) : () -> ()
    %add3A_17 = arith.constant 256 : i32
    %add3A_18 = arith.addi %mul3A_8, %add3A_17 : i32
    "tpu.region"() ({
      %run_scoped3A = tpu.sem_alloc : memref<!tpu.dma_semaphore, #tpu.memory_space<semaphore_mem>>
      %dma_start3A_77 = arith.constant 0 : i32
      %dma_start3A_78 = tpu.memref_slice %arg15[%add3A_18, %dma_start3A_77] : memref<10240x128xf32, #tpu.memory_space<vmem_shared>> -> memref<64x128xf32, #tpu.memory_space<vmem_shared>>
      %dma_start3A_79 = arith.constant 0 : i32
      %dma_start3A_80 = tpu.memref_slice %arg15[%add3A_18, %dma_start3A_79] : memref<10240x128xf32, #tpu.memory_space<vmem_shared>> -> memref<64x128xf32, #tpu.memory_space<vmem_shared>>
      tpu.enqueue_dma source(%arg11 : memref<64x128xf32, #tpu.memory_space<vmem>>) target(%dma_start3A_80 : memref<64x128xf32, #tpu.memory_space<vmem_shared>>) target_semaphore(%run_scoped3A : memref<!tpu.dma_semaphore, #tpu.memory_space<semaphore_mem>>)
      %dma_wait3A = arith.constant 0 : i32
      %dma_wait3A_81 = tpu.memref_slice %arg15[%add3A_18, %dma_wait3A] : memref<10240x128xf32, #tpu.memory_space<vmem_shared>> -> memref<64x128xf32, #tpu.memory_space<vmem_shared>>
      %dma_wait3A_82 = arith.constant 0 : i32
      %dma_wait3A_83 = tpu.memref_slice %arg15[%add3A_18, %dma_wait3A_82] : memref<10240x128xf32, #tpu.memory_space<vmem_shared>> -> memref<64x128xf32, #tpu.memory_space<vmem_shared>>
      tpu.wait_dma2 semaphore(%run_scoped3A : memref<!tpu.dma_semaphore, #tpu.memory_space<semaphore_mem>>) src(%arg11 : memref<64x128xf32, #tpu.memory_space<vmem>>) dst(%dma_wait3A_83 : memref<64x128xf32, #tpu.memory_space<vmem_shared>>)
      tpu.yield
    }) : () -> ()
    %add3A_19 = arith.constant 320 : i32
    %add3A_20 = arith.addi %mul3A_8, %add3A_19 : i32
    "tpu.region"() ({
      %run_scoped3A = tpu.sem_alloc : memref<!tpu.dma_semaphore, #tpu.memory_space<semaphore_mem>>
      %dma_start3A_77 = arith.constant 0 : i32
      %dma_start3A_78 = tpu.memref_slice %arg15[%add3A_20, %dma_start3A_77] : memref<10240x128xf32, #tpu.memory_space<vmem_shared>> -> memref<64x128xf32, #tpu.memory_space<vmem_shared>>
      %dma_start3A_79 = arith.constant 0 : i32
      %dma_start3A_80 = tpu.memref_slice %arg15[%add3A_20, %dma_start3A_79] : memref<10240x128xf32, #tpu.memory_space<vmem_shared>> -> memref<64x128xf32, #tpu.memory_space<vmem_shared>>
      tpu.enqueue_dma source(%arg11 : memref<64x128xf32, #tpu.memory_space<vmem>>) target(%dma_start3A_80 : memref<64x128xf32, #tpu.memory_space<vmem_shared>>) target_semaphore(%run_scoped3A : memref<!tpu.dma_semaphore, #tpu.memory_space<semaphore_mem>>)
      %dma_wait3A = arith.constant 0 : i32
      %dma_wait3A_81 = tpu.memref_slice %arg15[%add3A_20, %dma_wait3A] : memref<10240x128xf32, #tpu.memory_space<vmem_shared>> -> memref<64x128xf32, #tpu.memory_space<vmem_shared>>
      %dma_wait3A_82 = arith.constant 0 : i32
      %dma_wait3A_83 = tpu.memref_slice %arg15[%add3A_20, %dma_wait3A_82] : memref<10240x128xf32, #tpu.memory_space<vmem_shared>> -> memref<64x128xf32, #tpu.memory_space<vmem_shared>>
      tpu.wait_dma2 semaphore(%run_scoped3A : memref<!tpu.dma_semaphore, #tpu.memory_space<semaphore_mem>>) src(%arg11 : memref<64x128xf32, #tpu.memory_space<vmem>>) dst(%dma_wait3A_83 : memref<64x128xf32, #tpu.memory_space<vmem_shared>>)
      tpu.yield
    }) : () -> ()
    %add3A_21 = arith.constant 384 : i32
    %add3A_22 = arith.addi %mul3A_8, %add3A_21 : i32
    "tpu.region"() ({
      %run_scoped3A = tpu.sem_alloc : memref<!tpu.dma_semaphore, #tpu.memory_space<semaphore_mem>>
      %dma_start3A_77 = arith.constant 0 : i32
      %dma_start3A_78 = tpu.memref_slice %arg15[%add3A_22, %dma_start3A_77] : memref<10240x128xf32, #tpu.memory_space<vmem_shared>> -> memref<64x128xf32, #tpu.memory_space<vmem_shared>>
      %dma_start3A_79 = arith.constant 0 : i32
      %dma_start3A_80 = tpu.memref_slice %arg15[%add3A_22, %dma_start3A_79] : memref<10240x128xf32, #tpu.memory_space<vmem_shared>> -> memref<64x128xf32, #tpu.memory_space<vmem_shared>>
      tpu.enqueue_dma source(%arg11 : memref<64x128xf32, #tpu.memory_space<vmem>>) target(%dma_start3A_80 : memref<64x128xf32, #tpu.memory_space<vmem_shared>>) target_semaphore(%run_scoped3A : memref<!tpu.dma_semaphore, #tpu.memory_space<semaphore_mem>>)
      %dma_wait3A = arith.constant 0 : i32
      %dma_wait3A_81 = tpu.memref_slice %arg15[%add3A_22, %dma_wait3A] : memref<10240x128xf32, #tpu.memory_space<vmem_shared>> -> memref<64x128xf32, #tpu.memory_space<vmem_shared>>
      %dma_wait3A_82 = arith.constant 0 : i32
      %dma_wait3A_83 = tpu.memref_slice %arg15[%add3A_22, %dma_wait3A_82] : memref<10240x128xf32, #tpu.memory_space<vmem_shared>> -> memref<64x128xf32, #tpu.memory_space<vmem_shared>>
      tpu.wait_dma2 semaphore(%run_scoped3A : memref<!tpu.dma_semaphore, #tpu.memory_space<semaphore_mem>>) src(%arg11 : memref<64x128xf32, #tpu.memory_space<vmem>>) dst(%dma_wait3A_83 : memref<64x128xf32, #tpu.memory_space<vmem_shared>>)
      tpu.yield
    }) : () -> ()
    %add3A_23 = arith.constant 448 : i32
    %add3A_24 = arith.addi %mul3A_8, %add3A_23 : i32
    "tpu.region"() ({
      %run_scoped3A = tpu.sem_alloc : memref<!tpu.dma_semaphore, #tpu.memory_space<semaphore_mem>>
      %dma_start3A_77 = arith.constant 0 : i32
      %dma_start3A_78 = tpu.memref_slice %arg15[%add3A_24, %dma_start3A_77] : memref<10240x128xf32, #tpu.memory_space<vmem_shared>> -> memref<64x128xf32, #tpu.memory_space<vmem_shared>>
      %dma_start3A_79 = arith.constant 0 : i32
      %dma_start3A_80 = tpu.memref_slice %arg15[%add3A_24, %dma_start3A_79] : memref<10240x128xf32, #tpu.memory_space<vmem_shared>> -> memref<64x128xf32, #tpu.memory_space<vmem_shared>>
      tpu.enqueue_dma source(%arg11 : memref<64x128xf32, #tpu.memory_space<vmem>>) target(%dma_start3A_80 : memref<64x128xf32, #tpu.memory_space<vmem_shared>>) target_semaphore(%run_scoped3A : memref<!tpu.dma_semaphore, #tpu.memory_space<semaphore_mem>>)
      %dma_wait3A = arith.constant 0 : i32
      %dma_wait3A_81 = tpu.memref_slice %arg15[%add3A_24, %dma_wait3A] : memref<10240x128xf32, #tpu.memory_space<vmem_shared>> -> memref<64x128xf32, #tpu.memory_space<vmem_shared>>
      %dma_wait3A_82 = arith.constant 0 : i32
      %dma_wait3A_83 = tpu.memref_slice %arg15[%add3A_24, %dma_wait3A_82] : memref<10240x128xf32, #tpu.memory_space<vmem_shared>> -> memref<64x128xf32, #tpu.memory_space<vmem_shared>>
      tpu.wait_dma2 semaphore(%run_scoped3A : memref<!tpu.dma_semaphore, #tpu.memory_space<semaphore_mem>>) src(%arg11 : memref<64x128xf32, #tpu.memory_space<vmem>>) dst(%dma_wait3A_83 : memref<64x128xf32, #tpu.memory_space<vmem_shared>>)
      tpu.yield
    }) : () -> ()
    %add3A_25 = arith.constant 512 : i32
    %add3A_26 = arith.addi %mul3A_8, %add3A_25 : i32
    "tpu.region"() ({
      %run_scoped3A = tpu.sem_alloc : memref<!tpu.dma_semaphore, #tpu.memory_space<semaphore_mem>>
      %dma_start3A_77 = arith.constant 0 : i32
      %dma_start3A_78 = tpu.memref_slice %arg15[%add3A_26, %dma_start3A_77] : memref<10240x128xf32, #tpu.memory_space<vmem_shared>> -> memref<64x128xf32, #tpu.memory_space<vmem_shared>>
      %dma_start3A_79 = arith.constant 0 : i32
      %dma_start3A_80 = tpu.memref_slice %arg15[%add3A_26, %dma_start3A_79] : memref<10240x128xf32, #tpu.memory_space<vmem_shared>> -> memref<64x128xf32, #tpu.memory_space<vmem_shared>>
      tpu.enqueue_dma source(%arg11 : memref<64x128xf32, #tpu.memory_space<vmem>>) target(%dma_start3A_80 : memref<64x128xf32, #tpu.memory_space<vmem_shared>>) target_semaphore(%run_scoped3A : memref<!tpu.dma_semaphore, #tpu.memory_space<semaphore_mem>>)
      %dma_wait3A = arith.constant 0 : i32
      %dma_wait3A_81 = tpu.memref_slice %arg15[%add3A_26, %dma_wait3A] : memref<10240x128xf32, #tpu.memory_space<vmem_shared>> -> memref<64x128xf32, #tpu.memory_space<vmem_shared>>
      %dma_wait3A_82 = arith.constant 0 : i32
      %dma_wait3A_83 = tpu.memref_slice %arg15[%add3A_26, %dma_wait3A_82] : memref<10240x128xf32, #tpu.memory_space<vmem_shared>> -> memref<64x128xf32, #tpu.memory_space<vmem_shared>>
      tpu.wait_dma2 semaphore(%run_scoped3A : memref<!tpu.dma_semaphore, #tpu.memory_space<semaphore_mem>>) src(%arg11 : memref<64x128xf32, #tpu.memory_space<vmem>>) dst(%dma_wait3A_83 : memref<64x128xf32, #tpu.memory_space<vmem_shared>>)
      tpu.yield
    }) : () -> ()
    %add3A_27 = arith.constant 576 : i32
    %add3A_28 = arith.addi %mul3A_8, %add3A_27 : i32
    "tpu.region"() ({
      %run_scoped3A = tpu.sem_alloc : memref<!tpu.dma_semaphore, #tpu.memory_space<semaphore_mem>>
      %dma_start3A_77 = arith.constant 0 : i32
      %dma_start3A_78 = tpu.memref_slice %arg15[%add3A_28, %dma_start3A_77] : memref<10240x128xf32, #tpu.memory_space<vmem_shared>> -> memref<64x128xf32, #tpu.memory_space<vmem_shared>>
      %dma_start3A_79 = arith.constant 0 : i32
      %dma_start3A_80 = tpu.memref_slice %arg15[%add3A_28, %dma_start3A_79] : memref<10240x128xf32, #tpu.memory_space<vmem_shared>> -> memref<64x128xf32, #tpu.memory_space<vmem_shared>>
      tpu.enqueue_dma source(%arg11 : memref<64x128xf32, #tpu.memory_space<vmem>>) target(%dma_start3A_80 : memref<64x128xf32, #tpu.memory_space<vmem_shared>>) target_semaphore(%run_scoped3A : memref<!tpu.dma_semaphore, #tpu.memory_space<semaphore_mem>>)
      %dma_wait3A = arith.constant 0 : i32
      %dma_wait3A_81 = tpu.memref_slice %arg15[%add3A_28, %dma_wait3A] : memref<10240x128xf32, #tpu.memory_space<vmem_shared>> -> memref<64x128xf32, #tpu.memory_space<vmem_shared>>
      %dma_wait3A_82 = arith.constant 0 : i32
      %dma_wait3A_83 = tpu.memref_slice %arg15[%add3A_28, %dma_wait3A_82] : memref<10240x128xf32, #tpu.memory_space<vmem_shared>> -> memref<64x128xf32, #tpu.memory_space<vmem_shared>>
      tpu.wait_dma2 semaphore(%run_scoped3A : memref<!tpu.dma_semaphore, #tpu.memory_space<semaphore_mem>>) src(%arg11 : memref<64x128xf32, #tpu.memory_space<vmem>>) dst(%dma_wait3A_83 : memref<64x128xf32, #tpu.memory_space<vmem_shared>>)
      tpu.yield
    }) : () -> ()
    %barrier3A = arith.constant 0 : index
    tpu.barrier barrier_id(%barrier3A)
    "tpu.region"() ({
      %run_scoped3A = tpu.sem_alloc : memref<!tpu.dma_semaphore, #tpu.memory_space<semaphore_mem>>
      %dma_start3A_77 = arith.constant 0 : i32
      %dma_start3A_78 = arith.constant 0 : i32
      %dma_start3A_79 = tpu.memref_slice %arg3[%add3A, %dma_start3A_77, %dma_start3A_78] : memref<32x80x128xi32, #tpu.memory_space<hbm>> -> memref<1x80x128xi32, #tpu.memory_space<hbm>>
      %dma_start3A_80 = tpu.memref_squeeze %dma_start3A_79 : memref<1x80x128xi32, #tpu.memory_space<hbm>> -> memref<80x128xi32, #tpu.memory_space<hbm>>
      %dma_start3A_81 = arith.constant 0 : i32
      %dma_start3A_82 = arith.constant 0 : i32
      %dma_start3A_83 = tpu.memref_slice %arg3[%add3A, %dma_start3A_81, %dma_start3A_82] : memref<32x80x128xi32, #tpu.memory_space<hbm>> -> memref<1x80x128xi32, #tpu.memory_space<hbm>>
      %dma_start3A_84 = tpu.memref_squeeze %dma_start3A_83 : memref<1x80x128xi32, #tpu.memory_space<hbm>> -> memref<80x128xi32, #tpu.memory_space<hbm>>
      tpu.enqueue_dma source(%dma_start3A_84 : memref<80x128xi32, #tpu.memory_space<hbm>>) target(%arg6 : memref<80x128xi32, #tpu.memory_space<vmem>>) target_semaphore(%run_scoped3A : memref<!tpu.dma_semaphore, #tpu.memory_space<semaphore_mem>>)
      %dma_wait3A = arith.constant 0 : i32
      %dma_wait3A_85 = arith.constant 0 : i32
      %dma_wait3A_86 = tpu.memref_slice %arg3[%add3A, %dma_wait3A, %dma_wait3A_85] : memref<32x80x128xi32, #tpu.memory_space<hbm>> -> memref<1x80x128xi32, #tpu.memory_space<hbm>>
      %dma_wait3A_87 = tpu.memref_squeeze %dma_wait3A_86 : memref<1x80x128xi32, #tpu.memory_space<hbm>> -> memref<80x128xi32, #tpu.memory_space<hbm>>
      %dma_wait3A_88 = arith.constant 0 : i32
      %dma_wait3A_89 = arith.constant 0 : i32
      %dma_wait3A_90 = tpu.memref_slice %arg3[%add3A, %dma_wait3A_88, %dma_wait3A_89] : memref<32x80x128xi32, #tpu.memory_space<hbm>> -> memref<1x80x128xi32, #tpu.memory_space<hbm>>
      %dma_wait3A_91 = tpu.memref_squeeze %dma_wait3A_90 : memref<1x80x128xi32, #tpu.memory_space<hbm>> -> memref<80x128xi32, #tpu.memory_space<hbm>>
      tpu.wait_dma2 semaphore(%run_scoped3A : memref<!tpu.dma_semaphore, #tpu.memory_space<semaphore_mem>>) src(%dma_wait3A_91 : memref<80x128xi32, #tpu.memory_space<hbm>>) dst(%arg6 : memref<80x128xi32, #tpu.memory_space<vmem>>)
      tpu.yield
    }) : () -> ()
    %dma_start3A = arith.constant 0 : i32
    %dma_start3A_29 = arith.constant 0 : i32
    %dma_start3A_30 = tpu.memref_slice %arg6[%dma_start3A, %dma_start3A_29] : memref<80x128xi32, #tpu.memory_space<vmem>> -> memref<1x64xi32, #tpu.memory_space<vmem>>
    %dma_start3A_31 = tpu.memref_squeeze %dma_start3A_30 : memref<1x64xi32, #tpu.memory_space<vmem>> -> memref<64xi32, #tpu.memory_space<vmem>>
    %dma_start3A_32 = arith.constant 0 : i32
    %dma_start3A_33 = arith.constant 0 : i32
    %dma_start3A_34 = tpu.memref_slice %arg2[%dma_start3A_32, %dma_start3A_33] : memref<10240x128xf32, #tpu.memory_space<hbm>> -> memref<10240x128xf32, #tpu.memory_space<hbm>>
    tpu.enqueue_indirect_dma source(%dma_start3A_34 : memref<10240x128xf32, #tpu.memory_space<hbm>>) target(%arg11 : memref<64x128xf32, #tpu.memory_space<vmem>>) offsets(%dma_start3A_31 : memref<64xi32, #tpu.memory_space<vmem>>) semaphore(%arg16 : memref<!tpu.dma_semaphore, #tpu.memory_space<semaphore_mem>>)
    %mul3A_35 = arith.constant 160 : i32
    %mul3A_36 = arith.muli %add3A, %mul3A_35 : i32
    %add3A_37 = arith.constant 0 : i32
    %add3A_38 = arith.addi %mul3A_36, %add3A_37 : i32
    %dma_start3A_39 = arith.constant 0 : i32
    %dma_start3A_40 = tpu.memref_slice %arg4[%add3A_38, %dma_start3A_39] : memref<5120x64xi32, #tpu.memory_space<hbm>> -> memref<1x64xi32, #tpu.memory_space<hbm>>
    %dma_start3A_41 = tpu.memref_squeeze %dma_start3A_40 : memref<1x64xi32, #tpu.memory_space<hbm>> -> memref<64xi32, #tpu.memory_space<hbm>>
    %dma_start3A_42 = arith.constant 0 : i32
    %dma_start3A_43 = tpu.memref_slice %arg4[%add3A_38, %dma_start3A_42] : memref<5120x64xi32, #tpu.memory_space<hbm>> -> memref<1x64xi32, #tpu.memory_space<hbm>>
    %dma_start3A_44 = tpu.memref_squeeze %dma_start3A_43 : memref<1x64xi32, #tpu.memory_space<hbm>> -> memref<64xi32, #tpu.memory_space<hbm>>
    tpu.enqueue_dma source(%dma_start3A_44 : memref<64xi32, #tpu.memory_space<hbm>>) target(%arg7 : memref<64xi32, #tpu.memory_space<vmem>>) target_semaphore(%arg20 : memref<!tpu.dma_semaphore, #tpu.memory_space<semaphore_mem>>)
    %dma_start3A_45 = arith.constant 0 : i32
    %dma_start3A_46 = arith.constant 64 : i32
    %dma_start3A_47 = tpu.memref_slice %arg6[%dma_start3A_45, %dma_start3A_46] : memref<80x128xi32, #tpu.memory_space<vmem>> -> memref<1x64xi32, #tpu.memory_space<vmem>>
    %dma_start3A_48 = tpu.memref_squeeze %dma_start3A_47 : memref<1x64xi32, #tpu.memory_space<vmem>> -> memref<64xi32, #tpu.memory_space<vmem>>
    %dma_start3A_49 = arith.constant 0 : i32
    %dma_start3A_50 = arith.constant 0 : i32
    %dma_start3A_51 = tpu.memref_slice %arg2[%dma_start3A_49, %dma_start3A_50] : memref<10240x128xf32, #tpu.memory_space<hbm>> -> memref<10240x128xf32, #tpu.memory_space<hbm>>
    tpu.enqueue_indirect_dma source(%dma_start3A_51 : memref<10240x128xf32, #tpu.memory_space<hbm>>) target(%arg12 : memref<64x128xf32, #tpu.memory_space<vmem>>) offsets(%dma_start3A_48 : memref<64xi32, #tpu.memory_space<vmem>>) semaphore(%arg17 : memref<!tpu.dma_semaphore, #tpu.memory_space<semaphore_mem>>)
    %mul3A_52 = arith.constant 160 : i32
    %mul3A_53 = arith.muli %add3A, %mul3A_52 : i32
    %add3A_54 = arith.constant 1 : i32
    %add3A_55 = arith.addi %mul3A_53, %add3A_54 : i32
    %dma_start3A_56 = arith.constant 0 : i32
    %dma_start3A_57 = tpu.memref_slice %arg4[%add3A_55, %dma_start3A_56] : memref<5120x64xi32, #tpu.memory_space<hbm>> -> memref<1x64xi32, #tpu.memory_space<hbm>>
    %dma_start3A_58 = tpu.memref_squeeze %dma_start3A_57 : memref<1x64xi32, #tpu.memory_space<hbm>> -> memref<64xi32, #tpu.memory_space<hbm>>
    %dma_start3A_59 = arith.constant 0 : i32
    %dma_start3A_60 = tpu.memref_slice %arg4[%add3A_55, %dma_start3A_59] : memref<5120x64xi32, #tpu.memory_space<hbm>> -> memref<1x64xi32, #tpu.memory_space<hbm>>
    %dma_start3A_61 = tpu.memref_squeeze %dma_start3A_60 : memref<1x64xi32, #tpu.memory_space<hbm>> -> memref<64xi32, #tpu.memory_space<hbm>>
    tpu.enqueue_dma source(%dma_start3A_61 : memref<64xi32, #tpu.memory_space<hbm>>) target(%arg8 : memref<64xi32, #tpu.memory_space<vmem>>) target_semaphore(%arg21 : memref<!tpu.dma_semaphore, #tpu.memory_space<semaphore_mem>>)
    %scan3A_62 = arith.constant 0 : i32
    %scan3A_63 = arith.constant 0 : i32
    %scan3A_64 = arith.constant 40 : i32
    %scan3A_65 = arith.addi %scan3A_63, %scan3A_64 : i32
    %scan3A_66 = arith.constant 1 : i32
    %scan3A_67 = scf.for %scan3A_77 = %scan3A_63 to %scan3A_65 step %scan3A_66 iter_args(%scan3A_78 = %scan3A_62) -> (i32)  : i32 {
      %mul3A_79 = arith.constant 4 : i32
      %mul3A_80 = arith.muli %scan3A_77, %mul3A_79 : i32
      %add3A_81 = arith.constant 0 : i32
      %add3A_82 = arith.addi %mul3A_80, %add3A_81 : i32
      %mul3A_83 = arith.constant 2 : i32
      %mul3A_84 = arith.muli %mul3A_83, %scan3A_77 : i32
      %add3A_85 = arith.constant 0 : i32
      %add3A_86 = arith.addi %mul3A_84, %add3A_85 : i32
      %dma_wait3A = arith.constant 0 : i32
      %dma_wait3A_87 = tpu.memref_slice %arg6[%add3A_86, %dma_wait3A] : memref<80x128xi32, #tpu.memory_space<vmem>> -> memref<1x64xi32, #tpu.memory_space<vmem>>
      %dma_wait3A_88 = tpu.memref_squeeze %dma_wait3A_87 : memref<1x64xi32, #tpu.memory_space<vmem>> -> memref<64xi32, #tpu.memory_space<vmem>>
      %dma_wait3A_89 = arith.constant 0 : i32
      %dma_wait3A_90 = arith.constant 0 : i32
      %dma_wait3A_91 = tpu.memref_slice %arg2[%dma_wait3A_89, %dma_wait3A_90] : memref<10240x128xf32, #tpu.memory_space<hbm>> -> memref<10240x128xf32, #tpu.memory_space<hbm>>
      tpu.wait_indirect_dma semaphore(%arg16 : memref<!tpu.dma_semaphore, #tpu.memory_space<semaphore_mem>>) src(%dma_wait3A_91 : memref<10240x128xf32, #tpu.memory_space<hbm>>) dst(%arg11 : memref<64x128xf32, #tpu.memory_space<vmem>>)
      %dma_wait3A_92 = arith.constant 0 : i32
      %dma_wait3A_93 = arith.constant 0 : i32
      %dma_wait3A_94 = tpu.memref_slice %arg4[%dma_wait3A_92, %dma_wait3A_93] : memref<5120x64xi32, #tpu.memory_space<hbm>> -> memref<1x64xi32, #tpu.memory_space<hbm>>
      %dma_wait3A_95 = tpu.memref_squeeze %dma_wait3A_94 : memref<1x64xi32, #tpu.memory_space<hbm>> -> memref<64xi32, #tpu.memory_space<hbm>>
      %dma_wait3A_96 = arith.constant 0 : i32
      %dma_wait3A_97 = tpu.memref_slice %arg4[%dma_wait3A_92, %dma_wait3A_96] : memref<5120x64xi32, #tpu.memory_space<hbm>> -> memref<1x64xi32, #tpu.memory_space<hbm>>
      %dma_wait3A_98 = tpu.memref_squeeze %dma_wait3A_97 : memref<1x64xi32, #tpu.memory_space<hbm>> -> memref<64xi32, #tpu.memory_space<hbm>>
      tpu.wait_dma2 semaphore(%arg20 : memref<!tpu.dma_semaphore, #tpu.memory_space<semaphore_mem>>) src(%dma_wait3A_98 : memref<64xi32, #tpu.memory_space<hbm>>) dst(%arg7 : memref<64xi32, #tpu.memory_space<vmem>>)
      "tpu.region"() ({
        %run_scoped3A = tpu.sem_alloc : memref<!tpu.dma_semaphore, #tpu.memory_space<semaphore_mem>>
        %dma_start3A_188 = arith.constant 0 : i32
        %dma_start3A_189 = arith.constant 0 : i32
        %dma_start3A_190 = tpu.memref_slice %arg15[%dma_start3A_188, %dma_start3A_189] : memref<10240x128xf32, #tpu.memory_space<vmem_shared>> -> memref<10240x128xf32, #tpu.memory_space<vmem_shared>>
        tpu.enqueue_indirect_dma source(%arg11 : memref<64x128xf32, #tpu.memory_space<vmem>>) target(%dma_start3A_190 : memref<10240x128xf32, #tpu.memory_space<vmem_shared>>) offsets(%arg7 : memref<64xi32, #tpu.memory_space<vmem>>) semaphore(%run_scoped3A : memref<!tpu.dma_semaphore, #tpu.memory_space<semaphore_mem>>) {add = true}
        %dma_wait3A_191 = arith.constant 0 : i32
        %dma_wait3A_192 = arith.constant 0 : i32
        %dma_wait3A_193 = tpu.memref_slice %arg15[%dma_wait3A_191, %dma_wait3A_192] : memref<10240x128xf32, #tpu.memory_space<vmem_shared>> -> memref<10240x128xf32, #tpu.memory_space<vmem_shared>>
        tpu.wait_indirect_dma semaphore(%run_scoped3A : memref<!tpu.dma_semaphore, #tpu.memory_space<semaphore_mem>>) src(%arg11 : memref<64x128xf32, #tpu.memory_space<vmem>>) dst(%dma_wait3A_193 : memref<10240x128xf32, #tpu.memory_space<vmem_shared>>)
        tpu.yield
      }) : () -> ()
      %add3A_99 = arith.constant 2 : i32
      %add3A_100 = arith.addi %add3A_82, %add3A_99 : i32
      %lt3A = arith.constant 160 : i32
      %lt3A_101 = arith.cmpi slt, %add3A_100, %lt3A : i32
      %convert_element_type3A = arith.extui %lt3A_101 : i1 to i32
      %cond3A = arith.constant 0 : i32
      %cond3A_102 = arith.cmpi ne, %convert_element_type3A, %cond3A : i32
      scf.if %cond3A_102 {
        %mul3A_188 = arith.constant 2 : i32
        %mul3A_189 = arith.muli %mul3A_188, %scan3A_77 : i32
        %add3A_190 = arith.constant 1 : i32
        %add3A_191 = arith.addi %mul3A_189, %add3A_190 : i32
        %dma_start3A_192 = arith.constant 0 : i32
        %dma_start3A_193 = tpu.memref_slice %arg6[%add3A_191, %dma_start3A_192] : memref<80x128xi32, #tpu.memory_space<vmem>> -> memref<1x64xi32, #tpu.memory_space<vmem>>
        %dma_start3A_194 = tpu.memref_squeeze %dma_start3A_193 : memref<1x64xi32, #tpu.memory_space<vmem>> -> memref<64xi32, #tpu.memory_space<vmem>>
        %dma_start3A_195 = arith.constant 0 : i32
        %dma_start3A_196 = arith.constant 0 : i32
        %dma_start3A_197 = tpu.memref_slice %arg2[%dma_start3A_195, %dma_start3A_196] : memref<10240x128xf32, #tpu.memory_space<hbm>> -> memref<10240x128xf32, #tpu.memory_space<hbm>>
        tpu.enqueue_indirect_dma source(%dma_start3A_197 : memref<10240x128xf32, #tpu.memory_space<hbm>>) target(%arg13 : memref<64x128xf32, #tpu.memory_space<vmem>>) offsets(%dma_start3A_194 : memref<64xi32, #tpu.memory_space<vmem>>) semaphore(%arg18 : memref<!tpu.dma_semaphore, #tpu.memory_space<semaphore_mem>>)
        %mul3A_198 = arith.constant 160 : i32
        %mul3A_199 = arith.muli %add3A, %mul3A_198 : i32
        %add3A_200 = arith.addi %mul3A_199, %add3A_82 : i32
        %add3A_201 = arith.constant 2 : i32
        %add3A_202 = arith.addi %add3A_200, %add3A_201 : i32
        %dma_start3A_203 = arith.constant 0 : i32
        %dma_start3A_204 = tpu.memref_slice %arg4[%add3A_202, %dma_start3A_203] : memref<5120x64xi32, #tpu.memory_space<hbm>> -> memref<1x64xi32, #tpu.memory_space<hbm>>
        %dma_start3A_205 = tpu.memref_squeeze %dma_start3A_204 : memref<1x64xi32, #tpu.memory_space<hbm>> -> memref<64xi32, #tpu.memory_space<hbm>>
        %dma_start3A_206 = arith.constant 0 : i32
        %dma_start3A_207 = tpu.memref_slice %arg4[%add3A_202, %dma_start3A_206] : memref<5120x64xi32, #tpu.memory_space<hbm>> -> memref<1x64xi32, #tpu.memory_space<hbm>>
        %dma_start3A_208 = tpu.memref_squeeze %dma_start3A_207 : memref<1x64xi32, #tpu.memory_space<hbm>> -> memref<64xi32, #tpu.memory_space<hbm>>
        tpu.enqueue_dma source(%dma_start3A_208 : memref<64xi32, #tpu.memory_space<hbm>>) target(%arg9 : memref<64xi32, #tpu.memory_space<vmem>>) target_semaphore(%arg22 : memref<!tpu.dma_semaphore, #tpu.memory_space<semaphore_mem>>)
      } else {
      }
      %mul3A_103 = arith.constant 4 : i32
      %mul3A_104 = arith.muli %scan3A_77, %mul3A_103 : i32
      %add3A_105 = arith.constant 1 : i32
      %add3A_106 = arith.addi %mul3A_104, %add3A_105 : i32
      %mul3A_107 = arith.constant 2 : i32
      %mul3A_108 = arith.muli %mul3A_107, %scan3A_77 : i32
      %add3A_109 = arith.constant 0 : i32
      %add3A_110 = arith.addi %mul3A_108, %add3A_109 : i32
      %dma_wait3A_111 = arith.constant 64 : i32
      %dma_wait3A_112 = tpu.memref_slice %arg6[%add3A_110, %dma_wait3A_111] : memref<80x128xi32, #tpu.memory_space<vmem>> -> memref<1x64xi32, #tpu.memory_space<vmem>>
      %dma_wait3A_113 = tpu.memref_squeeze %dma_wait3A_112 : memref<1x64xi32, #tpu.memory_space<vmem>> -> memref<64xi32, #tpu.memory_space<vmem>>
      %dma_wait3A_114 = arith.constant 0 : i32
      %dma_wait3A_115 = arith.constant 0 : i32
      %dma_wait3A_116 = tpu.memref_slice %arg2[%dma_wait3A_114, %dma_wait3A_115] : memref<10240x128xf32, #tpu.memory_space<hbm>> -> memref<10240x128xf32, #tpu.memory_space<hbm>>
      tpu.wait_indirect_dma semaphore(%arg17 : memref<!tpu.dma_semaphore, #tpu.memory_space<semaphore_mem>>) src(%dma_wait3A_116 : memref<10240x128xf32, #tpu.memory_space<hbm>>) dst(%arg12 : memref<64x128xf32, #tpu.memory_space<vmem>>)
      %dma_wait3A_117 = arith.constant 0 : i32
      %dma_wait3A_118 = arith.constant 0 : i32
      %dma_wait3A_119 = tpu.memref_slice %arg4[%dma_wait3A_117, %dma_wait3A_118] : memref<5120x64xi32, #tpu.memory_space<hbm>> -> memref<1x64xi32, #tpu.memory_space<hbm>>
      %dma_wait3A_120 = tpu.memref_squeeze %dma_wait3A_119 : memref<1x64xi32, #tpu.memory_space<hbm>> -> memref<64xi32, #tpu.memory_space<hbm>>
      %dma_wait3A_121 = arith.constant 0 : i32
      %dma_wait3A_122 = tpu.memref_slice %arg4[%dma_wait3A_117, %dma_wait3A_121] : memref<5120x64xi32, #tpu.memory_space<hbm>> -> memref<1x64xi32, #tpu.memory_space<hbm>>
      %dma_wait3A_123 = tpu.memref_squeeze %dma_wait3A_122 : memref<1x64xi32, #tpu.memory_space<hbm>> -> memref<64xi32, #tpu.memory_space<hbm>>
      tpu.wait_dma2 semaphore(%arg21 : memref<!tpu.dma_semaphore, #tpu.memory_space<semaphore_mem>>) src(%dma_wait3A_123 : memref<64xi32, #tpu.memory_space<hbm>>) dst(%arg8 : memref<64xi32, #tpu.memory_space<vmem>>)
      "tpu.region"() ({
        %run_scoped3A = tpu.sem_alloc : memref<!tpu.dma_semaphore, #tpu.memory_space<semaphore_mem>>
        %dma_start3A_188 = arith.constant 0 : i32
        %dma_start3A_189 = arith.constant 0 : i32
        %dma_start3A_190 = tpu.memref_slice %arg15[%dma_start3A_188, %dma_start3A_189] : memref<10240x128xf32, #tpu.memory_space<vmem_shared>> -> memref<10240x128xf32, #tpu.memory_space<vmem_shared>>
        tpu.enqueue_indirect_dma source(%arg12 : memref<64x128xf32, #tpu.memory_space<vmem>>) target(%dma_start3A_190 : memref<10240x128xf32, #tpu.memory_space<vmem_shared>>) offsets(%arg8 : memref<64xi32, #tpu.memory_space<vmem>>) semaphore(%run_scoped3A : memref<!tpu.dma_semaphore, #tpu.memory_space<semaphore_mem>>) {add = true}
        %dma_wait3A_191 = arith.constant 0 : i32
        %dma_wait3A_192 = arith.constant 0 : i32
        %dma_wait3A_193 = tpu.memref_slice %arg15[%dma_wait3A_191, %dma_wait3A_192] : memref<10240x128xf32, #tpu.memory_space<vmem_shared>> -> memref<10240x128xf32, #tpu.memory_space<vmem_shared>>
        tpu.wait_indirect_dma semaphore(%run_scoped3A : memref<!tpu.dma_semaphore, #tpu.memory_space<semaphore_mem>>) src(%arg12 : memref<64x128xf32, #tpu.memory_space<vmem>>) dst(%dma_wait3A_193 : memref<10240x128xf32, #tpu.memory_space<vmem_shared>>)
        tpu.yield
      }) : () -> ()
      %add3A_124 = arith.constant 2 : i32
      %add3A_125 = arith.addi %add3A_106, %add3A_124 : i32
      %lt3A_126 = arith.constant 160 : i32
      %lt3A_127 = arith.cmpi slt, %add3A_125, %lt3A_126 : i32
      %convert_element_type3A_128 = arith.extui %lt3A_127 : i1 to i32
      %cond3A_129 = arith.constant 0 : i32
      %cond3A_130 = arith.cmpi ne, %convert_element_type3A_128, %cond3A_129 : i32
      scf.if %cond3A_130 {
        %mul3A_188 = arith.constant 2 : i32
        %mul3A_189 = arith.muli %mul3A_188, %scan3A_77 : i32
        %add3A_190 = arith.constant 1 : i32
        %add3A_191 = arith.addi %mul3A_189, %add3A_190 : i32
        %dma_start3A_192 = arith.constant 64 : i32
        %dma_start3A_193 = tpu.memref_slice %arg6[%add3A_191, %dma_start3A_192] : memref<80x128xi32, #tpu.memory_space<vmem>> -> memref<1x64xi32, #tpu.memory_space<vmem>>
        %dma_start3A_194 = tpu.memref_squeeze %dma_start3A_193 : memref<1x64xi32, #tpu.memory_space<vmem>> -> memref<64xi32, #tpu.memory_space<vmem>>
        %dma_start3A_195 = arith.constant 0 : i32
        %dma_start3A_196 = arith.constant 0 : i32
        %dma_start3A_197 = tpu.memref_slice %arg2[%dma_start3A_195, %dma_start3A_196] : memref<10240x128xf32, #tpu.memory_space<hbm>> -> memref<10240x128xf32, #tpu.memory_space<hbm>>
        tpu.enqueue_indirect_dma source(%dma_start3A_197 : memref<10240x128xf32, #tpu.memory_space<hbm>>) target(%arg14 : memref<64x128xf32, #tpu.memory_space<vmem>>) offsets(%dma_start3A_194 : memref<64xi32, #tpu.memory_space<vmem>>) semaphore(%arg19 : memref<!tpu.dma_semaphore, #tpu.memory_space<semaphore_mem>>)
        %mul3A_198 = arith.constant 160 : i32
        %mul3A_199 = arith.muli %add3A, %mul3A_198 : i32
        %add3A_200 = arith.addi %mul3A_199, %add3A_106 : i32
        %add3A_201 = arith.constant 2 : i32
        %add3A_202 = arith.addi %add3A_200, %add3A_201 : i32
        %dma_start3A_203 = arith.constant 0 : i32
        %dma_start3A_204 = tpu.memref_slice %arg4[%add3A_202, %dma_start3A_203] : memref<5120x64xi32, #tpu.memory_space<hbm>> -> memref<1x64xi32, #tpu.memory_space<hbm>>
        %dma_start3A_205 = tpu.memref_squeeze %dma_start3A_204 : memref<1x64xi32, #tpu.memory_space<hbm>> -> memref<64xi32, #tpu.memory_space<hbm>>
        %dma_start3A_206 = arith.constant 0 : i32
        %dma_start3A_207 = tpu.memref_slice %arg4[%add3A_202, %dma_start3A_206] : memref<5120x64xi32, #tpu.memory_space<hbm>> -> memref<1x64xi32, #tpu.memory_space<hbm>>
        %dma_start3A_208 = tpu.memref_squeeze %dma_start3A_207 : memref<1x64xi32, #tpu.memory_space<hbm>> -> memref<64xi32, #tpu.memory_space<hbm>>
        tpu.enqueue_dma source(%dma_start3A_208 : memref<64xi32, #tpu.memory_space<hbm>>) target(%arg10 : memref<64xi32, #tpu.memory_space<vmem>>) target_semaphore(%arg23 : memref<!tpu.dma_semaphore, #tpu.memory_space<semaphore_mem>>)
      } else {
      }
      %mul3A_131 = arith.constant 4 : i32
      %mul3A_132 = arith.muli %scan3A_77, %mul3A_131 : i32
      %add3A_133 = arith.constant 2 : i32
      %add3A_134 = arith.addi %mul3A_132, %add3A_133 : i32
      %mul3A_135 = arith.constant 2 : i32
      %mul3A_136 = arith.muli %mul3A_135, %scan3A_77 : i32
      %add3A_137 = arith.constant 1 : i32
      %add3A_138 = arith.addi %mul3A_136, %add3A_137 : i32
      %dma_wait3A_139 = arith.constant 0 : i32
      %dma_wait3A_140 = tpu.memref_slice %arg6[%add3A_138, %dma_wait3A_139] : memref<80x128xi32, #tpu.memory_space<vmem>> -> memref<1x64xi32, #tpu.memory_space<vmem>>
      %dma_wait3A_141 = tpu.memref_squeeze %dma_wait3A_140 : memref<1x64xi32, #tpu.memory_space<vmem>> -> memref<64xi32, #tpu.memory_space<vmem>>
      %dma_wait3A_142 = arith.constant 0 : i32
      %dma_wait3A_143 = arith.constant 0 : i32
      %dma_wait3A_144 = tpu.memref_slice %arg2[%dma_wait3A_142, %dma_wait3A_143] : memref<10240x128xf32, #tpu.memory_space<hbm>> -> memref<10240x128xf32, #tpu.memory_space<hbm>>
      tpu.wait_indirect_dma semaphore(%arg18 : memref<!tpu.dma_semaphore, #tpu.memory_space<semaphore_mem>>) src(%dma_wait3A_144 : memref<10240x128xf32, #tpu.memory_space<hbm>>) dst(%arg13 : memref<64x128xf32, #tpu.memory_space<vmem>>)
      %dma_wait3A_145 = arith.constant 0 : i32
      %dma_wait3A_146 = arith.constant 0 : i32
      %dma_wait3A_147 = tpu.memref_slice %arg4[%dma_wait3A_145, %dma_wait3A_146] : memref<5120x64xi32, #tpu.memory_space<hbm>> -> memref<1x64xi32, #tpu.memory_space<hbm>>
      %dma_wait3A_148 = tpu.memref_squeeze %dma_wait3A_147 : memref<1x64xi32, #tpu.memory_space<hbm>> -> memref<64xi32, #tpu.memory_space<hbm>>
      %dma_wait3A_149 = arith.constant 0 : i32
      %dma_wait3A_150 = tpu.memref_slice %arg4[%dma_wait3A_145, %dma_wait3A_149] : memref<5120x64xi32, #tpu.memory_space<hbm>> -> memref<1x64xi32, #tpu.memory_space<hbm>>
      %dma_wait3A_151 = tpu.memref_squeeze %dma_wait3A_150 : memref<1x64xi32, #tpu.memory_space<hbm>> -> memref<64xi32, #tpu.memory_space<hbm>>
      tpu.wait_dma2 semaphore(%arg22 : memref<!tpu.dma_semaphore, #tpu.memory_space<semaphore_mem>>) src(%dma_wait3A_151 : memref<64xi32, #tpu.memory_space<hbm>>) dst(%arg9 : memref<64xi32, #tpu.memory_space<vmem>>)
      "tpu.region"() ({
        %run_scoped3A = tpu.sem_alloc : memref<!tpu.dma_semaphore, #tpu.memory_space<semaphore_mem>>
        %dma_start3A_188 = arith.constant 0 : i32
        %dma_start3A_189 = arith.constant 0 : i32
        %dma_start3A_190 = tpu.memref_slice %arg15[%dma_start3A_188, %dma_start3A_189] : memref<10240x128xf32, #tpu.memory_space<vmem_shared>> -> memref<10240x128xf32, #tpu.memory_space<vmem_shared>>
        tpu.enqueue_indirect_dma source(%arg13 : memref<64x128xf32, #tpu.memory_space<vmem>>) target(%dma_start3A_190 : memref<10240x128xf32, #tpu.memory_space<vmem_shared>>) offsets(%arg9 : memref<64xi32, #tpu.memory_space<vmem>>) semaphore(%run_scoped3A : memref<!tpu.dma_semaphore, #tpu.memory_space<semaphore_mem>>) {add = true}
        %dma_wait3A_191 = arith.constant 0 : i32
        %dma_wait3A_192 = arith.constant 0 : i32
        %dma_wait3A_193 = tpu.memref_slice %arg15[%dma_wait3A_191, %dma_wait3A_192] : memref<10240x128xf32, #tpu.memory_space<vmem_shared>> -> memref<10240x128xf32, #tpu.memory_space<vmem_shared>>
        tpu.wait_indirect_dma semaphore(%run_scoped3A : memref<!tpu.dma_semaphore, #tpu.memory_space<semaphore_mem>>) src(%arg13 : memref<64x128xf32, #tpu.memory_space<vmem>>) dst(%dma_wait3A_193 : memref<10240x128xf32, #tpu.memory_space<vmem_shared>>)
        tpu.yield
      }) : () -> ()
      %add3A_152 = arith.constant 2 : i32
      %add3A_153 = arith.addi %add3A_134, %add3A_152 : i32
      %lt3A_154 = arith.constant 160 : i32
      %lt3A_155 = arith.cmpi slt, %add3A_153, %lt3A_154 : i32
      %convert_element_type3A_156 = arith.extui %lt3A_155 : i1 to i32
      %cond3A_157 = arith.constant 0 : i32
      %cond3A_158 = arith.cmpi ne, %convert_element_type3A_156, %cond3A_157 : i32
      scf.if %cond3A_158 {
        %mul3A_188 = arith.constant 2 : i32
        %mul3A_189 = arith.muli %mul3A_188, %scan3A_77 : i32
        %add3A_190 = arith.constant 2 : i32
        %add3A_191 = arith.addi %mul3A_189, %add3A_190 : i32
        %dma_start3A_192 = arith.constant 0 : i32
        %dma_start3A_193 = tpu.memref_slice %arg6[%add3A_191, %dma_start3A_192] : memref<80x128xi32, #tpu.memory_space<vmem>> -> memref<1x64xi32, #tpu.memory_space<vmem>>
        %dma_start3A_194 = tpu.memref_squeeze %dma_start3A_193 : memref<1x64xi32, #tpu.memory_space<vmem>> -> memref<64xi32, #tpu.memory_space<vmem>>
        %dma_start3A_195 = arith.constant 0 : i32
        %dma_start3A_196 = arith.constant 0 : i32
        %dma_start3A_197 = tpu.memref_slice %arg2[%dma_start3A_195, %dma_start3A_196] : memref<10240x128xf32, #tpu.memory_space<hbm>> -> memref<10240x128xf32, #tpu.memory_space<hbm>>
        tpu.enqueue_indirect_dma source(%dma_start3A_197 : memref<10240x128xf32, #tpu.memory_space<hbm>>) target(%arg11 : memref<64x128xf32, #tpu.memory_space<vmem>>) offsets(%dma_start3A_194 : memref<64xi32, #tpu.memory_space<vmem>>) semaphore(%arg16 : memref<!tpu.dma_semaphore, #tpu.memory_space<semaphore_mem>>)
        %mul3A_198 = arith.constant 160 : i32
        %mul3A_199 = arith.muli %add3A, %mul3A_198 : i32
        %add3A_200 = arith.addi %mul3A_199, %add3A_134 : i32
        %add3A_201 = arith.constant 2 : i32
        %add3A_202 = arith.addi %add3A_200, %add3A_201 : i32
        %dma_start3A_203 = arith.constant 0 : i32
        %dma_start3A_204 = tpu.memref_slice %arg4[%add3A_202, %dma_start3A_203] : memref<5120x64xi32, #tpu.memory_space<hbm>> -> memref<1x64xi32, #tpu.memory_space<hbm>>
        %dma_start3A_205 = tpu.memref_squeeze %dma_start3A_204 : memref<1x64xi32, #tpu.memory_space<hbm>> -> memref<64xi32, #tpu.memory_space<hbm>>
        %dma_start3A_206 = arith.constant 0 : i32
        %dma_start3A_207 = tpu.memref_slice %arg4[%add3A_202, %dma_start3A_206] : memref<5120x64xi32, #tpu.memory_space<hbm>> -> memref<1x64xi32, #tpu.memory_space<hbm>>
        %dma_start3A_208 = tpu.memref_squeeze %dma_start3A_207 : memref<1x64xi32, #tpu.memory_space<hbm>> -> memref<64xi32, #tpu.memory_space<hbm>>
        tpu.enqueue_dma source(%dma_start3A_208 : memref<64xi32, #tpu.memory_space<hbm>>) target(%arg7 : memref<64xi32, #tpu.memory_space<vmem>>) target_semaphore(%arg20 : memref<!tpu.dma_semaphore, #tpu.memory_space<semaphore_mem>>)
      } else {
      }
      %mul3A_159 = arith.constant 4 : i32
      %mul3A_160 = arith.muli %scan3A_77, %mul3A_159 : i32
      %add3A_161 = arith.constant 3 : i32
      %add3A_162 = arith.addi %mul3A_160, %add3A_161 : i32
      %mul3A_163 = arith.constant 2 : i32
      %mul3A_164 = arith.muli %mul3A_163, %scan3A_77 : i32
      %add3A_165 = arith.constant 1 : i32
      %add3A_166 = arith.addi %mul3A_164, %add3A_165 : i32
      %dma_wait3A_167 = arith.constant 64 : i32
      %dma_wait3A_168 = tpu.memref_slice %arg6[%add3A_166, %dma_wait3A_167] : memref<80x128xi32, #tpu.memory_space<vmem>> -> memref<1x64xi32, #tpu.memory_space<vmem>>
      %dma_wait3A_169 = tpu.memref_squeeze %dma_wait3A_168 : memref<1x64xi32, #tpu.memory_space<vmem>> -> memref<64xi32, #tpu.memory_space<vmem>>
      %dma_wait3A_170 = arith.constant 0 : i32
      %dma_wait3A_171 = arith.constant 0 : i32
      %dma_wait3A_172 = tpu.memref_slice %arg2[%dma_wait3A_170, %dma_wait3A_171] : memref<10240x128xf32, #tpu.memory_space<hbm>> -> memref<10240x128xf32, #tpu.memory_space<hbm>>
      tpu.wait_indirect_dma semaphore(%arg19 : memref<!tpu.dma_semaphore, #tpu.memory_space<semaphore_mem>>) src(%dma_wait3A_172 : memref<10240x128xf32, #tpu.memory_space<hbm>>) dst(%arg14 : memref<64x128xf32, #tpu.memory_space<vmem>>)
      %dma_wait3A_173 = arith.constant 0 : i32
      %dma_wait3A_174 = arith.constant 0 : i32
      %dma_wait3A_175 = tpu.memref_slice %arg4[%dma_wait3A_173, %dma_wait3A_174] : memref<5120x64xi32, #tpu.memory_space<hbm>> -> memref<1x64xi32, #tpu.memory_space<hbm>>
      %dma_wait3A_176 = tpu.memref_squeeze %dma_wait3A_175 : memref<1x64xi32, #tpu.memory_space<hbm>> -> memref<64xi32, #tpu.memory_space<hbm>>
      %dma_wait3A_177 = arith.constant 0 : i32
      %dma_wait3A_178 = tpu.memref_slice %arg4[%dma_wait3A_173, %dma_wait3A_177] : memref<5120x64xi32, #tpu.memory_space<hbm>> -> memref<1x64xi32, #tpu.memory_space<hbm>>
      %dma_wait3A_179 = tpu.memref_squeeze %dma_wait3A_178 : memref<1x64xi32, #tpu.memory_space<hbm>> -> memref<64xi32, #tpu.memory_space<hbm>>
      tpu.wait_dma2 semaphore(%arg23 : memref<!tpu.dma_semaphore, #tpu.memory_space<semaphore_mem>>) src(%dma_wait3A_179 : memref<64xi32, #tpu.memory_space<hbm>>) dst(%arg10 : memref<64xi32, #tpu.memory_space<vmem>>)
      "tpu.region"() ({
        %run_scoped3A = tpu.sem_alloc : memref<!tpu.dma_semaphore, #tpu.memory_space<semaphore_mem>>
        %dma_start3A_188 = arith.constant 0 : i32
        %dma_start3A_189 = arith.constant 0 : i32
        %dma_start3A_190 = tpu.memref_slice %arg15[%dma_start3A_188, %dma_start3A_189] : memref<10240x128xf32, #tpu.memory_space<vmem_shared>> -> memref<10240x128xf32, #tpu.memory_space<vmem_shared>>
        tpu.enqueue_indirect_dma source(%arg14 : memref<64x128xf32, #tpu.memory_space<vmem>>) target(%dma_start3A_190 : memref<10240x128xf32, #tpu.memory_space<vmem_shared>>) offsets(%arg10 : memref<64xi32, #tpu.memory_space<vmem>>) semaphore(%run_scoped3A : memref<!tpu.dma_semaphore, #tpu.memory_space<semaphore_mem>>) {add = true}
        %dma_wait3A_191 = arith.constant 0 : i32
        %dma_wait3A_192 = arith.constant 0 : i32
        %dma_wait3A_193 = tpu.memref_slice %arg15[%dma_wait3A_191, %dma_wait3A_192] : memref<10240x128xf32, #tpu.memory_space<vmem_shared>> -> memref<10240x128xf32, #tpu.memory_space<vmem_shared>>
        tpu.wait_indirect_dma semaphore(%run_scoped3A : memref<!tpu.dma_semaphore, #tpu.memory_space<semaphore_mem>>) src(%arg14 : memref<64x128xf32, #tpu.memory_space<vmem>>) dst(%dma_wait3A_193 : memref<10240x128xf32, #tpu.memory_space<vmem_shared>>)
        tpu.yield
      }) : () -> ()
      %add3A_180 = arith.constant 2 : i32
      %add3A_181 = arith.addi %add3A_162, %add3A_180 : i32
      %lt3A_182 = arith.constant 160 : i32
      %lt3A_183 = arith.cmpi slt, %add3A_181, %lt3A_182 : i32
      %convert_element_type3A_184 = arith.extui %lt3A_183 : i1 to i32
      %cond3A_185 = arith.constant 0 : i32
      %cond3A_186 = arith.cmpi ne, %convert_element_type3A_184, %cond3A_185 : i32
      scf.if %cond3A_186 {
        %mul3A_188 = arith.constant 2 : i32
        %mul3A_189 = arith.muli %mul3A_188, %scan3A_77 : i32
        %add3A_190 = arith.constant 2 : i32
        %add3A_191 = arith.addi %mul3A_189, %add3A_190 : i32
        %dma_start3A_192 = arith.constant 64 : i32
        %dma_start3A_193 = tpu.memref_slice %arg6[%add3A_191, %dma_start3A_192] : memref<80x128xi32, #tpu.memory_space<vmem>> -> memref<1x64xi32, #tpu.memory_space<vmem>>
        %dma_start3A_194 = tpu.memref_squeeze %dma_start3A_193 : memref<1x64xi32, #tpu.memory_space<vmem>> -> memref<64xi32, #tpu.memory_space<vmem>>
        %dma_start3A_195 = arith.constant 0 : i32
        %dma_start3A_196 = arith.constant 0 : i32
        %dma_start3A_197 = tpu.memref_slice %arg2[%dma_start3A_195, %dma_start3A_196] : memref<10240x128xf32, #tpu.memory_space<hbm>> -> memref<10240x128xf32, #tpu.memory_space<hbm>>
        tpu.enqueue_indirect_dma source(%dma_start3A_197 : memref<10240x128xf32, #tpu.memory_space<hbm>>) target(%arg12 : memref<64x128xf32, #tpu.memory_space<vmem>>) offsets(%dma_start3A_194 : memref<64xi32, #tpu.memory_space<vmem>>) semaphore(%arg17 : memref<!tpu.dma_semaphore, #tpu.memory_space<semaphore_mem>>)
        %mul3A_198 = arith.constant 160 : i32
        %mul3A_199 = arith.muli %add3A, %mul3A_198 : i32
        %add3A_200 = arith.addi %mul3A_199, %add3A_162 : i32
        %add3A_201 = arith.constant 2 : i32
        %add3A_202 = arith.addi %add3A_200, %add3A_201 : i32
        %dma_start3A_203 = arith.constant 0 : i32
        %dma_start3A_204 = tpu.memref_slice %arg4[%add3A_202, %dma_start3A_203] : memref<5120x64xi32, #tpu.memory_space<hbm>> -> memref<1x64xi32, #tpu.memory_space<hbm>>
        %dma_start3A_205 = tpu.memref_squeeze %dma_start3A_204 : memref<1x64xi32, #tpu.memory_space<hbm>> -> memref<64xi32, #tpu.memory_space<hbm>>
        %dma_start3A_206 = arith.constant 0 : i32
        %dma_start3A_207 = tpu.memref_slice %arg4[%add3A_202, %dma_start3A_206] : memref<5120x64xi32, #tpu.memory_space<hbm>> -> memref<1x64xi32, #tpu.memory_space<hbm>>
        %dma_start3A_208 = tpu.memref_squeeze %dma_start3A_207 : memref<1x64xi32, #tpu.memory_space<hbm>> -> memref<64xi32, #tpu.memory_space<hbm>>
        tpu.enqueue_dma source(%dma_start3A_208 : memref<64xi32, #tpu.memory_space<hbm>>) target(%arg8 : memref<64xi32, #tpu.memory_space<vmem>>) target_semaphore(%arg21 : memref<!tpu.dma_semaphore, #tpu.memory_space<semaphore_mem>>)
      } else {
      }
      %scan3A_187 = arith.constant 0 : i32
      scf.yield %scan3A_187 : i32
    }
    %scan3A_68 = arith.constant 40 : i32
    %barrier3A_69 = arith.constant 0 : index
    tpu.barrier barrier_id(%barrier3A_69)
    %mul3A_70 = arith.constant 640 : i32
    %mul3A_71 = arith.muli %arg1, %mul3A_70 : i32
    %mul3A_72 = arith.constant 10240 : i32
    %mul3A_73 = arith.muli %arg0, %mul3A_72 : i32
    %mul3A_74 = arith.constant 640 : i32
    %mul3A_75 = arith.muli %arg1, %mul3A_74 : i32
    %add3A_76 = arith.addi %mul3A_73, %mul3A_75 : i32
    "tpu.region"() ({
      %run_scoped3A = tpu.sem_alloc : memref<!tpu.dma_semaphore, #tpu.memory_space<semaphore_mem>>
      %dma_start3A_77 = arith.constant 0 : i32
      %dma_start3A_78 = tpu.memref_slice %arg5[%add3A_76, %dma_start3A_77] : memref<20480x128xf32, #tpu.memory_space<hbm>> -> memref<640x128xf32, #tpu.memory_space<hbm>>
      %dma_start3A_79 = arith.constant 0 : i32
      %dma_start3A_80 = tpu.memref_slice %arg15[%mul3A_71, %dma_start3A_79] : memref<10240x128xf32, #tpu.memory_space<vmem_shared>> -> memref<640x128xf32, #tpu.memory_space<vmem_shared>>
      tpu.enqueue_dma source(%dma_start3A_80 : memref<640x128xf32, #tpu.memory_space<vmem_shared>>) target(%dma_start3A_78 : memref<640x128xf32, #tpu.memory_space<hbm>>) target_semaphore(%run_scoped3A : memref<!tpu.dma_semaphore, #tpu.memory_space<semaphore_mem>>)
      %dma_wait3A = arith.constant 0 : i32
      %dma_wait3A_81 = tpu.memref_slice %arg5[%add3A_76, %dma_wait3A] : memref<20480x128xf32, #tpu.memory_space<hbm>> -> memref<640x128xf32, #tpu.memory_space<hbm>>
      %dma_wait3A_82 = arith.constant 0 : i32
      %dma_wait3A_83 = tpu.memref_slice %arg15[%mul3A_71, %dma_wait3A_82] : memref<10240x128xf32, #tpu.memory_space<vmem_shared>> -> memref<640x128xf32, #tpu.memory_space<vmem_shared>>
      tpu.wait_dma2 semaphore(%run_scoped3A : memref<!tpu.dma_semaphore, #tpu.memory_space<semaphore_mem>>) src(%dma_wait3A_83 : memref<640x128xf32, #tpu.memory_space<vmem_shared>>) dst(%dma_wait3A_81 : memref<640x128xf32, #tpu.memory_space<hbm>>)
      tpu.yield
    }) : () -> ()
    return
  }
}

module attributes {stable_mosaic.version = 14 : i64} {
  func.func @_mm_body(%arg0: i32, %arg1: memref<640x128xf32, #tpu.memory_space<vmem>>, %arg2: memref<128x128xf32, #tpu.memory_space<vmem>>, %arg3: memref<640x128xf32, #tpu.memory_space<vmem>>) attributes {dimension_semantics = [#tpu.dimension_semantics<arbitrary>], iteration_bounds = array<i64: 16>, scalar_prefetch = 0 : i64, scratch_operands = 0 : i64, tpu.core_type = #tpu.core_type<tc>, window_params = [{transform_indices = @transform_0, window_bounds = array<i64: 640, 128>}, {pipeline_mode = #tpu.pipeline_mode<synchronous>, transform_indices = @transform_1, window_bounds = array<i64: 128, 128>}, {transform_indices = @transform_2, window_bounds = array<i64: 640, 128>}]} {
    %get3A = arith.constant 0 : index
    %get3A_0 = arith.constant 0 : index
    %get3A_1 = vector.load %arg1[%get3A, %get3A_0] : memref<640x128xf32, #tpu.memory_space<vmem>>, vector<640x128xf32>
    %get3A_2 = arith.constant 0 : index
    %get3A_3 = arith.constant 0 : index
    %get3A_4 = vector.load %arg2[%get3A_2, %get3A_3] : memref<128x128xf32, #tpu.memory_space<vmem>>, vector<128x128xf32>
    %dot_general3A = arith.constant dense<0.000000e+00> : vector<640x128xf32>
    %dot_general3A_5 = tpu.matmul %get3A_1, %get3A_4, %dot_general3A {dimension_numbers = #tpu.dot_dimension_numbers<[1], [0], [0], [1], [0, 0, 1, 1], [], []>, transpose_lhs_hint = false} : vector<640x128xf32>, vector<128x128xf32>, vector<640x128xf32> -> vector<640x128xf32>
    %swap3A = arith.constant 0 : index
    %swap3A_6 = arith.constant 0 : index
    %swap3A_7 = vector.load %arg3[%swap3A, %swap3A_6] : memref<640x128xf32, #tpu.memory_space<vmem>>, vector<640x128xf32>
    tpu.vector_store %arg3[%swap3A, %swap3A_6], %dot_general3A_5 {strides = array<i32>} : memref<640x128xf32, #tpu.memory_space<vmem>>, vector<640x128xf32>,
    return
  }
  func.func @transform_0(%arg0: i32) -> (i32, i32) {
    %c0_i32 = arith.constant 0 : i32
    %c0_i32_0 = arith.constant 0 : i32
    return %arg0, %c0_i32 : i32, i32
  }
  func.func @transform_1(%arg0: i32) -> (i32, i32) {
    %c0_i32 = arith.constant 0 : i32
    %c0_i32_0 = arith.constant 0 : i32
    %c0_i32_1 = arith.constant 0 : i32
    return %c0_i32, %c0_i32_0 : i32, i32
  }
  func.func @transform_2(%arg0: i32) -> (i32, i32) {
    %c0_i32 = arith.constant 0 : i32
    %c0_i32_0 = arith.constant 0 : i32
    return %arg0, %c0_i32 : i32, i32
  }
}

module attributes {stable_mosaic.version = 14 : i64} {
  func.func @_scale_body(%arg0: i32, %arg1: memref<2x640x16xf32, #tpu.memory_space<vmem>>, %arg2: memref<640x128xf32, #tpu.memory_space<vmem>>, %arg3: memref<640x128xf32, #tpu.memory_space<vmem>>, %arg4: memref<640x1xf32, #tpu.memory_space<vmem>>) attributes {dimension_semantics = [#tpu.dimension_semantics<arbitrary>], iteration_bounds = array<i64: 16>, scalar_prefetch = 0 : i64, scratch_operands = 0 : i64, tpu.core_type = #tpu.core_type<tc>, window_params = [{transform_indices = @transform_0, window_bounds = array<i64: 2, 640, 16>}, {transform_indices = @transform_1, window_bounds = array<i64: 640, 128>}, {transform_indices = @transform_2, window_bounds = array<i64: 640, 128>}, {transform_indices = @transform_3, window_bounds = array<i64: 640, 1>}]} {
    %get3A = arith.constant 0 : index
    %get3A_0 = arith.constant 0 : index
    %get3A_1 = arith.constant 0 : index
    %get3A_2 = vector.load %arg1[%get3A, %get3A_0, %get3A_1] : memref<2x640x16xf32, #tpu.memory_space<vmem>>, vector<1x640x1xf32>
    %get3A_3 = vector.shape_cast %get3A_2 : vector<1x640x1xf32> to vector<640x1xf32>
    %get3A_4 = arith.constant 1 : index
    %get3A_5 = arith.constant 0 : index
    %get3A_6 = arith.constant 0 : index
    %get3A_7 = vector.load %arg1[%get3A_4, %get3A_5, %get3A_6] : memref<2x640x16xf32, #tpu.memory_space<vmem>>, vector<1x640x1xf32>
    %get3A_8 = vector.shape_cast %get3A_7 : vector<1x640x1xf32> to vector<640x1xf32>
    %add3A = arith.addf %get3A_3, %get3A_8 : vector<640x1xf32>
    %add3A_9 = arith.constant 1.000000e+00 : f32
    %add3A_10 = vector.broadcast %add3A_9 : f32 to vector<640x1xf32>
    %add3A_11 = arith.addf %add3A, %add3A_10 : vector<640x1xf32>
    %rsqrt3A = math.rsqrt %add3A_11 : vector<640x1xf32>
    %swap3A = arith.constant 0 : index
    %swap3A_12 = arith.constant 0 : index
    %swap3A_13 = vector.load %arg4[%swap3A, %swap3A_12] : memref<640x1xf32, #tpu.memory_space<vmem>>, vector<640x1xf32>
    tpu.vector_store %arg4[%swap3A, %swap3A_12], %rsqrt3A {strides = array<i32>} : memref<640x1xf32, #tpu.memory_space<vmem>>, vector<640x1xf32>,
    %get3A_14 = arith.constant 0 : index
    %get3A_15 = arith.constant 0 : index
    %get3A_16 = vector.load %arg2[%get3A_14, %get3A_15] : memref<640x128xf32, #tpu.memory_space<vmem>>, vector<640x128xf32>
    %mul3A = vector.broadcast %rsqrt3A : vector<640x1xf32> to vector<640x128xf32>
    %mul3A_17 = arith.mulf %get3A_16, %mul3A : vector<640x128xf32>
    %swap3A_18 = arith.constant 0 : index
    %swap3A_19 = arith.constant 0 : index
    %swap3A_20 = vector.load %arg3[%swap3A_18, %swap3A_19] : memref<640x128xf32, #tpu.memory_space<vmem>>, vector<640x128xf32>
    tpu.vector_store %arg3[%swap3A_18, %swap3A_19], %mul3A_17 {strides = array<i32>} : memref<640x128xf32, #tpu.memory_space<vmem>>, vector<640x128xf32>,
    return
  }
  func.func @transform_0(%arg0: i32) -> (i32, i32, i32) {
    %c0_i32 = arith.constant 0 : i32
    %c0_i32_0 = arith.constant 0 : i32
    %c0_i32_1 = arith.constant 0 : i32
    return %c0_i32, %arg0, %c0_i32_0 : i32, i32, i32
  }
  func.func @transform_1(%arg0: i32) -> (i32, i32) {
    %c0_i32 = arith.constant 0 : i32
    %c0_i32_0 = arith.constant 0 : i32
    return %arg0, %c0_i32 : i32, i32
  }
  func.func @transform_2(%arg0: i32) -> (i32, i32) {
    %c0_i32 = arith.constant 0 : i32
    %c0_i32_0 = arith.constant 0 : i32
    return %arg0, %c0_i32 : i32, i32
  }
  func.func @transform_3(%arg0: i32) -> (i32, i32) {
    %c0_i32 = arith.constant 0 : i32
    %c0_i32_0 = arith.constant 0 : i32
    return %arg0, %c0_i32 : i32, i32
  }
}

module attributes {stable_mosaic.version = 14 : i64} {
  func.func @_mid_body(%arg0: i32, %arg1: memref<2x640x128xf32, #tpu.memory_space<vmem>>, %arg2: memref<640x128xf32, #tpu.memory_space<vmem>>, %arg3: memref<640x1xf32, #tpu.memory_space<vmem>>, %arg4: memref<1x128xf32, #tpu.memory_space<vmem>>, %arg5: memref<128x128xf32, #tpu.memory_space<vmem>>, %arg6: memref<640x128xf32, #tpu.memory_space<vmem>>) attributes {dimension_semantics = [#tpu.dimension_semantics<arbitrary>], iteration_bounds = array<i64: 16>, scalar_prefetch = 0 : i64, scratch_operands = 0 : i64, tpu.core_type = #tpu.core_type<tc>, window_params = [{transform_indices = @transform_0, window_bounds = array<i64: 2, 640, 128>}, {transform_indices = @transform_1, window_bounds = array<i64: 640, 128>}, {transform_indices = @transform_2, window_bounds = array<i64: 640, 1>}, {pipeline_mode = #tpu.pipeline_mode<synchronous>, transform_indices = @transform_3, window_bounds = array<i64: 1, 128>}, {pipeline_mode = #tpu.pipeline_mode<synchronous>, transform_indices = @transform_4, window_bounds = array<i64: 128, 128>}, {transform_indices = @transform_5, window_bounds = array<i64: 640, 128>}]} {
    %get3A = arith.constant 0 : index
    %get3A_0 = arith.constant 0 : index
    %get3A_1 = vector.load %arg3[%get3A, %get3A_0] : memref<640x1xf32, #tpu.memory_space<vmem>>, vector<640x1xf32>
    %get3A_2 = arith.constant 0 : index
    %get3A_3 = arith.constant 0 : index
    %get3A_4 = arith.constant 0 : index
    %get3A_5 = vector.load %arg1[%get3A_2, %get3A_3, %get3A_4] : memref<2x640x128xf32, #tpu.memory_space<vmem>>, vector<1x640x128xf32>
    %get3A_6 = vector.shape_cast %get3A_5 : vector<1x640x128xf32> to vector<640x128xf32>
    %get3A_7 = arith.constant 1 : index
    %get3A_8 = arith.constant 0 : index
    %get3A_9 = arith.constant 0 : index
    %get3A_10 = vector.load %arg1[%get3A_7, %get3A_8, %get3A_9] : memref<2x640x128xf32, #tpu.memory_space<vmem>>, vector<1x640x128xf32>
    %get3A_11 = vector.shape_cast %get3A_10 : vector<1x640x128xf32> to vector<640x128xf32>
    %add3A = arith.addf %get3A_6, %get3A_11 : vector<640x128xf32>
    %get3A_12 = arith.constant 0 : index
    %get3A_13 = arith.constant 0 : index
    %get3A_14 = vector.load %arg2[%get3A_12, %get3A_13] : memref<640x128xf32, #tpu.memory_space<vmem>>, vector<640x128xf32>
    %add3A_15 = arith.addf %add3A, %get3A_14 : vector<640x128xf32>
    %mul3A = vector.broadcast %get3A_1 : vector<640x1xf32> to vector<640x128xf32>
    %mul3A_16 = arith.mulf %add3A_15, %mul3A : vector<640x128xf32>
    %get3A_17 = arith.constant 0 : index
    %get3A_18 = arith.constant 0 : index
    %get3A_19 = vector.load %arg4[%get3A_17, %get3A_18] : memref<1x128xf32, #tpu.memory_space<vmem>>, vector<1x128xf32>
    %add3A_20 = vector.broadcast %get3A_19 : vector<1x128xf32> to vector<640x128xf32>
    %add3A_21 = arith.addf %mul3A_16, %add3A_20 : vector<640x128xf32>
    %max3A = arith.constant 0.000000e+00 : f32
    %max3A_22 = vector.broadcast %max3A : f32 to vector<640x128xf32>
    %max3A_23 = arith.maximumf %add3A_21, %max3A_22 : vector<640x128xf32>
    %iota3A = tpu.iota {dimensions = array<i32: 0>} : vector<640x1xi32>
    %mul3A_24 = arith.constant 640 : i32
    %mul3A_25 = arith.muli %arg0, %mul3A_24 : i32
    %add3A_26 = vector.broadcast %mul3A_25 : i32 to vector<640x1xi32>
    %add3A_27 = arith.addi %iota3A, %add3A_26 : vector<640x1xi32>
    %lt3A = arith.constant 10000 : i32
    %lt3A_28 = vector.broadcast %lt3A : i32 to vector<640x1xi32>
    %lt3A_29 = arith.cmpi slt, %add3A_27, %lt3A_28 : vector<640x1xi32>
    %jit3A = arith.constant 0.000000e+00 : f32
    %broadcast_in_dim3A = vector.shape_cast %lt3A_29 : vector<640x1xi1> to vector<640x1xi1>
    %broadcast_in_dim3A_30 = vector.broadcast %broadcast_in_dim3A : vector<640x1xi1> to vector<640x128xi1>
    %broadcast_in_dim3A_31 = vector.broadcast %jit3A : f32 to vector<640x128xf32>
    %select_n3A = arith.select %broadcast_in_dim3A_30, %max3A_23, %broadcast_in_dim3A_31 : vector<640x128xi1>, vector<640x128xf32>
    %get3A_32 = arith.constant 0 : index
    %get3A_33 = arith.constant 0 : index
    %get3A_34 = vector.load %arg5[%get3A_32, %get3A_33] : memref<128x128xf32, #tpu.memory_space<vmem>>, vector<128x128xf32>
    %dot_general3A = arith.constant dense<0.000000e+00> : vector<640x128xf32>
    %dot_general3A_35 = tpu.matmul %select_n3A, %get3A_34, %dot_general3A {dimension_numbers = #tpu.dot_dimension_numbers<[1], [0], [0], [1], [0, 0, 1, 1], [], []>, transpose_lhs_hint = false} : vector<640x128xf32>, vector<128x128xf32>, vector<640x128xf32> -> vector<640x128xf32>
    %mul3A_36 = vector.broadcast %get3A_1 : vector<640x1xf32> to vector<640x128xf32>
    %mul3A_37 = arith.mulf %dot_general3A_35, %mul3A_36 : vector<640x128xf32>
    %swap3A = arith.constant 0 : index
    %swap3A_38 = arith.constant 0 : index
    %swap3A_39 = vector.load %arg6[%swap3A, %swap3A_38] : memref<640x128xf32, #tpu.memory_space<vmem>>, vector<640x128xf32>
    tpu.vector_store %arg6[%swap3A, %swap3A_38], %mul3A_37 {strides = array<i32>} : memref<640x128xf32, #tpu.memory_space<vmem>>, vector<640x128xf32>,
    return
  }
  func.func @transform_0(%arg0: i32) -> (i32, i32, i32) {
    %c0_i32 = arith.constant 0 : i32
    %c0_i32_0 = arith.constant 0 : i32
    %c0_i32_1 = arith.constant 0 : i32
    return %c0_i32, %arg0, %c0_i32_0 : i32, i32, i32
  }
  func.func @transform_1(%arg0: i32) -> (i32, i32) {
    %c0_i32 = arith.constant 0 : i32
    %c0_i32_0 = arith.constant 0 : i32
    return %arg0, %c0_i32 : i32, i32
  }
  func.func @transform_2(%arg0: i32) -> (i32, i32) {
    %c0_i32 = arith.constant 0 : i32
    %c0_i32_0 = arith.constant 0 : i32
    return %arg0, %c0_i32 : i32, i32
  }
  func.func @transform_3(%arg0: i32) -> (i32, i32) {
    %c0_i32 = arith.constant 0 : i32
    %c0_i32_0 = arith.constant 0 : i32
    %c0_i32_1 = arith.constant 0 : i32
    return %c0_i32, %c0_i32_0 : i32, i32
  }
  func.func @transform_4(%arg0: i32) -> (i32, i32) {
    %c0_i32 = arith.constant 0 : i32
    %c0_i32_0 = arith.constant 0 : i32
    %c0_i32_1 = arith.constant 0 : i32
    return %c0_i32, %c0_i32_0 : i32, i32
  }
  func.func @transform_5(%arg0: i32) -> (i32, i32) {
    %c0_i32 = arith.constant 0 : i32
    %c0_i32_0 = arith.constant 0 : i32
    return %arg0, %c0_i32 : i32, i32
  }
}

module attributes {stable_mosaic.version = 14 : i64} {
  func.func @_fin_body(%arg0: i32, %arg1: memref<2x640x128xf32, #tpu.memory_space<vmem>>, %arg2: memref<640x128xf32, #tpu.memory_space<vmem>>, %arg3: memref<640x1xf32, #tpu.memory_space<vmem>>, %arg4: memref<1x128xf32, #tpu.memory_space<vmem>>, %arg5: memref<128x128xf32, #tpu.memory_space<vmem>>, %arg6: memref<1x128xf32, #tpu.memory_space<vmem>>, %arg7: memref<1x128xf32, #tpu.memory_space<vmem>>, %arg8: memref<1x128xf32, #tpu.memory_space<vmem>>) attributes {dimension_semantics = [#tpu.dimension_semantics<arbitrary>], iteration_bounds = array<i64: 16>, scalar_prefetch = 0 : i64, scratch_operands = 1 : i64, tpu.core_type = #tpu.core_type<tc>, window_params = [{transform_indices = @transform_0, window_bounds = array<i64: 2, 640, 128>}, {transform_indices = @transform_1, window_bounds = array<i64: 640, 128>}, {transform_indices = @transform_2, window_bounds = array<i64: 640, 1>}, {pipeline_mode = #tpu.pipeline_mode<synchronous>, transform_indices = @transform_3, window_bounds = array<i64: 1, 128>}, {pipeline_mode = #tpu.pipeline_mode<synchronous>, transform_indices = @transform_4, window_bounds = array<i64: 128, 128>}, {pipeline_mode = #tpu.pipeline_mode<synchronous>, transform_indices = @transform_5, window_bounds = array<i64: 1, 128>}, {pipeline_mode = #tpu.pipeline_mode<synchronous>, transform_indices = @transform_6, window_bounds = array<i64: 1, 128>}]} {
    %eq3A = arith.constant 0 : i32
    %eq3A_0 = arith.cmpi eq, %arg0, %eq3A : i32
    %convert_element_type3A = arith.extui %eq3A_0 : i1 to i32
    %cond3A = arith.constant 0 : i32
    %cond3A_1 = arith.cmpi ne, %convert_element_type3A, %cond3A : i32
    scf.if %cond3A_1 {
      %broadcast_in_dim3A_47 = arith.constant 0.000000e+00 : f32
      %broadcast_in_dim3A_48 = vector.broadcast %broadcast_in_dim3A_47 : f32 to vector<1x128xf32>
      %swap3A_49 = arith.constant 0 : index
      %swap3A_50 = arith.constant 0 : index
      %swap3A_51 = vector.load %arg8[%swap3A_49, %swap3A_50] : memref<1x128xf32, #tpu.memory_space<vmem>>, vector<1x128xf32>
      tpu.vector_store %arg8[%swap3A_49, %swap3A_50], %broadcast_in_dim3A_48 {strides = array<i32>} : memref<1x128xf32, #tpu.memory_space<vmem>>, vector<1x128xf32>,
    } else {
    }
    %get3A = arith.constant 0 : index
    %get3A_2 = arith.constant 0 : index
    %get3A_3 = arith.constant 0 : index
    %get3A_4 = vector.load %arg1[%get3A, %get3A_2, %get3A_3] : memref<2x640x128xf32, #tpu.memory_space<vmem>>, vector<1x640x128xf32>
    %get3A_5 = vector.shape_cast %get3A_4 : vector<1x640x128xf32> to vector<640x128xf32>
    %get3A_6 = arith.constant 1 : index
    %get3A_7 = arith.constant 0 : index
    %get3A_8 = arith.constant 0 : index
    %get3A_9 = vector.load %arg1[%get3A_6, %get3A_7, %get3A_8] : memref<2x640x128xf32, #tpu.memory_space<vmem>>, vector<1x640x128xf32>
    %get3A_10 = vector.shape_cast %get3A_9 : vector<1x640x128xf32> to vector<640x128xf32>
    %add3A = arith.addf %get3A_5, %get3A_10 : vector<640x128xf32>
    %get3A_11 = arith.constant 0 : index
    %get3A_12 = arith.constant 0 : index
    %get3A_13 = vector.load %arg2[%get3A_11, %get3A_12] : memref<640x128xf32, #tpu.memory_space<vmem>>, vector<640x128xf32>
    %add3A_14 = arith.addf %add3A, %get3A_13 : vector<640x128xf32>
    %get3A_15 = arith.constant 0 : index
    %get3A_16 = arith.constant 0 : index
    %get3A_17 = vector.load %arg3[%get3A_15, %get3A_16] : memref<640x1xf32, #tpu.memory_space<vmem>>, vector<640x1xf32>
    %mul3A = vector.broadcast %get3A_17 : vector<640x1xf32> to vector<640x128xf32>
    %mul3A_18 = arith.mulf %add3A_14, %mul3A : vector<640x128xf32>
    %get3A_19 = arith.constant 0 : index
    %get3A_20 = arith.constant 0 : index
    %get3A_21 = vector.load %arg4[%get3A_19, %get3A_20] : memref<1x128xf32, #tpu.memory_space<vmem>>, vector<1x128xf32>
    %add3A_22 = vector.broadcast %get3A_21 : vector<1x128xf32> to vector<640x128xf32>
    %add3A_23 = arith.addf %mul3A_18, %add3A_22 : vector<640x128xf32>
    %max3A = arith.constant 0.000000e+00 : f32
    %max3A_24 = vector.broadcast %max3A : f32 to vector<640x128xf32>
    %max3A_25 = arith.maximumf %add3A_23, %max3A_24 : vector<640x128xf32>
    %iota3A = tpu.iota {dimensions = array<i32: 0>} : vector<640x1xi32>
    %mul3A_26 = arith.constant 640 : i32
    %mul3A_27 = arith.muli %arg0, %mul3A_26 : i32
    %add3A_28 = vector.broadcast %mul3A_27 : i32 to vector<640x1xi32>
    %add3A_29 = arith.addi %iota3A, %add3A_28 : vector<640x1xi32>
    %lt3A = arith.constant 10000 : i32
    %lt3A_30 = vector.broadcast %lt3A : i32 to vector<640x1xi32>
    %lt3A_31 = arith.cmpi slt, %add3A_29, %lt3A_30 : vector<640x1xi32>
    %jit3A = arith.constant 0.000000e+00 : f32
    %broadcast_in_dim3A = vector.shape_cast %lt3A_31 : vector<640x1xi1> to vector<640x1xi1>
    %broadcast_in_dim3A_32 = vector.broadcast %broadcast_in_dim3A : vector<640x1xi1> to vector<640x128xi1>
    %broadcast_in_dim3A_33 = vector.broadcast %jit3A : f32 to vector<640x128xf32>
    %select_n3A = arith.select %broadcast_in_dim3A_32, %max3A_25, %broadcast_in_dim3A_33 : vector<640x128xi1>, vector<640x128xf32>
    %get3A_34 = arith.constant 0 : index
    %get3A_35 = arith.constant 0 : index
    %get3A_36 = vector.load %arg8[%get3A_34, %get3A_35] : memref<1x128xf32, #tpu.memory_space<vmem>>, vector<1x128xf32>
    %reduce_sum3A = arith.constant dense<0.000000e+00> : vector<128xf32>
    %reduce_sum3A_37 = vector.multi_reduction <add>, %select_n3A, %reduce_sum3A [0] : vector<640x128xf32> to vector<128xf32>
    %broadcast_in_dim3A_38 = vector.shape_cast %reduce_sum3A_37 : vector<128xf32> to vector<1x128xf32>
    %add3A_39 = arith.addf %get3A_36, %broadcast_in_dim3A_38 : vector<1x128xf32>
    %swap3A = arith.constant 0 : index
    %swap3A_40 = arith.constant 0 : index
    %swap3A_41 = vector.load %arg8[%swap3A, %swap3A_40] : memref<1x128xf32, #tpu.memory_space<vmem>>, vector<1x128xf32>
    tpu.vector_store %arg8[%swap3A, %swap3A_40], %add3A_39 {strides = array<i32>} : memref<1x128xf32, #tpu.memory_space<vmem>>, vector<1x128xf32>,
    %eq3A_42 = arith.constant 15 : i32
    %eq3A_43 = arith.cmpi eq, %arg0, %eq3A_42 : i32
    %convert_element_type3A_44 = arith.extui %eq3A_43 : i1 to i32
    %cond3A_45 = arith.constant 0 : i32
    %cond3A_46 = arith.cmpi ne, %convert_element_type3A_44, %cond3A_45 : i32
    scf.if %cond3A_46 {
      %get3A_47 = arith.constant 0 : index
      %get3A_48 = arith.constant 0 : index
      %get3A_49 = vector.load %arg8[%get3A_47, %get3A_48] : memref<1x128xf32, #tpu.memory_space<vmem>>, vector<1x128xf32>
      %mul3A_50 = arith.constant 9.99999974E-5 : f32
      %mul3A_51 = vector.broadcast %mul3A_50 : f32 to vector<1x128xf32>
      %mul3A_52 = arith.mulf %get3A_49, %mul3A_51 : vector<1x128xf32>
      %get3A_53 = arith.constant 0 : index
      %get3A_54 = arith.constant 0 : index
      %get3A_55 = vector.load %arg5[%get3A_53, %get3A_54] : memref<128x128xf32, #tpu.memory_space<vmem>>, vector<128x128xf32>
      %dot_general3A = arith.constant dense<0.000000e+00> : vector<1x128xf32>
      %dot_general3A_56 = tpu.matmul %mul3A_52, %get3A_55, %dot_general3A {dimension_numbers = #tpu.dot_dimension_numbers<[1], [0], [0], [1], [0, 0, 1, 1], [], []>, transpose_lhs_hint = false} : vector<1x128xf32>, vector<128x128xf32>, vector<1x128xf32> -> vector<1x128xf32>
      %get3A_57 = arith.constant 0 : index
      %get3A_58 = arith.constant 0 : index
      %get3A_59 = vector.load %arg6[%get3A_57, %get3A_58] : memref<1x128xf32, #tpu.memory_space<vmem>>, vector<1x128xf32>
      %add3A_60 = arith.addf %dot_general3A_56, %get3A_59 : vector<1x128xf32>
      %reduce_max3A = arith.constant dense<0xFF800000> : vector<1xf32>
      %reduce_max3A_61 = vector.multi_reduction <maximumf>, %add3A_60, %reduce_max3A [1] : vector<1x128xf32> to vector<1xf32>
      %broadcast_in_dim3A_62 = vector.shape_cast %reduce_max3A_61 : vector<1xf32> to vector<1x1xf32>
      %sub3A = vector.broadcast %broadcast_in_dim3A_62 : vector<1x1xf32> to vector<1x128xf32>
      %sub3A_63 = arith.subf %add3A_60, %sub3A : vector<1x128xf32>
      %exp3A = math.exp %sub3A_63 : vector<1x128xf32>
      %reduce_sum3A_64 = arith.constant dense<0.000000e+00> : vector<1xf32>
      %reduce_sum3A_65 = vector.multi_reduction <add>, %exp3A, %reduce_sum3A_64 [1] : vector<1x128xf32> to vector<1xf32>
      %broadcast_in_dim3A_66 = vector.shape_cast %reduce_sum3A_65 : vector<1xf32> to vector<1x1xf32>
      %log3A = math.log %broadcast_in_dim3A_66 : vector<1x1xf32>
      %add3A_67 = arith.addf %log3A, %broadcast_in_dim3A_62 : vector<1x1xf32>
      %sub3A_68 = vector.broadcast %add3A_67 : vector<1x1xf32> to vector<1x128xf32>
      %sub3A_69 = arith.subf %add3A_60, %sub3A_68 : vector<1x128xf32>
      %swap3A_70 = arith.constant 0 : index
      %swap3A_71 = arith.constant 0 : index
      %swap3A_72 = vector.load %arg7[%swap3A_70, %swap3A_71] : memref<1x128xf32, #tpu.memory_space<vmem>>, vector<1x128xf32>
      tpu.vector_store %arg7[%swap3A_70, %swap3A_71], %sub3A_69 {strides = array<i32>} : memref<1x128xf32, #tpu.memory_space<vmem>>, vector<1x128xf32>,
    } else {
    }
    return
  }
  func.func @transform_0(%arg0: i32) -> (i32, i32, i32) {
    %c0_i32 = arith.constant 0 : i32
    %c0_i32_0 = arith.constant 0 : i32
    %c0_i32_1 = arith.constant 0 : i32
    return %c0_i32, %arg0, %c0_i32_0 : i32, i32, i32
  }
  func.func @transform_1(%arg0: i32) -> (i32, i32) {
    %c0_i32 = arith.constant 0 : i32
    %c0_i32_0 = arith.constant 0 : i32
    return %arg0, %c0_i32 : i32, i32
  }
  func.func @transform_2(%arg0: i32) -> (i32, i32) {
    %c0_i32 = arith.constant 0 : i32
    %c0_i32_0 = arith.constant 0 : i32
    return %arg0, %c0_i32 : i32, i32
  }
  func.func @transform_3(%arg0: i32) -> (i32, i32) {
    %c0_i32 = arith.constant 0 : i32
    %c0_i32_0 = arith.constant 0 : i32
    %c0_i32_1 = arith.constant 0 : i32
    return %c0_i32, %c0_i32_0 : i32, i32
  }
  func.func @transform_4(%arg0: i32) -> (i32, i32) {
    %c0_i32 = arith.constant 0 : i32
    %c0_i32_0 = arith.constant 0 : i32
    %c0_i32_1 = arith.constant 0 : i32
    return %c0_i32, %c0_i32_0 : i32, i32
  }
  func.func @transform_5(%arg0: i32) -> (i32, i32) {
    %c0_i32 = arith.constant 0 : i32
    %c0_i32_0 = arith.constant 0 : i32
    %c0_i32_1 = arith.constant 0 : i32
    return %c0_i32, %c0_i32_0 : i32, i32
  }
  func.func @transform_6(%arg0: i32) -> (i32, i32) {
    %c0_i32 = arith.constant 0 : i32
    %c0_i32_0 = arith.constant 0 : i32
    %c0_i32_1 = arith.constant 0 : i32
    return %c0_i32, %c0_i32_0 : i32, i32
  }
}

</mosaic_0001>

<sc_bundles>
// kernel: kernel.12.cloned.1.call-start
scs
__scs_entry_jumppad:
0x0: {  	(pc) =	sbr.rel $0x88, $3  }
0x1: {  	(tag) =	ssettag $0x0;
	lr =	simm.s32 $0x1  }
0x2: {  	[smem:$0x3F99] =	sst lr;
	_ =	strace $0xD0000000  }
0x3: {  	_ = 	snop  }
0x4: {  	_ = 	snop  }
0x5: {  	_ = 	snop  }
0x6: {  	_ = 	snop  }
0x7: {  	_ = 	snop  }
__scs_overlays_trampoline_lowered:
0x8: {  	[smem:$0x3FA8] =	sst s0  }
0x9: {  	[smem:$0x3FA9] =	sst s1  }
0xa: {  	[smem:$0x3FAA] =	sst s2  }
0xb: {  	[smem:$0x3FAB] =	sst s3  }
0xc: {  	[smem:$0x3FAC] =	sst s4  }
0xd: {  	[smem:$0x3FAD] =	sst s5  }
0xe: {  	[smem:$0x3FAE] =	sst s6  }
0xf: {  	[smem:$0x3FAF] =	sst s7  }
0x10: {  	[smem:$0x3FB0] =	sst s8  }
0x11: {  	[smem:$0x3FB1] =	sst s9;
	s0 =	simm.s32 @!p0 $0x0  }
0x12: {  	s1 =	sld [smem:$0x3F97];
	s0 =	simm.s32 @p0 $0x1  }
0x13: {  	[smem:$0x3FB2] =	sst s0;
	s0 =	simm.s32 @!p1 $0x0  }
0x14: {  	s2 =	sld [smem:$0x3F96];
	s0 =	simm.s32 @p1 $0x1  }
0x15: {  	[smem:$0x3FB3] =	sst s0;
	s0 =	simm.s32 @!p2 $0x0  }
0x16: {  	s3 =	sld [smem:$0x3FDB];
	s0 =	simm.s32 @p2 $0x1  }
0x17: {  	s4 =	simm.s32 $0x1BF5;
	[smem:$0x3FB5] =	sst s0  }
0x18: {  	s0 =	sld [smem:$0x3F98];
	_ =	swait.ge [sflag:s4], $0x0  }
0x19: {  	s7 =	sld [smem:$0x3F99]  }
0x1a: {  	s8 =	sadd.s32 $0xFFFFE003, lr  }
0x1b: {  	s9 =	sadd.s32 $0xFFFFFEF7, lr;
	s5 =	simm.s32 $0xFFFFFFFF;
	p2 =	slt.u32 s8, $0xFFFFF086  }
0x1c: {  	p1 =	slt.u32 s9, $0xF7A;
	s5 =	simm.s32 @!p2 $0x0  }
0x1d: {  	s5 =	simm.s32 @p1 $0x1;
	p0 =	seq.s32 s7, s2  }
0x1e: {  	s7 =	smul.u32 @!p0 $0xF7A, s2;
	p2 =	seq.s32 @!p0 s5, $0x0  }
0x1f: {  	s9 =	smul.u32 $0xF7A, s1;
	s8 =	simm.s32 @!p0 $0x1BF5;
	p2 =	por !p2, p0  }
0x20: {  	[sflag:s8] =	ssyncset.s32 @!p0 $0xFFFFF086;
	s6 =	sadd.s32 @!p0 s3, s7;
	s7 =	simm.s32 @!p0 $0x108  }
0x21: {  	s3 =	sadd.s32 s3, s9;
	s6 =	sadd.s32 @!p0 $0x88, s6;
	s7 =	simm.s32 @p2 $0x1082  }
0x22: {  	[simem:s7], [sflag:s8] =	dma.local @!p0 [hbm:s6], $0xF7A  }
0x23: {  	s9 =	sor.u32 $0xD0000000, s2;
	s6 =	simm.s32 $0x108;
	_ =	swait.ge @!p0 [sflag:s8], $0x0  }
0x24: {  	s3 =	sadd.s32 $0x88, s3;
	s6 =	simm.s32 @!p1 $0x1082;
	[sflag:s4] =	ssyncset.s32 $0xFFFFF086  }
0x25: {  	[simem:s6], [sflag:s4] =	dma.local [hbm:s3], $0xF7A  }
0x26: {  	[smem:$0x3F99] =	sst s1;
	(tag) =	ssettag s2;
	_ =	strace s9  }
0x27: {  	s1 =	sld [smem:$0x3FA9]  }
0x28: {  	s2 =	sld [smem:$0x3FAA]  }
0x29: {  	s4 =	sld [smem:$0x3FAC]  }
0x2a: {  	p0 =	seq.s32 s5, $0x0;
	s5 =	sld [smem:$0x3FAD]  }
0x2b: {  	s6 =	sld [smem:$0x3FAE]  }
0x2c: {  	s7 =	sld [smem:$0x3FAF]  }
0x2d: {  	s3 =	simm.s32 $0x108;
	s8 =	sld [smem:$0x3FB0]  }
0x2e: {  	s3 =	simm.s32 @!p0 $0x1082;
	s9 =	sld [smem:$0x3FB1]  }
0x2f: {  	lr =	sadd.s32 s0, s3;
	s0 =	sld [smem:$0x3FA8]  }
0x30: {  	s3 =	sld [smem:$0x3FAB]  }
0x31: {  	[smem:$0x3FB4] =	sst s10  }
0x32: {  	s10 =	sld [smem:$0x3FB2];
	_ =	sdelay $0x3  }
0x33: {  	p0 =	seq.s32 s10, $0x1;
	s10 =	sld [smem:$0x3FB4];
	_ =	sdelay $0x3  }
0x34: {  	[smem:$0x3FB4] =	sst s10  }
0x35: {  	s10 =	sld [smem:$0x3FB3];
	_ =	sdelay $0x3  }
0x36: {  	p1 =	seq.s32 s10, $0x1;
	s10 =	sld [smem:$0x3FB4];
	_ =	sdelay $0x3  }
0x37: {  	[smem:$0x3FB4] =	sst s10  }
0x38: {  	s10 =	sld [smem:$0x3FB5]  }
0x39: {  	_ = 	snop;
	(pc) =	sbr.ind lr, $3  }
0x3a: {  	_ = 	snop  }
0x3b: {  	_ = 	snop  }
0x3c: {  	p2 =	seq.s32 s10, $0x1;
	s10 =	sld [smem:$0x3FB4]  }
0x3d: {  	_ =	shalt  }
0x3e: {  	_ =	shalt  }
0x3f: {  	_ =	shalt  }
0x40: {  	_ =	shalt  }
0x41: {  	_ =	shalt  }
0x42: {  	_ =	shalt  }
0x43: {  	_ =	shalt  }
0x44: {  	_ =	shalt  }
0x45: {  	_ =	shalt  }
0x46: {  	_ =	shalt  }
0x47: {  	_ =	shalt  }
0x48: {  	_ =	shalt  }
0x49: {  	_ =	shalt  }
0x4a: {  	_ =	shalt  }
0x4b: {  	_ =	shalt  }
0x4c: {  	_ =	shalt  }
0x4d: {  	_ =	shalt  }
0x4e: {  	_ =	shalt  }
0x4f: {  	_ =	shalt  }
0x50: {  	_ =	shalt  }
0x51: {  	_ =	shalt  }
0x52: {  	_ =	shalt  }
0x53: {  	_ =	shalt  }
0x54: {  	_ =	shalt  }
0x55: {  	_ =	shalt  }
0x56: {  	_ =	shalt  }
0x57: {  	_ =	shalt  }
0x58: {  	_ =	shalt  }
0x59: {  	_ =	shalt  }
0x5a: {  	_ =	shalt  }
0x5b: {  	_ =	shalt  }
0x5c: {  	_ =	shalt  }
0x5d: {  	_ =	shalt  }
0x5e: {  	_ =	shalt  }
0x5f: {  	_ =	shalt  }
0x60: {  	_ =	shalt  }
0x61: {  	_ =	shalt  }
0x62: {  	_ =	shalt  }
0x63: {  	_ =	shalt  }
0x64: {  	_ =	shalt  }
0x65: {  	_ =	shalt  }
0x66: {  	_ =	shalt  }
0x67: {  	_ =	shalt  }
0x68: {  	_ =	shalt  }
0x69: {  	_ =	shalt  }
0x6a: {  	_ =	shalt  }
0x6b: {  	_ =	shalt  }
0x6c: {  	_ =	shalt  }
0x6d: {  	_ =	shalt  }
0x6e: {  	_ =	shalt  }
0x6f: {  	_ =	shalt  }
0x70: {  	_ =	shalt  }
0x71: {  	_ =	shalt  }
0x72: {  	_ =	shalt  }
0x73: {  	_ =	shalt  }
0x74: {  	_ =	shalt  }
0x75: {  	_ =	shalt  }
0x76: {  	_ =	shalt  }
0x77: {  	_ =	shalt  }
0x78: {  	_ =	shalt  }
0x79: {  	_ =	shalt  }
0x7a: {  	_ =	shalt  }
0x7b: {  	_ =	shalt  }
0x7c: {  	_ =	shalt  }
0x7d: {  	_ =	shalt  }
0x7e: {  	_ =	shalt  }
0x7f: {  	_ =	shalt  }
0x80: {  	_ =	shalt  }
0x81: {  	_ =	shalt  }
0x82: {  	_ =	shalt  }
0x83: {  	_ =	shalt  }
0x84: {  	_ =	shalt  }
0x85: {  	_ =	shalt  }
0x86: {  	_ =	shalt  }
0x87: {  	_ =	shalt  }
.Lfunc_end0:
.L_simem_size_0:
called_computation.1_lowered:
.L_overlay_start_0:
0x88: {  	s2 =	sld [smem:$0x3FD9]  }
0x89: {  	s3 =	sld [smem:$0x3FFE];
	_ =	sdelay $0x1  }
0x8a: {  	s1 =	srdreg.scid  }
0x8b: {  	s0 =	sand.u32 $0x1, s1  }
0x8c: {  	s16 =	sshll.u32 s0, $0xA;
	s2 =	sadd.s32 s3, s2  }
0x8d: {  	s2 =	sadd.s32 s2, s16  }
0x8e: {  	[smem:$0x3FC0] =	sst s2  }
0x8f: {  	_ = 	snop  }
0x90: {  	(tm) =	ssettm $0x1  }
0x91: {  	s17 =	sld [smem:$0x3FFB];
	_ =	sdelay $0x3  }
0x92: {  	_ =	strace s17  }
0x93: {  	s2 =	sld [smem:$0x3FFC];
	_ =	sdelay $0x3  }
0x94: {  	_ =	strace s2  }
0x95: {  	s2 =	sld [smem:$0x3FFD];
	_ =	sdelay $0x3  }
0x96: {  	_ =	strace s2  }
0x97: {  	_ =	strace $0x8FFFFFFF  }
0x98: {  	s18 =	sld [smem:$0x3FDB];
	_ =	sdelay $0x1  }
0x99: {  	s19 =	simm.s32 $_scs_section_size  }
0x9a: {  	s4 =	simm.s32 $_size__tile_overlayer_lowered;
	s5 =	simm.s32 $_tile_overlayer_lowered  }
0x9b: {  	s22 =	simm.s32 $0x1BFF;
	s21 =	sshll.u32 s5, $0x1;
	s2 =	sadd.s32 s19, s18  }
0x9c: {  	s6 =	simm.s32 $0x0;
	s20 =	sshll.u32 s4, $0x1;
	s4 =	sadd.s32 s21, s2  }
0x9d: {  	[timem:s6], [sflag:s22] =	dma.local [hbm:s4], s20  }
0x9e: {  	_ =	swait.ge [sflag:s22], s20  }
0x9f: {  	s3 =	ssub.s32 $0x0, s20;
	[sflag:s22] =	ssyncset.done $0x0  }
0xa0: {  	[sflag:s22] =	ssyncadd.s32 s3;
	_ =	sdelay $0x1  }
0xa1: {  	s23 =	simm.s32 $0x1B8B  }
0xa2: {  	_ =	swait.ge [sflag:s23], $0x1  }
0xa3: {  	[sflag:s23] =	ssyncset.done $0x0  }
0xa4: {  	s25 =	simm.s32 $0x1B8E;
	s24 =	sld [smem:$0x3FFE];
	[sflag:s23] =	ssyncadd.s32 $0xFFFFFFFF  }
0xa5: {  	s26 =	simm.s32 $execute0_lowered;
	[smem:$0x3FD2] =	sst s25  }
0xa6: {  	s4 =	sshll.u32 s26, $0x1;
	_ =	strace $0x80000049;
	[dreg:$0x1] =	wrdreg $0xFFFFFFFF  }
0xa7: {  	s28 =	simm.s32 $_size_execute0_lowered;
	s2 =	sadd.s32 s2, s4;
	[dreg:$0x0] =	wrdreg $0x0  }
0xa8: {  	s4 =	sshll.u32 s28, $0x1;
	[dreg:$0x2] =	wrdreg s2  }
0xa9: {  	[dreg:$0x3] =	wrdreg s4  }
0xaa: {  	[dreg:$0x4] =	wrdreg $0xC0  }
0xab: {  	_ =	task [dreg:s6], $0x5FFFF  }
0xac: {  	[dreg:$0x1] =	wrdreg $0xFFFFFFFF  }
0xad: {  	[dreg:$0x0] =	wrdreg $0x60  }
0xae: {  	[dreg:$0x2] =	wrdreg s24  }
0xaf: {  	[dreg:$0x3] =	wrdreg $0xAA000  }
0xb0: {  	[dreg:$0x4] =	wrdreg $0x9  }
0xb1: {  	_ =	task.clear_ibuf [dreg:s6], $0x5FFFF;
	_ =	strace $0x90000049  }
0xb2: {  	s29 =	simm.s32 $0x9;
	_ =	strace $0x8000004B  }
0xb3: {  	_ =	swait.ge [sflag:s29], $0x1  }
0xb4: {  	[sflag:s29] =	ssyncadd.s32 $0xFFFFFFFF  }
0xb5: {  	_ =	strace $0x9000004B  }
0xb6: {  	_ =	sfence  }
0xb7: {  	s30 =	sld [smem:$0x0];
	_ =	sdelay $0x2  }
0xb8: {  	s31 =	sshll.u32 s1, $0xD;
	s1 =	sshrl.u32 s1, $0x2  }
0xb9: {  	s3 =	sand.u32 $0x4000, s31;
	s1 =	sadd.s32 s1, s30  }
0xba: {  	s0 =	sor.u32 s3, s0;
	s1 =	sshll.u32 s1, $0x11  }
0xbb: {  	s0 =	sor.u32 s1, s0  }
0xbc: {  	s0 =	sadd.s32 $0x8F2B, s0  }
0xbd: {  	[sflag:s0] =	ssyncadd.remote.s32 $0x1  }
0xbe: {  	_ =	sfence.sel $0xFFFF  }
0xbf: {  	[dreg:$0x0] =	wrdreg $0xFFFFFFFF;
	(pc) =	sbr.abs _section_cstart, $3  }
0xc0: {  	[dreg:$0x1] =	wrdreg $0xFFFFFFFF  }
0xc1: {  	_ =	task.clear_ibuf [dreg:s6], $0x2FFFF;
	_ =	strace $0x9FFFFFFF  }
0xc2: {  	(tm) =	ssettm $0x7FFFFFFF  }
0xc3: {  	_ =	shalt  }
tec
execute0_lowered:
.L_overlay_start_1:
0x0: {  	(tag) =	ssettag $0x1  }
0x1: {  	s0 =	srdreg.scid;
	s6 =	rddreg [dreg:$0x0]  }
0x2: {  	s12 =	stileid.u32;
	s2 =	rddreg [dreg:$0x1]  }
0x3: {  	s3 =	simm.s32 $0x0;
	s28 =	simm.s32 $0x4A00;
	s29 =	simm.s32 $0x2880  }
0x4: {  	s30 =	simm.s32 $0x1;
	s31 =	simm.s32 $0x5;
	s7 =	smul.u32 $0x2800, s12  }
0x5: {  	s13 =	simm.s32 $0x4;
	s14 =	simm.s32 $0x8;
	s9 =	smul.u32 $0x50000, s12  }
0x6: {  	s0 =	sand.u32 $0x1, s0;
	[smem:$0x7FF] =	sst s3;
	s23 =	smul.u32 $0xA00, s12  }
0x7: {  	s4 =	sadd.s32 $0x2C00, s6;
	s1 =	sshll.u32 s0, $0x4;
	s8 =	smul.u32 $0x28000, s0  }
0x8: {  	_ =	strace $0x8000004A;
	s15 =	ssub.s32 $0x2, s0;
	s1 =	sor.u32 s12, s1  }
0x9: {  	s11 =	sshrl.u32 s15, $0x1;
	s5 =	smul.u32 $0x500, s1;
	s7 =	sadd.s32 s7, s8  }
0xa: {  	s9 =	sshrl.u32 s9, $0x2;
	s8 =	ssub.s32 s15, s11;
	s7 =	sadd.s32 s7, s6  }
0xb: {  	s26 =	smax.u32 s8, $0x1;
	s10 =	sadd.s32 s5, s6;
	s5 =	sadd.s32 $0x5CC00, s6  }
0xc: {  	s6 =	sadd.s32 s9, s2;
	s25 =	sadd.s32 $0x7AC00, s7;
	[dreg:$0xf] =	wrdreg s26  }
0xd: {  	s0 =	smul.u32 $0xA000, s0;
	s9 =	sadd.s32 $0x2000, s6;
	[dreg:$0xe] =	wrdreg s25  }
0xe: {  	s12 =	simm.s32 $0x7;
	s16 =	sadd.s32 $0x4000, s6;
	[dreg:$0x3] =	wrdreg s9  }
0xf: {  	s1 =	smul.u32 $0xA00, s1;
	s17 =	sadd.s32 $0x6000, s6;
	[dreg:$0x4] =	wrdreg s16  }
0x10: {  	s11 =	simm.s32 $0x3;
	s18 =	sadd.s32 $0x8000, s6;
	[dreg:$0x5] =	wrdreg s17  }
0x11: {  	s15 =	simm.s32 $0x0;
	s19 =	sadd.s32 $0xA000, s6;
	[dreg:$0x6] =	wrdreg s18  }
0x12: {  	s8 =	simm.s32 $0x6;
	s20 =	sadd.s32 $0xC000, s6;
	[dreg:$0x7] =	wrdreg s19  }
0x13: {  	s26 =	simm.s32 $0x2800;
	s21 =	sadd.s32 $0xE000, s6;
	[dreg:$0x8] =	wrdreg s20  }
0x14: {  	s7 =	simm.s32 $0x2;
	s22 =	sadd.s32 $0x10000, s6;
	[dreg:$0x9] =	wrdreg s21  }
0x15: {  	s24 =	sadd.s32 $0x12000, s6;
	s10 =	sadd.s32 $0x70C00, s10;
	[dreg:$0xa] =	wrdreg s22  }
.Ltmp0:
0x16: {  	s25 =	simm.s32 $0x40;
	[dreg:$0xb] =	wrdreg s24;
	(pc) =	sbr.rel .LBB2_1-.Ltmp0, $4  }
0x17: {  	[dreg:$0xc] =	wrdreg s10;
	s17 =	sadd.s32 s5, s1;
	s20 =	sadd.s32 s23, s0  }
0x18: {  	s23 =	simm.s32 $0x2A00;
	s24 =	simm.s32 $0x9;
	s0 =	simm.s32 $0x2900  }
0x19: {  	s9 =	simm.s32 $0x8A00;
	s10 =	simm.s32 $0x2980;
	s1 =	sadd.s32 $0x10, s17  }
0x1a: {  	v0 =	vimm.f32 $0.0e+00;
	s22 =	sadd.s32 s5, s20;
	[dreg:$0xd] =	wrdreg s1;
	s1 =	simm.s32 $0x6A00  }
.LBB2_6:
0x1b: {  	_ =	swait.ge [sflag:s13], $0x2000  }
0x1c: {  	[sflag:s13] =	ssyncset.done $0x0  }
0x1d: {  	[sflag:s13] =	ssyncadd.s32 $0xFFFFE000  }
0x1e: {  	_ =	swait.ge [sflag:s14], $0x80  }
0x1f: {  	[sflag:s14] =	ssyncset.done $0x0  }
0x20: {  	[sflag:s14] =	ssyncadd.s32 $0xFFFFFF80  }
0x21: {  	[spmem:s2] =	stream.indirect.scatter.add.f32 [tilespmem:s9], [sflag:$0x9], $0x80, s10, s25, $0xb8;
	[tilespmem:$0x1EA00] =	vst v63  }
0x22: {  	_ =	swait.ge [sflag:s24], $0x2000  }
0x23: {  	[sflag:s24] =	ssyncset.done $0x0  }
0x24: {  	s16 =	stileid.u32;
	[sflag:s24] =	ssyncadd.s32 $0xFFFFE000  }
0x25: {  	s16 =	sshll.u32 s16, $0x6;
	[bflag:$0x0] =	sbarrier.arrive $0xFFFF  }
0x26: {  	s18 =	sshrl.u32 s6, $0x3;
	s16 =	sor.u32 $0x1C09, s16;
	s19 =	rddreg [dreg:$0xe]  }
0x27: {  	[hbm:s19], [sflag:s16] =	dma.local [spmem:s18], $0x2800  }
0x28: {  	_ =	swait.ge [sflag:s24], $0x2800  }
0x29: {  	s15 =	sadd.s32 $0x1, s15;
	s21 =	rddreg [dreg:$0xf]  }
0x2a: {  	p0 =	sne.s32 s15, s21  }
.Ltmp1:
0x2b: {  	_ = 	snop;
	(pc) =	sbr.rel @!p0 .LBB2_7-.Ltmp1, $3  }
0x2c: {  	_ =	sdelay $0x1  }
0x2d: {  	[sflag:s24] =	ssyncset.done $0x0  }
0x2e: {  	[sflag:s24] =	ssyncadd.s32 $0xFFFFD800  }
.LBB2_1:
0x2f: {  	s16 =	simm.s32 $0x0;
	s18 =	simm.s32 $0x200  }
.LBB2_2:
0x30: {  	p0 =	sne.s32 s18, $0x7E00;
	[tilespmem:s16+$0x2A70] =	vst v0  }
0x31: {  	[tilespmem:s16+$0x2A00] =	vst v0  }
0x32: {  	[tilespmem:s16+$0x2A10] =	vst v0  }
.Ltmp2:
0x33: {  	[tilespmem:s16+$0x2A20] =	vst v0;
	(pc) =	sbr.rel @p0 .LBB2_2-.Ltmp2, $4  }
0x34: {  	[tilespmem:s16+$0x2A30] =	vst v0  }
0x35: {  	[tilespmem:s16+$0x2A40] =	vst v0  }
0x36: {  	[tilespmem:s16+$0x2A50] =	vst v0  }
0x37: {  	[tilespmem:s16+$0x2A60] =	vst v0;
	s16 =	sshra.s32 s18, $0x2;
	s18 =	sadd.s32 $0x200, s18  }
0x38: {  	[tilespmem:s16+$0x2A70] =	vst v0  }
0x39: {  	[tilespmem:s16+$0x2A00] =	vst v0  }
0x3a: {  	[tilespmem:s16+$0x2A10] =	vst v0  }
0x3b: {  	[tilespmem:s16+$0x2A20] =	vst v0  }
0x3c: {  	[tilespmem:s16+$0x2A30] =	vst v0  }
0x3d: {  	[tilespmem:s16+$0x2A40] =	vst v0  }
0x3e: {  	[tilespmem:s16+$0x2A50] =	vst v0  }
0x3f: {  	[tilespmem:s16+$0x2A60] =	vst v0  }
0x40: {  	[spmem:s6] =	stream.linear.scatter [tilespmem:s23], [sflag:$0x9], $0x2000, $0x38;
	[tilespmem:$0x1EA00] =	vst v63  }
0x41: {  	_ =	swait.ge [sflag:s24], $0x2000  }
0x42: {  	[sflag:s24] =	ssyncset.done $0x0  }
0x43: {  	s21 =	rddreg [dreg:$0x3];
	[sflag:s24] =	ssyncadd.s32 $0xFFFFE000  }
0x44: {  	[spmem:s21] =	stream.linear.scatter [tilespmem:s23], [sflag:$0x9], $0x2000, $0x38;
	[tilespmem:$0x1EA00] =	vst v63  }
0x45: {  	_ =	swait.ge [sflag:s24], $0x2000  }
0x46: {  	[sflag:s24] =	ssyncset.done $0x0  }
0x47: {  	s18 =	rddreg [dreg:$0x4];
	[sflag:s24] =	ssyncadd.s32 $0xFFFFE000  }
0x48: {  	[spmem:s18] =	stream.linear.scatter [tilespmem:s23], [sflag:$0x9], $0x2000, $0x38;
	[tilespmem:$0x1EA00] =	vst v63  }
0x49: {  	_ =	swait.ge [sflag:s24], $0x2000  }
0x4a: {  	[sflag:s24] =	ssyncset.done $0x0  }
0x4b: {  	s19 =	rddreg [dreg:$0x5];
	[sflag:s24] =	ssyncadd.s32 $0xFFFFE000  }
0x4c: {  	[spmem:s19] =	stream.linear.scatter [tilespmem:s23], [sflag:$0x9], $0x2000, $0x38;
	[tilespmem:$0x1EA00] =	vst v63  }
0x4d: {  	_ =	swait.ge [sflag:s24], $0x2000  }
0x4e: {  	[sflag:s24] =	ssyncset.done $0x0  }
0x4f: {  	s21 =	rddreg [dreg:$0x6];
	[sflag:s24] =	ssyncadd.s32 $0xFFFFE000  }
0x50: {  	[spmem:s21] =	stream.linear.scatter [tilespmem:s23], [sflag:$0x9], $0x2000, $0x38;
	[tilespmem:$0x1EA00] =	vst v63  }
0x51: {  	_ =	swait.ge [sflag:s24], $0x2000  }
0x52: {  	[sflag:s24] =	ssyncset.done $0x0  }
0x53: {  	s18 =	rddreg [dreg:$0x7];
	[sflag:s24] =	ssyncadd.s32 $0xFFFFE000  }
0x54: {  	[spmem:s18] =	stream.linear.scatter [tilespmem:s23], [sflag:$0x9], $0x2000, $0x38;
	[tilespmem:$0x1EA00] =	vst v63  }
0x55: {  	_ =	swait.ge [sflag:s24], $0x2000  }
0x56: {  	[sflag:s24] =	ssyncset.done $0x0  }
0x57: {  	s19 =	rddreg [dreg:$0x8];
	[sflag:s24] =	ssyncadd.s32 $0xFFFFE000  }
0x58: {  	[spmem:s19] =	stream.linear.scatter [tilespmem:s23], [sflag:$0x9], $0x2000, $0x38;
	[tilespmem:$0x1EA00] =	vst v63  }
0x59: {  	_ =	swait.ge [sflag:s24], $0x2000  }
0x5a: {  	[sflag:s24] =	ssyncset.done $0x0  }
0x5b: {  	s21 =	rddreg [dreg:$0x9];
	[sflag:s24] =	ssyncadd.s32 $0xFFFFE000  }
0x5c: {  	[spmem:s21] =	stream.linear.scatter [tilespmem:s23], [sflag:$0x9], $0x2000, $0x38;
	[tilespmem:$0x1EA00] =	vst v63  }
0x5d: {  	_ =	swait.ge [sflag:s24], $0x2000  }
0x5e: {  	[sflag:s24] =	ssyncset.done $0x0  }
0x5f: {  	s18 =	rddreg [dreg:$0xa];
	[sflag:s24] =	ssyncadd.s32 $0xFFFFE000  }
0x60: {  	[spmem:s18] =	stream.linear.scatter [tilespmem:s23], [sflag:$0x9], $0x2000, $0x38;
	[tilespmem:$0x1EA00] =	vst v63  }
0x61: {  	_ =	swait.ge [sflag:s24], $0x2000  }
0x62: {  	[sflag:s24] =	ssyncset.done $0x0  }
0x63: {  	s19 =	rddreg [dreg:$0xb];
	[sflag:s24] =	ssyncadd.s32 $0xFFFFE000  }
0x64: {  	[spmem:s19] =	stream.linear.scatter [tilespmem:s23], [sflag:$0x9], $0x2000, $0x38;
	[tilespmem:$0x1EA00] =	vst v63  }
0x65: {  	_ =	swait.ge [sflag:s24], $0x2000  }
0x66: {  	[sflag:s24] =	ssyncset.done $0x0  }
0x67: {  	[sflag:s24] =	ssyncadd.s32 $0xFFFFE000  }
0x68: {  	[bflag:$0x0] =	sbarrier.arrive $0xFFFF  }
0x69: {  	s16 =	simm.s32 $0x0;
	s18 =	rddreg [dreg:$0xc]  }
0x6a: {  	[tilespmem:s16], [sflag:$0x9] =	stream.linear.gather [hbm4b:s18+s16], $0x2800, $0x38;
	[tilespmem:$0x1EA00] =	vst v63  }
0x6b: {  	_ =	swait.ge [sflag:s24], $0x2800  }
0x6c: {  	[sflag:s24] =	ssyncset.done $0x0  }
0x6d: {  	[sflag:s24] =	ssyncadd.s32 $0xFFFFD800  }
0x6e: {  	[tilespmem:s23], [sflag:$0x1] =	stream.indirect.gather [hbm4b:s4+s25], $0x80, s16, s25, $0xb8;
	[tilespmem:$0x1EA00] =	vst v63  }
0x6f: {  	_ = 	snop  }
0x70: {  	[tilespmem:s26], [sflag:$0x5] =	stream.linear.gather [hbm4b:s17+s16], $0x80, $0x38;
	[tilespmem:$0x1EA00] =	vst v63  }
0x71: {  	_ = 	snop  }
0x72: {  	[tilespmem:s28], [sflag:$0x2] =	stream.indirect.gather [hbm4b:s4+s25], $0x80, s25, s25, $0xb8;
	[tilespmem:$0x1EA00] =	vst v63  }
0x73: {  	s18 =	simm.s32 $0x140;
	s21 =	rddreg [dreg:$0xd]  }
0x74: {  	[tilespmem:s29], [sflag:$0x6] =	stream.linear.gather [hbm4b:s21+s16], $0x80, $0x38;
	[tilespmem:$0x1EA00] =	vst v63  }
.LBB2_4:
0x75: {  	_ =	swait.ge [sflag:s30], $0x2000  }
0x76: {  	[sflag:s30] =	ssyncset.done $0x0  }
0x77: {  	[sflag:s30] =	ssyncadd.s32 $0xFFFFE000  }
0x78: {  	_ =	swait.ge [sflag:s31], $0x80  }
0x79: {  	[sflag:s31] =	ssyncset.done $0x0  }
0x7a: {  	[sflag:s31] =	ssyncadd.s32 $0xFFFFFF80  }
0x7b: {  	[spmem:s2] =	stream.indirect.scatter.add.f32 [tilespmem:s23], [sflag:$0x9], $0x80, s26, s25, $0xb8;
	[tilespmem:$0x1EA00] =	vst v63  }
0x7c: {  	_ =	swait.ge [sflag:s24], $0x2000  }
0x7d: {  	[sflag:s24] =	ssyncset.done $0x0  }
0x7e: {  	s19 =	sadd.s32 $0xFFFFFF40, s18;
	[sflag:s24] =	ssyncadd.s32 $0xFFFFE000  }
0x7f: {  	[tilespmem:s1], [sflag:$0x3] =	stream.indirect.gather [hbm4b:s4+s25], $0x80, s19, s25, $0xb8;
	[tilespmem:$0x1EA00] =	vst v63  }
0x80: {  	s21 =	sand.u32 $0x40, s16;
	s19 =	sadd.s32 s16, s20  }
0x81: {  	s21 =	sadd.s32 s21, s5;
	s19 =	sand.u32 $0xFFFFF80, s19  }
0x82: {  	s19 =	sadd.s32 s19, s21  }
0x83: {  	s21 =	sadd.s32 $0x20, s19  }
0x84: {  	[tilespmem:s0], [sflag:$0x7] =	stream.linear.gather [hbm4b:s21+s3], $0x80, $0x38;
	[tilespmem:$0x1EA00] =	vst v63  }
0x85: {  	_ =	swait.ge [sflag:s7], $0x2000  }
0x86: {  	[sflag:s7] =	ssyncset.done $0x0  }
0x87: {  	[sflag:s7] =	ssyncadd.s32 $0xFFFFE000  }
0x88: {  	_ =	swait.ge [sflag:s8], $0x80  }
0x89: {  	[sflag:s8] =	ssyncset.done $0x0  }
0x8a: {  	[sflag:s8] =	ssyncadd.s32 $0xFFFFFF80  }
0x8b: {  	[spmem:s2] =	stream.indirect.scatter.add.f32 [tilespmem:s28], [sflag:$0x9], $0x80, s29, s25, $0xb8;
	[tilespmem:$0x1EA00] =	vst v63  }
0x8c: {  	_ =	swait.ge [sflag:s24], $0x2000  }
0x8d: {  	[sflag:s24] =	ssyncset.done $0x0  }
0x8e: {  	s21 =	sadd.s32 $0xFFFFFF80, s18;
	[sflag:s24] =	ssyncadd.s32 $0xFFFFE000  }
0x8f: {  	[tilespmem:s9], [sflag:$0x4] =	stream.indirect.gather [hbm4b:s4+s25], $0x80, s21, s25, $0xb8;
	[tilespmem:$0x1EA00] =	vst v63  }
0x90: {  	s19 =	sadd.s32 $0x30, s19  }
0x91: {  	[tilespmem:s10], [sflag:$0x8] =	stream.linear.gather [hbm4b:s19+s3], $0x80, $0x38;
	[tilespmem:$0x1EA00] =	vst v63  }
0x92: {  	_ =	swait.ge [sflag:s11], $0x2000  }
0x93: {  	[sflag:s11] =	ssyncset.done $0x0  }
0x94: {  	[sflag:s11] =	ssyncadd.s32 $0xFFFFE000  }
0x95: {  	_ =	swait.ge [sflag:s12], $0x80  }
0x96: {  	p0 =	seq.s32 s16, $0x9C0;
	[sflag:s12] =	ssyncset.done $0x0  }
.Ltmp3:
0x97: {  	[sflag:s12] =	ssyncadd.s32 $0xFFFFFF80;
	(pc) =	sbr.rel @p0 .LBB2_6-.Ltmp3, $4  }
0x98: {  	[spmem:s2] =	stream.indirect.scatter.add.f32 [tilespmem:s1], [sflag:$0x9], $0x80, s0, s25, $0xb8;
	[tilespmem:$0x1EA00] =	vst v63  }
0x99: {  	_ =	swait.ge [sflag:s24], $0x2000  }
0x9a: {  	[sflag:s24] =	ssyncset.done $0x0  }
0x9b: {  	[sflag:s24] =	ssyncadd.s32 $0xFFFFE000  }
0x9c: {  	s19 =	sadd.s32 $0xFFFFFFC0, s18  }
0x9d: {  	[tilespmem:s23], [sflag:$0x1] =	stream.indirect.gather [hbm4b:s4+s25], $0x80, s19, s25, $0xb8;
	[tilespmem:$0x1EA00] =	vst v63  }
0x9e: {  	s19 =	sadd.s32 s16, s22  }
0x9f: {  	s21 =	sadd.s32 $0x40, s19  }
0xa0: {  	[tilespmem:s26], [sflag:$0x5] =	stream.linear.gather [hbm4b:s21+s3], $0x80, $0x38;
	[tilespmem:$0x1EA00] =	vst v63  }
0xa1: {  	_ =	swait.ge [sflag:s13], $0x2000  }
0xa2: {  	[sflag:s13] =	ssyncset.done $0x0  }
0xa3: {  	[sflag:s13] =	ssyncadd.s32 $0xFFFFE000  }
0xa4: {  	_ =	swait.ge [sflag:s14], $0x80  }
0xa5: {  	[sflag:s14] =	ssyncset.done $0x0  }
0xa6: {  	[sflag:s14] =	ssyncadd.s32 $0xFFFFFF80  }
0xa7: {  	[spmem:s2] =	stream.indirect.scatter.add.f32 [tilespmem:s9], [sflag:$0x9], $0x80, s10, s25, $0xb8;
	[tilespmem:$0x1EA00] =	vst v63  }
0xa8: {  	_ =	swait.ge [sflag:s24], $0x2000  }
.Ltmp4:
0xa9: {  	[sflag:s24] =	ssyncset.done $0x0;
	(pc) =	sbr.rel .LBB2_4-.Ltmp4, $4  }
0xaa: {  	[sflag:s24] =	ssyncadd.s32 $0xFFFFE000  }
0xab: {  	[tilespmem:s28], [sflag:$0x2] =	stream.indirect.gather [hbm4b:s4+s25], $0x80, s18, s25, $0xb8;
	[tilespmem:$0x1EA00] =	vst v63  }
0xac: {  	s16 =	sadd.s32 $0x40, s16;
	s19 =	sadd.s32 $0x50, s19;
	s18 =	sadd.s32 $0x100, s18  }
0xad: {  	[tilespmem:s29], [sflag:$0x6] =	stream.linear.gather [hbm4b:s19+s3], $0x80, $0x38;
	[tilespmem:$0x1EA00] =	vst v63  }
.LBB2_7:
0xae: {  	_ =	sfence.sel $0x180000  }
0xaf: {  	[bflag:$0x0] =	sbarrier.arrive $0xFFFF  }
0xb0: {  	_ =	strace $0x9000004A  }
0xb1: {  	s0 =	stileid.u32;
	[bflag:$0x2] =	sbarrier.arrive $0xFFFF  }
0xb2: {  	p0 =	sne.s32 s0, $0x0;
	s0 =	rddreg [dreg:$0x2]  }
0xb3: {  	s0 =	sadd.s32 @!p0 $0x100000, s0  }
0xb4: {  	[sflag:s0] =	ssyncadd.tile.s32 @!p0 $0x1;
	_ =	shalt  }
.Lfunc_end2:
_tile_overlayer_lowered:
.L_overlay_start_2:
0xb5: {  	(tag) =	ssettag $0x2  }
0xb6: {  	s0 =	rddreg [dreg:$0x0];
	s2 =	stileid.u32  }
0xb7: {  	s1 =	rddreg [dreg:$0x1];
	p0 =	sne.s32 s2, $0x0  }
0xb8: {  	s3 =	rddreg [dreg:$0x2];
	[bflag:$0x3] =	sbarrier.arrive $0xFFFF;
	s2 =	simm.s32 @!p0 $0x1C09  }
0xb9: {  	[timem:s3], [sflag:s2] =	dma.local @!p0 [hbm:s0], s1  }
0xba: {  	s0 =	simm.s32 @!p0 $0x9  }
0xbb: {  	_ =	swait.ge @!p0 [sflag:s0], s1  }
0xbc: {  	s1 =	ssub.s32 @!p0 $0x0, s1;
	[sflag:s0] =	ssyncset.done @!p0 $0x0  }
0xbd: {  	[sflag:s0] =	ssyncadd.s32 @!p0 s1  }
0xbe: {  	[bflag:$0x3] =	sbarrier.arrive $0xFFFF  }
0xbf: {  	_ =	shalt  }

// kernel: kernel.15.cloned.1.call-start
scs
__scs_entry_jumppad:
0x0: {  	(pc) =	sbr.rel $0x88, $3  }
0x1: {  	(tag) =	ssettag $0x0;
	lr =	simm.s32 $0x1  }
0x2: {  	[smem:$0x3F99] =	sst lr;
	_ =	strace $0xD0000000  }
0x3: {  	_ = 	snop  }
0x4: {  	_ = 	snop  }
0x5: {  	_ = 	snop  }
0x6: {  	_ = 	snop  }
0x7: {  	_ = 	snop  }
__scs_overlays_trampoline_lowered:
0x8: {  	[smem:$0x3FA8] =	sst s0  }
0x9: {  	[smem:$0x3FA9] =	sst s1  }
0xa: {  	[smem:$0x3FAA] =	sst s2  }
0xb: {  	[smem:$0x3FAB] =	sst s3  }
0xc: {  	[smem:$0x3FAC] =	sst s4  }
0xd: {  	[smem:$0x3FAD] =	sst s5  }
0xe: {  	[smem:$0x3FAE] =	sst s6  }
0xf: {  	[smem:$0x3FAF] =	sst s7  }
0x10: {  	[smem:$0x3FB0] =	sst s8  }
0x11: {  	[smem:$0x3FB1] =	sst s9;
	s0 =	simm.s32 @!p0 $0x0  }
0x12: {  	s1 =	sld [smem:$0x3F97];
	s0 =	simm.s32 @p0 $0x1  }
0x13: {  	[smem:$0x3FB2] =	sst s0;
	s0 =	simm.s32 @!p1 $0x0  }
0x14: {  	s2 =	sld [smem:$0x3F96];
	s0 =	simm.s32 @p1 $0x1  }
0x15: {  	[smem:$0x3FB3] =	sst s0;
	s0 =	simm.s32 @!p2 $0x0  }
0x16: {  	s3 =	sld [smem:$0x3FDB];
	s0 =	simm.s32 @p2 $0x1  }
0x17: {  	s4 =	simm.s32 $0x1BF5;
	[smem:$0x3FB5] =	sst s0  }
0x18: {  	s0 =	sld [smem:$0x3F98];
	_ =	swait.ge [sflag:s4], $0x0  }
0x19: {  	s7 =	sld [smem:$0x3F99]  }
0x1a: {  	s8 =	sadd.s32 $0xFFFFE003, lr  }
0x1b: {  	s9 =	sadd.s32 $0xFFFFFEF7, lr;
	s5 =	simm.s32 $0xFFFFFFFF;
	p2 =	slt.u32 s8, $0xFFFFF086  }
0x1c: {  	p1 =	slt.u32 s9, $0xF7A;
	s5 =	simm.s32 @!p2 $0x0  }
0x1d: {  	s5 =	simm.s32 @p1 $0x1;
	p0 =	seq.s32 s7, s2  }
0x1e: {  	s7 =	smul.u32 @!p0 $0xF7A, s2;
	p2 =	seq.s32 @!p0 s5, $0x0  }
0x1f: {  	s9 =	smul.u32 $0xF7A, s1;
	s8 =	simm.s32 @!p0 $0x1BF5;
	p2 =	por !p2, p0  }
0x20: {  	[sflag:s8] =	ssyncset.s32 @!p0 $0xFFFFF086;
	s6 =	sadd.s32 @!p0 s3, s7;
	s7 =	simm.s32 @!p0 $0x108  }
0x21: {  	s3 =	sadd.s32 s3, s9;
	s6 =	sadd.s32 @!p0 $0x88, s6;
	s7 =	simm.s32 @p2 $0x1082  }
0x22: {  	[simem:s7], [sflag:s8] =	dma.local @!p0 [hbm:s6], $0xF7A  }
0x23: {  	s9 =	sor.u32 $0xD0000000, s2;
	s6 =	simm.s32 $0x108;
	_ =	swait.ge @!p0 [sflag:s8], $0x0  }
0x24: {  	s3 =	sadd.s32 $0x88, s3;
	s6 =	simm.s32 @!p1 $0x1082;
	[sflag:s4] =	ssyncset.s32 $0xFFFFF086  }
0x25: {  	[simem:s6], [sflag:s4] =	dma.local [hbm:s3], $0xF7A  }
0x26: {  	[smem:$0x3F99] =	sst s1;
	(tag) =	ssettag s2;
	_ =	strace s9  }
0x27: {  	s1 =	sld [smem:$0x3FA9]  }
0x28: {  	s2 =	sld [smem:$0x3FAA]  }
0x29: {  	s4 =	sld [smem:$0x3FAC]  }
0x2a: {  	p0 =	seq.s32 s5, $0x0;
	s5 =	sld [smem:$0x3FAD]  }
0x2b: {  	s6 =	sld [smem:$0x3FAE]  }
0x2c: {  	s7 =	sld [smem:$0x3FAF]  }
0x2d: {  	s3 =	simm.s32 $0x108;
	s8 =	sld [smem:$0x3FB0]  }
0x2e: {  	s3 =	simm.s32 @!p0 $0x1082;
	s9 =	sld [smem:$0x3FB1]  }
0x2f: {  	lr =	sadd.s32 s0, s3;
	s0 =	sld [smem:$0x3FA8]  }
0x30: {  	s3 =	sld [smem:$0x3FAB]  }
0x31: {  	[smem:$0x3FB4] =	sst s10  }
0x32: {  	s10 =	sld [smem:$0x3FB2];
	_ =	sdelay $0x3  }
0x33: {  	p0 =	seq.s32 s10, $0x1;
	s10 =	sld [smem:$0x3FB4];
	_ =	sdelay $0x3  }
0x34: {  	[smem:$0x3FB4] =	sst s10  }
0x35: {  	s10 =	sld [smem:$0x3FB3];
	_ =	sdelay $0x3  }
0x36: {  	p1 =	seq.s32 s10, $0x1;
	s10 =	sld [smem:$0x3FB4];
	_ =	sdelay $0x3  }
0x37: {  	[smem:$0x3FB4] =	sst s10  }
0x38: {  	s10 =	sld [smem:$0x3FB5]  }
0x39: {  	_ = 	snop;
	(pc) =	sbr.ind lr, $3  }
0x3a: {  	_ = 	snop  }
0x3b: {  	_ = 	snop  }
0x3c: {  	p2 =	seq.s32 s10, $0x1;
	s10 =	sld [smem:$0x3FB4]  }
0x3d: {  	_ =	shalt  }
0x3e: {  	_ =	shalt  }
0x3f: {  	_ =	shalt  }
0x40: {  	_ =	shalt  }
0x41: {  	_ =	shalt  }
0x42: {  	_ =	shalt  }
0x43: {  	_ =	shalt  }
0x44: {  	_ =	shalt  }
0x45: {  	_ =	shalt  }
0x46: {  	_ =	shalt  }
0x47: {  	_ =	shalt  }
0x48: {  	_ =	shalt  }
0x49: {  	_ =	shalt  }
0x4a: {  	_ =	shalt  }
0x4b: {  	_ =	shalt  }
0x4c: {  	_ =	shalt  }
0x4d: {  	_ =	shalt  }
0x4e: {  	_ =	shalt  }
0x4f: {  	_ =	shalt  }
0x50: {  	_ =	shalt  }
0x51: {  	_ =	shalt  }
0x52: {  	_ =	shalt  }
0x53: {  	_ =	shalt  }
0x54: {  	_ =	shalt  }
0x55: {  	_ =	shalt  }
0x56: {  	_ =	shalt  }
0x57: {  	_ =	shalt  }
0x58: {  	_ =	shalt  }
0x59: {  	_ =	shalt  }
0x5a: {  	_ =	shalt  }
0x5b: {  	_ =	shalt  }
0x5c: {  	_ =	shalt  }
0x5d: {  	_ =	shalt  }
0x5e: {  	_ =	shalt  }
0x5f: {  	_ =	shalt  }
0x60: {  	_ =	shalt  }
0x61: {  	_ =	shalt  }
0x62: {  	_ =	shalt  }
0x63: {  	_ =	shalt  }
0x64: {  	_ =	shalt  }
0x65: {  	_ =	shalt  }
0x66: {  	_ =	shalt  }
0x67: {  	_ =	shalt  }
0x68: {  	_ =	shalt  }
0x69: {  	_ =	shalt  }
0x6a: {  	_ =	shalt  }
0x6b: {  	_ =	shalt  }
0x6c: {  	_ =	shalt  }
0x6d: {  	_ =	shalt  }
0x6e: {  	_ =	shalt  }
0x6f: {  	_ =	shalt  }
0x70: {  	_ =	shalt  }
0x71: {  	_ =	shalt  }
0x72: {  	_ =	shalt  }
0x73: {  	_ =	shalt  }
0x74: {  	_ =	shalt  }
0x75: {  	_ =	shalt  }
0x76: {  	_ =	shalt  }
0x77: {  	_ =	shalt  }
0x78: {  	_ =	shalt  }
0x79: {  	_ =	shalt  }
0x7a: {  	_ =	shalt  }
0x7b: {  	_ =	shalt  }
0x7c: {  	_ =	shalt  }
0x7d: {  	_ =	shalt  }
0x7e: {  	_ =	shalt  }
0x7f: {  	_ =	shalt  }
0x80: {  	_ =	shalt  }
0x81: {  	_ =	shalt  }
0x82: {  	_ =	shalt  }
0x83: {  	_ =	shalt  }
0x84: {  	_ =	shalt  }
0x85: {  	_ =	shalt  }
0x86: {  	_ =	shalt  }
0x87: {  	_ =	shalt  }
.Lfunc_end0:
.L_simem_size_0:
called_computation.2_lowered:
.L_overlay_start_0:
0x88: {  	s2 =	sld [smem:$0x3FD9]  }
0x89: {  	s3 =	sld [smem:$0x3FFE];
	_ =	sdelay $0x1  }
0x8a: {  	s1 =	srdreg.scid  }
0x8b: {  	s0 =	sand.u32 $0x1, s1  }
0x8c: {  	s16 =	sshll.u32 s0, $0xA;
	s2 =	sadd.s32 s3, s2  }
0x8d: {  	s2 =	sadd.s32 s2, s16  }
0x8e: {  	[smem:$0x3FC0] =	sst s2  }
0x8f: {  	_ = 	snop  }
0x90: {  	(tm) =	ssettm $0x1  }
0x91: {  	s17 =	sld [smem:$0x3FFB];
	_ =	sdelay $0x3  }
0x92: {  	_ =	strace s17  }
0x93: {  	s2 =	sld [smem:$0x3FFC];
	_ =	sdelay $0x3  }
0x94: {  	_ =	strace s2  }
0x95: {  	s2 =	sld [smem:$0x3FFD];
	_ =	sdelay $0x3  }
0x96: {  	_ =	strace s2  }
0x97: {  	_ =	strace $0x8FFFFFFF  }
0x98: {  	s18 =	sld [smem:$0x3FDB];
	_ =	sdelay $0x1  }
0x99: {  	s19 =	simm.s32 $_scs_section_size  }
0x9a: {  	s4 =	simm.s32 $_size__tile_overlayer_lowered;
	s5 =	simm.s32 $_tile_overlayer_lowered  }
0x9b: {  	s22 =	simm.s32 $0x1BFF;
	s21 =	sshll.u32 s5, $0x1;
	s2 =	sadd.s32 s19, s18  }
0x9c: {  	s6 =	simm.s32 $0x0;
	s20 =	sshll.u32 s4, $0x1;
	s4 =	sadd.s32 s21, s2  }
0x9d: {  	[timem:s6], [sflag:s22] =	dma.local [hbm:s4], s20  }
0x9e: {  	_ =	swait.ge [sflag:s22], s20  }
0x9f: {  	s3 =	ssub.s32 $0x0, s20;
	[sflag:s22] =	ssyncset.done $0x0  }
0xa0: {  	[sflag:s22] =	ssyncadd.s32 s3;
	_ =	sdelay $0x1  }
0xa1: {  	s23 =	simm.s32 $0x1B8B  }
0xa2: {  	_ =	swait.ge [sflag:s23], $0x1  }
0xa3: {  	[sflag:s23] =	ssyncset.done $0x0  }
0xa4: {  	s25 =	simm.s32 $0x1B8E;
	s24 =	sld [smem:$0x3FFE];
	[sflag:s23] =	ssyncadd.s32 $0xFFFFFFFF  }
0xa5: {  	s26 =	simm.s32 $execute0_lowered;
	[smem:$0x3FD2] =	sst s25  }
0xa6: {  	s4 =	sshll.u32 s26, $0x1;
	_ =	strace $0x8000004C;
	[dreg:$0x1] =	wrdreg $0xFFFFFFFF  }
0xa7: {  	s28 =	simm.s32 $_size_execute0_lowered;
	s2 =	sadd.s32 s2, s4;
	[dreg:$0x0] =	wrdreg $0x0  }
0xa8: {  	s4 =	sshll.u32 s28, $0x1;
	[dreg:$0x2] =	wrdreg s2  }
0xa9: {  	[dreg:$0x3] =	wrdreg s4  }
0xaa: {  	[dreg:$0x4] =	wrdreg $0xC0  }
0xab: {  	_ =	task [dreg:s6], $0x5FFFF  }
0xac: {  	[dreg:$0x1] =	wrdreg $0xFFFFFFFF  }
0xad: {  	[dreg:$0x0] =	wrdreg $0x60  }
0xae: {  	[dreg:$0x2] =	wrdreg s24  }
0xaf: {  	[dreg:$0x3] =	wrdreg $0xAA000  }
0xb0: {  	[dreg:$0x4] =	wrdreg $0x9  }
0xb1: {  	_ =	task.clear_ibuf [dreg:s6], $0x5FFFF;
	_ =	strace $0x9000004C  }
0xb2: {  	s29 =	simm.s32 $0x9;
	_ =	strace $0x8000004E  }
0xb3: {  	_ =	swait.ge [sflag:s29], $0x1  }
0xb4: {  	[sflag:s29] =	ssyncadd.s32 $0xFFFFFFFF  }
0xb5: {  	_ =	strace $0x9000004E  }
0xb6: {  	_ =	sfence  }
0xb7: {  	s30 =	sld [smem:$0x0];
	_ =	sdelay $0x2  }
0xb8: {  	s31 =	sshll.u32 s1, $0xD;
	s1 =	sshrl.u32 s1, $0x2  }
0xb9: {  	s3 =	sand.u32 $0x4000, s31;
	s1 =	sadd.s32 s1, s30  }
0xba: {  	s0 =	sor.u32 s3, s0;
	s1 =	sshll.u32 s1, $0x11  }
0xbb: {  	s0 =	sor.u32 s1, s0  }
0xbc: {  	s0 =	sadd.s32 $0x8F2B, s0  }
0xbd: {  	[sflag:s0] =	ssyncadd.remote.s32 $0x1  }
0xbe: {  	_ =	sfence.sel $0xFFFF  }
0xbf: {  	[dreg:$0x0] =	wrdreg $0xFFFFFFFF;
	(pc) =	sbr.abs _section_cstart, $3  }
0xc0: {  	[dreg:$0x1] =	wrdreg $0xFFFFFFFF  }
0xc1: {  	_ =	task.clear_ibuf [dreg:s6], $0x2FFFF;
	_ =	strace $0x9FFFFFFF  }
0xc2: {  	(tm) =	ssettm $0x7FFFFFFF  }
0xc3: {  	_ =	shalt  }
tec
execute0_lowered:
.L_overlay_start_1:
0x0: {  	(tag) =	ssettag $0x1  }
0x1: {  	s0 =	srdreg.scid;
	s6 =	rddreg [dreg:$0x0]  }
0x2: {  	s12 =	stileid.u32;
	s2 =	rddreg [dreg:$0x1]  }
0x3: {  	s3 =	simm.s32 $0x0;
	s28 =	simm.s32 $0x4A00;
	s29 =	simm.s32 $0x2880  }
0x4: {  	s30 =	simm.s32 $0x1;
	s31 =	simm.s32 $0x5;
	s7 =	smul.u32 $0x2800, s12  }
0x5: {  	s13 =	simm.s32 $0x4;
	s14 =	simm.s32 $0x8;
	s9 =	smul.u32 $0x50000, s12  }
0x6: {  	s0 =	sand.u32 $0x1, s0;
	[smem:$0x7FF] =	sst s3;
	s23 =	smul.u32 $0xA00, s12  }
0x7: {  	s4 =	sadd.s32 $0x2C00, s6;
	s1 =	sshll.u32 s0, $0x4;
	s8 =	smul.u32 $0x28000, s0  }
0x8: {  	_ =	strace $0x8000004D;
	s15 =	ssub.s32 $0x2, s0;
	s1 =	sor.u32 s12, s1  }
0x9: {  	s11 =	sshrl.u32 s15, $0x1;
	s5 =	smul.u32 $0x500, s1;
	s7 =	sadd.s32 s7, s8  }
0xa: {  	s9 =	sshrl.u32 s9, $0x2;
	s8 =	ssub.s32 s15, s11;
	s7 =	sadd.s32 s7, s6  }
0xb: {  	s26 =	smax.u32 s8, $0x1;
	s10 =	sadd.s32 s5, s6;
	s5 =	sadd.s32 $0x5CC00, s6  }
0xc: {  	s6 =	sadd.s32 s9, s2;
	s25 =	sadd.s32 $0x7AC00, s7;
	[dreg:$0xf] =	wrdreg s26  }
0xd: {  	s0 =	smul.u32 $0xA000, s0;
	s9 =	sadd.s32 $0x2000, s6;
	[dreg:$0xe] =	wrdreg s25  }
0xe: {  	s12 =	simm.s32 $0x7;
	s16 =	sadd.s32 $0x4000, s6;
	[dreg:$0x3] =	wrdreg s9  }
0xf: {  	s1 =	smul.u32 $0xA00, s1;
	s17 =	sadd.s32 $0x6000, s6;
	[dreg:$0x4] =	wrdreg s16  }
0x10: {  	s11 =	simm.s32 $0x3;
	s18 =	sadd.s32 $0x8000, s6;
	[dreg:$0x5] =	wrdreg s17  }
0x11: {  	s15 =	simm.s32 $0x0;
	s19 =	sadd.s32 $0xA000, s6;
	[dreg:$0x6] =	wrdreg s18  }
0x12: {  	s8 =	simm.s32 $0x6;
	s20 =	sadd.s32 $0xC000, s6;
	[dreg:$0x7] =	wrdreg s19  }
0x13: {  	s26 =	simm.s32 $0x2800;
	s21 =	sadd.s32 $0xE000, s6;
	[dreg:$0x8] =	wrdreg s20  }
0x14: {  	s7 =	simm.s32 $0x2;
	s22 =	sadd.s32 $0x10000, s6;
	[dreg:$0x9] =	wrdreg s21  }
0x15: {  	s24 =	sadd.s32 $0x12000, s6;
	s10 =	sadd.s32 $0x70C00, s10;
	[dreg:$0xa] =	wrdreg s22  }
.Ltmp0:
0x16: {  	s25 =	simm.s32 $0x40;
	[dreg:$0xb] =	wrdreg s24;
	(pc) =	sbr.rel .LBB2_1-.Ltmp0, $4  }
0x17: {  	[dreg:$0xc] =	wrdreg s10;
	s17 =	sadd.s32 s5, s1;
	s20 =	sadd.s32 s23, s0  }
0x18: {  	s23 =	simm.s32 $0x2A00;
	s24 =	simm.s32 $0x9;
	s0 =	simm.s32 $0x2900  }
0x19: {  	s9 =	simm.s32 $0x8A00;
	s10 =	simm.s32 $0x2980;
	s1 =	sadd.s32 $0x10, s17  }
0x1a: {  	v0 =	vimm.f32 $0.0e+00;
	s22 =	sadd.s32 s5, s20;
	[dreg:$0xd] =	wrdreg s1;
	s1 =	simm.s32 $0x6A00  }
.LBB2_6:
0x1b: {  	_ =	swait.ge [sflag:s13], $0x2000  }
0x1c: {  	[sflag:s13] =	ssyncset.done $0x0  }
0x1d: {  	[sflag:s13] =	ssyncadd.s32 $0xFFFFE000  }
0x1e: {  	_ =	swait.ge [sflag:s14], $0x80  }
0x1f: {  	[sflag:s14] =	ssyncset.done $0x0  }
0x20: {  	[sflag:s14] =	ssyncadd.s32 $0xFFFFFF80  }
0x21: {  	[spmem:s2] =	stream.indirect.scatter.add.f32 [tilespmem:s9], [sflag:$0x9], $0x80, s10, s25, $0xb8;
	[tilespmem:$0x1EA00] =	vst v63  }
0x22: {  	_ =	swait.ge [sflag:s24], $0x2000  }
0x23: {  	[sflag:s24] =	ssyncset.done $0x0  }
0x24: {  	s16 =	stileid.u32;
	[sflag:s24] =	ssyncadd.s32 $0xFFFFE000  }
0x25: {  	s16 =	sshll.u32 s16, $0x6;
	[bflag:$0x0] =	sbarrier.arrive $0xFFFF  }
0x26: {  	s18 =	sshrl.u32 s6, $0x3;
	s16 =	sor.u32 $0x1C09, s16;
	s19 =	rddreg [dreg:$0xe]  }
0x27: {  	[hbm:s19], [sflag:s16] =	dma.local [spmem:s18], $0x2800  }
0x28: {  	_ =	swait.ge [sflag:s24], $0x2800  }
0x29: {  	s15 =	sadd.s32 $0x1, s15;
	s21 =	rddreg [dreg:$0xf]  }
0x2a: {  	p0 =	sne.s32 s15, s21  }
.Ltmp1:
0x2b: {  	_ = 	snop;
	(pc) =	sbr.rel @!p0 .LBB2_7-.Ltmp1, $3  }
0x2c: {  	_ =	sdelay $0x1  }
0x2d: {  	[sflag:s24] =	ssyncset.done $0x0  }
0x2e: {  	[sflag:s24] =	ssyncadd.s32 $0xFFFFD800  }
.LBB2_1:
0x2f: {  	s16 =	simm.s32 $0x0;
	s18 =	simm.s32 $0x200  }
.LBB2_2:
0x30: {  	p0 =	sne.s32 s18, $0x7E00;
	[tilespmem:s16+$0x2A70] =	vst v0  }
0x31: {  	[tilespmem:s16+$0x2A00] =	vst v0  }
0x32: {  	[tilespmem:s16+$0x2A10] =	vst v0  }
.Ltmp2:
0x33: {  	[tilespmem:s16+$0x2A20] =	vst v0;
	(pc) =	sbr.rel @p0 .LBB2_2-.Ltmp2, $4  }
0x34: {  	[tilespmem:s16+$0x2A30] =	vst v0  }
0x35: {  	[tilespmem:s16+$0x2A40] =	vst v0  }
0x36: {  	[tilespmem:s16+$0x2A50] =	vst v0  }
0x37: {  	[tilespmem:s16+$0x2A60] =	vst v0;
	s16 =	sshra.s32 s18, $0x2;
	s18 =	sadd.s32 $0x200, s18  }
0x38: {  	[tilespmem:s16+$0x2A70] =	vst v0  }
0x39: {  	[tilespmem:s16+$0x2A00] =	vst v0  }
0x3a: {  	[tilespmem:s16+$0x2A10] =	vst v0  }
0x3b: {  	[tilespmem:s16+$0x2A20] =	vst v0  }
0x3c: {  	[tilespmem:s16+$0x2A30] =	vst v0  }
0x3d: {  	[tilespmem:s16+$0x2A40] =	vst v0  }
0x3e: {  	[tilespmem:s16+$0x2A50] =	vst v0  }
0x3f: {  	[tilespmem:s16+$0x2A60] =	vst v0  }
0x40: {  	[spmem:s6] =	stream.linear.scatter [tilespmem:s23], [sflag:$0x9], $0x2000, $0x38;
	[tilespmem:$0x1EA00] =	vst v63  }
0x41: {  	_ =	swait.ge [sflag:s24], $0x2000  }
0x42: {  	[sflag:s24] =	ssyncset.done $0x0  }
0x43: {  	s21 =	rddreg [dreg:$0x3];
	[sflag:s24] =	ssyncadd.s32 $0xFFFFE000  }
0x44: {  	[spmem:s21] =	stream.linear.scatter [tilespmem:s23], [sflag:$0x9], $0x2000, $0x38;
	[tilespmem:$0x1EA00] =	vst v63  }
0x45: {  	_ =	swait.ge [sflag:s24], $0x2000  }
0x46: {  	[sflag:s24] =	ssyncset.done $0x0  }
0x47: {  	s18 =	rddreg [dreg:$0x4];
	[sflag:s24] =	ssyncadd.s32 $0xFFFFE000  }
0x48: {  	[spmem:s18] =	stream.linear.scatter [tilespmem:s23], [sflag:$0x9], $0x2000, $0x38;
	[tilespmem:$0x1EA00] =	vst v63  }
0x49: {  	_ =	swait.ge [sflag:s24], $0x2000  }
0x4a: {  	[sflag:s24] =	ssyncset.done $0x0  }
0x4b: {  	s19 =	rddreg [dreg:$0x5];
	[sflag:s24] =	ssyncadd.s32 $0xFFFFE000  }
0x4c: {  	[spmem:s19] =	stream.linear.scatter [tilespmem:s23], [sflag:$0x9], $0x2000, $0x38;
	[tilespmem:$0x1EA00] =	vst v63  }
0x4d: {  	_ =	swait.ge [sflag:s24], $0x2000  }
0x4e: {  	[sflag:s24] =	ssyncset.done $0x0  }
0x4f: {  	s21 =	rddreg [dreg:$0x6];
	[sflag:s24] =	ssyncadd.s32 $0xFFFFE000  }
0x50: {  	[spmem:s21] =	stream.linear.scatter [tilespmem:s23], [sflag:$0x9], $0x2000, $0x38;
	[tilespmem:$0x1EA00] =	vst v63  }
0x51: {  	_ =	swait.ge [sflag:s24], $0x2000  }
0x52: {  	[sflag:s24] =	ssyncset.done $0x0  }
0x53: {  	s18 =	rddreg [dreg:$0x7];
	[sflag:s24] =	ssyncadd.s32 $0xFFFFE000  }
0x54: {  	[spmem:s18] =	stream.linear.scatter [tilespmem:s23], [sflag:$0x9], $0x2000, $0x38;
	[tilespmem:$0x1EA00] =	vst v63  }
0x55: {  	_ =	swait.ge [sflag:s24], $0x2000  }
0x56: {  	[sflag:s24] =	ssyncset.done $0x0  }
0x57: {  	s19 =	rddreg [dreg:$0x8];
	[sflag:s24] =	ssyncadd.s32 $0xFFFFE000  }
0x58: {  	[spmem:s19] =	stream.linear.scatter [tilespmem:s23], [sflag:$0x9], $0x2000, $0x38;
	[tilespmem:$0x1EA00] =	vst v63  }
0x59: {  	_ =	swait.ge [sflag:s24], $0x2000  }
0x5a: {  	[sflag:s24] =	ssyncset.done $0x0  }
0x5b: {  	s21 =	rddreg [dreg:$0x9];
	[sflag:s24] =	ssyncadd.s32 $0xFFFFE000  }
0x5c: {  	[spmem:s21] =	stream.linear.scatter [tilespmem:s23], [sflag:$0x9], $0x2000, $0x38;
	[tilespmem:$0x1EA00] =	vst v63  }
0x5d: {  	_ =	swait.ge [sflag:s24], $0x2000  }
0x5e: {  	[sflag:s24] =	ssyncset.done $0x0  }
0x5f: {  	s18 =	rddreg [dreg:$0xa];
	[sflag:s24] =	ssyncadd.s32 $0xFFFFE000  }
0x60: {  	[spmem:s18] =	stream.linear.scatter [tilespmem:s23], [sflag:$0x9], $0x2000, $0x38;
	[tilespmem:$0x1EA00] =	vst v63  }
0x61: {  	_ =	swait.ge [sflag:s24], $0x2000  }
0x62: {  	[sflag:s24] =	ssyncset.done $0x0  }
0x63: {  	s19 =	rddreg [dreg:$0xb];
	[sflag:s24] =	ssyncadd.s32 $0xFFFFE000  }
0x64: {  	[spmem:s19] =	stream.linear.scatter [tilespmem:s23], [sflag:$0x9], $0x2000, $0x38;
	[tilespmem:$0x1EA00] =	vst v63  }
0x65: {  	_ =	swait.ge [sflag:s24], $0x2000  }
0x66: {  	[sflag:s24] =	ssyncset.done $0x0  }
0x67: {  	[sflag:s24] =	ssyncadd.s32 $0xFFFFE000  }
0x68: {  	[bflag:$0x0] =	sbarrier.arrive $0xFFFF  }
0x69: {  	s16 =	simm.s32 $0x0;
	s18 =	rddreg [dreg:$0xc]  }
0x6a: {  	[tilespmem:s16], [sflag:$0x9] =	stream.linear.gather [hbm4b:s18+s16], $0x2800, $0x38;
	[tilespmem:$0x1EA00] =	vst v63  }
0x6b: {  	_ =	swait.ge [sflag:s24], $0x2800  }
0x6c: {  	[sflag:s24] =	ssyncset.done $0x0  }
0x6d: {  	[sflag:s24] =	ssyncadd.s32 $0xFFFFD800  }
0x6e: {  	[tilespmem:s23], [sflag:$0x1] =	stream.indirect.gather [hbm4b:s4+s25], $0x80, s16, s25, $0xb8;
	[tilespmem:$0x1EA00] =	vst v63  }
0x6f: {  	_ = 	snop  }
0x70: {  	[tilespmem:s26], [sflag:$0x5] =	stream.linear.gather [hbm4b:s17+s16], $0x80, $0x38;
	[tilespmem:$0x1EA00] =	vst v63  }
0x71: {  	_ = 	snop  }
0x72: {  	[tilespmem:s28], [sflag:$0x2] =	stream.indirect.gather [hbm4b:s4+s25], $0x80, s25, s25, $0xb8;
	[tilespmem:$0x1EA00] =	vst v63  }
0x73: {  	s18 =	simm.s32 $0x140;
	s21 =	rddreg [dreg:$0xd]  }
0x74: {  	[tilespmem:s29], [sflag:$0x6] =	stream.linear.gather [hbm4b:s21+s16], $0x80, $0x38;
	[tilespmem:$0x1EA00] =	vst v63  }
.LBB2_4:
0x75: {  	_ =	swait.ge [sflag:s30], $0x2000  }
0x76: {  	[sflag:s30] =	ssyncset.done $0x0  }
0x77: {  	[sflag:s30] =	ssyncadd.s32 $0xFFFFE000  }
0x78: {  	_ =	swait.ge [sflag:s31], $0x80  }
0x79: {  	[sflag:s31] =	ssyncset.done $0x0  }
0x7a: {  	[sflag:s31] =	ssyncadd.s32 $0xFFFFFF80  }
0x7b: {  	[spmem:s2] =	stream.indirect.scatter.add.f32 [tilespmem:s23], [sflag:$0x9], $0x80, s26, s25, $0xb8;
	[tilespmem:$0x1EA00] =	vst v63  }
0x7c: {  	_ =	swait.ge [sflag:s24], $0x2000  }
0x7d: {  	[sflag:s24] =	ssyncset.done $0x0  }
0x7e: {  	s19 =	sadd.s32 $0xFFFFFF40, s18;
	[sflag:s24] =	ssyncadd.s32 $0xFFFFE000  }
0x7f: {  	[tilespmem:s1], [sflag:$0x3] =	stream.indirect.gather [hbm4b:s4+s25], $0x80, s19, s25, $0xb8;
	[tilespmem:$0x1EA00] =	vst v63  }
0x80: {  	s21 =	sand.u32 $0x40, s16;
	s19 =	sadd.s32 s16, s20  }
0x81: {  	s21 =	sadd.s32 s21, s5;
	s19 =	sand.u32 $0xFFFFF80, s19  }
0x82: {  	s19 =	sadd.s32 s19, s21  }
0x83: {  	s21 =	sadd.s32 $0x20, s19  }
0x84: {  	[tilespmem:s0], [sflag:$0x7] =	stream.linear.gather [hbm4b:s21+s3], $0x80, $0x38;
	[tilespmem:$0x1EA00] =	vst v63  }
0x85: {  	_ =	swait.ge [sflag:s7], $0x2000  }
0x86: {  	[sflag:s7] =	ssyncset.done $0x0  }
0x87: {  	[sflag:s7] =	ssyncadd.s32 $0xFFFFE000  }
0x88: {  	_ =	swait.ge [sflag:s8], $0x80  }
0x89: {  	[sflag:s8] =	ssyncset.done $0x0  }
0x8a: {  	[sflag:s8] =	ssyncadd.s32 $0xFFFFFF80  }
0x8b: {  	[spmem:s2] =	stream.indirect.scatter.add.f32 [tilespmem:s28], [sflag:$0x9], $0x80, s29, s25, $0xb8;
	[tilespmem:$0x1EA00] =	vst v63  }
0x8c: {  	_ =	swait.ge [sflag:s24], $0x2000  }
0x8d: {  	[sflag:s24] =	ssyncset.done $0x0  }
0x8e: {  	s21 =	sadd.s32 $0xFFFFFF80, s18;
	[sflag:s24] =	ssyncadd.s32 $0xFFFFE000  }
0x8f: {  	[tilespmem:s9], [sflag:$0x4] =	stream.indirect.gather [hbm4b:s4+s25], $0x80, s21, s25, $0xb8;
	[tilespmem:$0x1EA00] =	vst v63  }
0x90: {  	s19 =	sadd.s32 $0x30, s19  }
0x91: {  	[tilespmem:s10], [sflag:$0x8] =	stream.linear.gather [hbm4b:s19+s3], $0x80, $0x38;
	[tilespmem:$0x1EA00] =	vst v63  }
0x92: {  	_ =	swait.ge [sflag:s11], $0x2000  }
0x93: {  	[sflag:s11] =	ssyncset.done $0x0  }
0x94: {  	[sflag:s11] =	ssyncadd.s32 $0xFFFFE000  }
0x95: {  	_ =	swait.ge [sflag:s12], $0x80  }
0x96: {  	p0 =	seq.s32 s16, $0x9C0;
	[sflag:s12] =	ssyncset.done $0x0  }
.Ltmp3:
0x97: {  	[sflag:s12] =	ssyncadd.s32 $0xFFFFFF80;
	(pc) =	sbr.rel @p0 .LBB2_6-.Ltmp3, $4  }
0x98: {  	[spmem:s2] =	stream.indirect.scatter.add.f32 [tilespmem:s1], [sflag:$0x9], $0x80, s0, s25, $0xb8;
	[tilespmem:$0x1EA00] =	vst v63  }
0x99: {  	_ =	swait.ge [sflag:s24], $0x2000  }
0x9a: {  	[sflag:s24] =	ssyncset.done $0x0  }
0x9b: {  	[sflag:s24] =	ssyncadd.s32 $0xFFFFE000  }
0x9c: {  	s19 =	sadd.s32 $0xFFFFFFC0, s18  }
0x9d: {  	[tilespmem:s23], [sflag:$0x1] =	stream.indirect.gather [hbm4b:s4+s25], $0x80, s19, s25, $0xb8;
	[tilespmem:$0x1EA00] =	vst v63  }
0x9e: {  	s19 =	sadd.s32 s16, s22  }
0x9f: {  	s21 =	sadd.s32 $0x40, s19  }
0xa0: {  	[tilespmem:s26], [sflag:$0x5] =	stream.linear.gather [hbm4b:s21+s3], $0x80, $0x38;
	[tilespmem:$0x1EA00] =	vst v63  }
0xa1: {  	_ =	swait.ge [sflag:s13], $0x2000  }
0xa2: {  	[sflag:s13] =	ssyncset.done $0x0  }
0xa3: {  	[sflag:s13] =	ssyncadd.s32 $0xFFFFE000  }
0xa4: {  	_ =	swait.ge [sflag:s14], $0x80  }
0xa5: {  	[sflag:s14] =	ssyncset.done $0x0  }
0xa6: {  	[sflag:s14] =	ssyncadd.s32 $0xFFFFFF80  }
0xa7: {  	[spmem:s2] =	stream.indirect.scatter.add.f32 [tilespmem:s9], [sflag:$0x9], $0x80, s10, s25, $0xb8;
	[tilespmem:$0x1EA00] =	vst v63  }
0xa8: {  	_ =	swait.ge [sflag:s24], $0x2000  }
.Ltmp4:
0xa9: {  	[sflag:s24] =	ssyncset.done $0x0;
	(pc) =	sbr.rel .LBB2_4-.Ltmp4, $4  }
0xaa: {  	[sflag:s24] =	ssyncadd.s32 $0xFFFFE000  }
0xab: {  	[tilespmem:s28], [sflag:$0x2] =	stream.indirect.gather [hbm4b:s4+s25], $0x80, s18, s25, $0xb8;
	[tilespmem:$0x1EA00] =	vst v63  }
0xac: {  	s16 =	sadd.s32 $0x40, s16;
	s19 =	sadd.s32 $0x50, s19;
	s18 =	sadd.s32 $0x100, s18  }
0xad: {  	[tilespmem:s29], [sflag:$0x6] =	stream.linear.gather [hbm4b:s19+s3], $0x80, $0x38;
	[tilespmem:$0x1EA00] =	vst v63  }
.LBB2_7:
0xae: {  	_ =	sfence.sel $0x180000  }
0xaf: {  	[bflag:$0x0] =	sbarrier.arrive $0xFFFF  }
0xb0: {  	_ =	strace $0x9000004D  }
0xb1: {  	s0 =	stileid.u32;
	[bflag:$0x2] =	sbarrier.arrive $0xFFFF  }
0xb2: {  	p0 =	sne.s32 s0, $0x0;
	s0 =	rddreg [dreg:$0x2]  }
0xb3: {  	s0 =	sadd.s32 @!p0 $0x100000, s0  }
0xb4: {  	[sflag:s0] =	ssyncadd.tile.s32 @!p0 $0x1;
	_ =	shalt  }
.Lfunc_end2:
_tile_overlayer_lowered:
.L_overlay_start_2:
0xb5: {  	(tag) =	ssettag $0x2  }
0xb6: {  	s0 =	rddreg [dreg:$0x0];
	s2 =	stileid.u32  }
0xb7: {  	s1 =	rddreg [dreg:$0x1];
	p0 =	sne.s32 s2, $0x0  }
0xb8: {  	s3 =	rddreg [dreg:$0x2];
	[bflag:$0x3] =	sbarrier.arrive $0xFFFF;
	s2 =	simm.s32 @!p0 $0x1C09  }
0xb9: {  	[timem:s3], [sflag:s2] =	dma.local @!p0 [hbm:s0], s1  }
0xba: {  	s0 =	simm.s32 @!p0 $0x9  }
0xbb: {  	_ =	swait.ge @!p0 [sflag:s0], s1  }
0xbc: {  	s1 =	ssub.s32 @!p0 $0x0, s1;
	[sflag:s0] =	ssyncset.done @!p0 $0x0  }
0xbd: {  	[sflag:s0] =	ssyncadd.s32 @!p0 s1  }
0xbe: {  	[bflag:$0x3] =	sbarrier.arrive $0xFFFF  }
0xbf: {  	_ =	shalt  }

// kernel: kernel.9.cloned.1.call-start
scs
__scs_entry_jumppad:
0x0: {  	(pc) =	sbr.rel $0x88, $3  }
0x1: {  	(tag) =	ssettag $0x0;
	lr =	simm.s32 $0x1  }
0x2: {  	[smem:$0x3F99] =	sst lr;
	_ =	strace $0xD0000000  }
0x3: {  	_ = 	snop  }
0x4: {  	_ = 	snop  }
0x5: {  	_ = 	snop  }
0x6: {  	_ = 	snop  }
0x7: {  	_ = 	snop  }
__scs_overlays_trampoline_lowered:
0x8: {  	[smem:$0x3FA8] =	sst s0  }
0x9: {  	[smem:$0x3FA9] =	sst s1  }
0xa: {  	[smem:$0x3FAA] =	sst s2  }
0xb: {  	[smem:$0x3FAB] =	sst s3  }
0xc: {  	[smem:$0x3FAC] =	sst s4  }
0xd: {  	[smem:$0x3FAD] =	sst s5  }
0xe: {  	[smem:$0x3FAE] =	sst s6  }
0xf: {  	[smem:$0x3FAF] =	sst s7  }
0x10: {  	[smem:$0x3FB0] =	sst s8  }
0x11: {  	[smem:$0x3FB1] =	sst s9;
	s0 =	simm.s32 @!p0 $0x0  }
0x12: {  	s1 =	sld [smem:$0x3F97];
	s0 =	simm.s32 @p0 $0x1  }
0x13: {  	[smem:$0x3FB2] =	sst s0;
	s0 =	simm.s32 @!p1 $0x0  }
0x14: {  	s2 =	sld [smem:$0x3F96];
	s0 =	simm.s32 @p1 $0x1  }
0x15: {  	[smem:$0x3FB3] =	sst s0;
	s0 =	simm.s32 @!p2 $0x0  }
0x16: {  	s3 =	sld [smem:$0x3FDB];
	s0 =	simm.s32 @p2 $0x1  }
0x17: {  	s4 =	simm.s32 $0x1BF5;
	[smem:$0x3FB5] =	sst s0  }
0x18: {  	s0 =	sld [smem:$0x3F98];
	_ =	swait.ge [sflag:s4], $0x0  }
0x19: {  	s7 =	sld [smem:$0x3F99]  }
0x1a: {  	s8 =	sadd.s32 $0xFFFFE003, lr  }
0x1b: {  	s9 =	sadd.s32 $0xFFFFFEF7, lr;
	s5 =	simm.s32 $0xFFFFFFFF;
	p2 =	slt.u32 s8, $0xFFFFF086  }
0x1c: {  	p1 =	slt.u32 s9, $0xF7A;
	s5 =	simm.s32 @!p2 $0x0  }
0x1d: {  	s5 =	simm.s32 @p1 $0x1;
	p0 =	seq.s32 s7, s2  }
0x1e: {  	s7 =	smul.u32 @!p0 $0xF7A, s2;
	p2 =	seq.s32 @!p0 s5, $0x0  }
0x1f: {  	s9 =	smul.u32 $0xF7A, s1;
	s8 =	simm.s32 @!p0 $0x1BF5;
	p2 =	por !p2, p0  }
0x20: {  	[sflag:s8] =	ssyncset.s32 @!p0 $0xFFFFF086;
	s6 =	sadd.s32 @!p0 s3, s7;
	s7 =	simm.s32 @!p0 $0x108  }
0x21: {  	s3 =	sadd.s32 s3, s9;
	s6 =	sadd.s32 @!p0 $0x88, s6;
	s7 =	simm.s32 @p2 $0x1082  }
0x22: {  	[simem:s7], [sflag:s8] =	dma.local @!p0 [hbm:s6], $0xF7A  }
0x23: {  	s9 =	sor.u32 $0xD0000000, s2;
	s6 =	simm.s32 $0x108;
	_ =	swait.ge @!p0 [sflag:s8], $0x0  }
0x24: {  	s3 =	sadd.s32 $0x88, s3;
	s6 =	simm.s32 @!p1 $0x1082;
	[sflag:s4] =	ssyncset.s32 $0xFFFFF086  }
0x25: {  	[simem:s6], [sflag:s4] =	dma.local [hbm:s3], $0xF7A  }
0x26: {  	[smem:$0x3F99] =	sst s1;
	(tag) =	ssettag s2;
	_ =	strace s9  }
0x27: {  	s1 =	sld [smem:$0x3FA9]  }
0x28: {  	s2 =	sld [smem:$0x3FAA]  }
0x29: {  	s4 =	sld [smem:$0x3FAC]  }
0x2a: {  	p0 =	seq.s32 s5, $0x0;
	s5 =	sld [smem:$0x3FAD]  }
0x2b: {  	s6 =	sld [smem:$0x3FAE]  }
0x2c: {  	s7 =	sld [smem:$0x3FAF]  }
0x2d: {  	s3 =	simm.s32 $0x108;
	s8 =	sld [smem:$0x3FB0]  }
0x2e: {  	s3 =	simm.s32 @!p0 $0x1082;
	s9 =	sld [smem:$0x3FB1]  }
0x2f: {  	lr =	sadd.s32 s0, s3;
	s0 =	sld [smem:$0x3FA8]  }
0x30: {  	s3 =	sld [smem:$0x3FAB]  }
0x31: {  	[smem:$0x3FB4] =	sst s10  }
0x32: {  	s10 =	sld [smem:$0x3FB2];
	_ =	sdelay $0x3  }
0x33: {  	p0 =	seq.s32 s10, $0x1;
	s10 =	sld [smem:$0x3FB4];
	_ =	sdelay $0x3  }
0x34: {  	[smem:$0x3FB4] =	sst s10  }
0x35: {  	s10 =	sld [smem:$0x3FB3];
	_ =	sdelay $0x3  }
0x36: {  	p1 =	seq.s32 s10, $0x1;
	s10 =	sld [smem:$0x3FB4];
	_ =	sdelay $0x3  }
0x37: {  	[smem:$0x3FB4] =	sst s10  }
0x38: {  	s10 =	sld [smem:$0x3FB5]  }
0x39: {  	_ = 	snop;
	(pc) =	sbr.ind lr, $3  }
0x3a: {  	_ = 	snop  }
0x3b: {  	_ = 	snop  }
0x3c: {  	p2 =	seq.s32 s10, $0x1;
	s10 =	sld [smem:$0x3FB4]  }
0x3d: {  	_ =	shalt  }
0x3e: {  	_ =	shalt  }
0x3f: {  	_ =	shalt  }
0x40: {  	_ =	shalt  }
0x41: {  	_ =	shalt  }
0x42: {  	_ =	shalt  }
0x43: {  	_ =	shalt  }
0x44: {  	_ =	shalt  }
0x45: {  	_ =	shalt  }
0x46: {  	_ =	shalt  }
0x47: {  	_ =	shalt  }
0x48: {  	_ =	shalt  }
0x49: {  	_ =	shalt  }
0x4a: {  	_ =	shalt  }
0x4b: {  	_ =	shalt  }
0x4c: {  	_ =	shalt  }
0x4d: {  	_ =	shalt  }
0x4e: {  	_ =	shalt  }
0x4f: {  	_ =	shalt  }
0x50: {  	_ =	shalt  }
0x51: {  	_ =	shalt  }
0x52: {  	_ =	shalt  }
0x53: {  	_ =	shalt  }
0x54: {  	_ =	shalt  }
0x55: {  	_ =	shalt  }
0x56: {  	_ =	shalt  }
0x57: {  	_ =	shalt  }
0x58: {  	_ =	shalt  }
0x59: {  	_ =	shalt  }
0x5a: {  	_ =	shalt  }
0x5b: {  	_ =	shalt  }
0x5c: {  	_ =	shalt  }
0x5d: {  	_ =	shalt  }
0x5e: {  	_ =	shalt  }
0x5f: {  	_ =	shalt  }
0x60: {  	_ =	shalt  }
0x61: {  	_ =	shalt  }
0x62: {  	_ =	shalt  }
0x63: {  	_ =	shalt  }
0x64: {  	_ =	shalt  }
0x65: {  	_ =	shalt  }
0x66: {  	_ =	shalt  }
0x67: {  	_ =	shalt  }
0x68: {  	_ =	shalt  }
0x69: {  	_ =	shalt  }
0x6a: {  	_ =	shalt  }
0x6b: {  	_ =	shalt  }
0x6c: {  	_ =	shalt  }
0x6d: {  	_ =	shalt  }
0x6e: {  	_ =	shalt  }
0x6f: {  	_ =	shalt  }
0x70: {  	_ =	shalt  }
0x71: {  	_ =	shalt  }
0x72: {  	_ =	shalt  }
0x73: {  	_ =	shalt  }
0x74: {  	_ =	shalt  }
0x75: {  	_ =	shalt  }
0x76: {  	_ =	shalt  }
0x77: {  	_ =	shalt  }
0x78: {  	_ =	shalt  }
0x79: {  	_ =	shalt  }
0x7a: {  	_ =	shalt  }
0x7b: {  	_ =	shalt  }
0x7c: {  	_ =	shalt  }
0x7d: {  	_ =	shalt  }
0x7e: {  	_ =	shalt  }
0x7f: {  	_ =	shalt  }
0x80: {  	_ =	shalt  }
0x81: {  	_ =	shalt  }
0x82: {  	_ =	shalt  }
0x83: {  	_ =	shalt  }
0x84: {  	_ =	shalt  }
0x85: {  	_ =	shalt  }
0x86: {  	_ =	shalt  }
0x87: {  	_ =	shalt  }
.Lfunc_end0:
.L_simem_size_0:
called_computation_lowered:
.L_overlay_start_0:
0x88: {  	s2 =	sld [smem:$0x3FD9]  }
0x89: {  	s3 =	sld [smem:$0x3FFE];
	_ =	sdelay $0x1  }
0x8a: {  	s1 =	srdreg.scid  }
0x8b: {  	s0 =	sand.u32 $0x1, s1  }
0x8c: {  	s16 =	sshll.u32 s0, $0xA;
	s2 =	sadd.s32 s3, s2  }
0x8d: {  	s2 =	sadd.s32 s2, s16  }
0x8e: {  	[smem:$0x3FC0] =	sst s2  }
0x8f: {  	_ = 	snop  }
0x90: {  	(tm) =	ssettm $0x1  }
0x91: {  	s17 =	sld [smem:$0x3FFB];
	_ =	sdelay $0x3  }
0x92: {  	_ =	strace s17  }
0x93: {  	s2 =	sld [smem:$0x3FFC];
	_ =	sdelay $0x3  }
0x94: {  	_ =	strace s2  }
0x95: {  	s2 =	sld [smem:$0x3FFD];
	_ =	sdelay $0x3  }
0x96: {  	_ =	strace s2  }
0x97: {  	_ =	strace $0x8FFFFFFF  }
0x98: {  	s18 =	sld [smem:$0x3FDB];
	_ =	sdelay $0x1  }
0x99: {  	s19 =	simm.s32 $_scs_section_size  }
0x9a: {  	s4 =	simm.s32 $_size__tile_overlayer_lowered;
	s5 =	simm.s32 $_tile_overlayer_lowered  }
0x9b: {  	s22 =	simm.s32 $0x1BFF;
	s21 =	sshll.u32 s5, $0x1;
	s2 =	sadd.s32 s19, s18  }
0x9c: {  	s6 =	simm.s32 $0x0;
	s20 =	sshll.u32 s4, $0x1;
	s4 =	sadd.s32 s21, s2  }
0x9d: {  	[timem:s6], [sflag:s22] =	dma.local [hbm:s4], s20  }
0x9e: {  	_ =	swait.ge [sflag:s22], s20  }
0x9f: {  	s3 =	ssub.s32 $0x0, s20;
	[sflag:s22] =	ssyncset.done $0x0  }
0xa0: {  	[sflag:s22] =	ssyncadd.s32 s3;
	_ =	sdelay $0x1  }
0xa1: {  	s23 =	simm.s32 $0x1B8B  }
0xa2: {  	_ =	swait.ge [sflag:s23], $0x1  }
0xa3: {  	[sflag:s23] =	ssyncset.done $0x0  }
0xa4: {  	s25 =	simm.s32 $0x1B8E;
	s24 =	sld [smem:$0x3FFE];
	[sflag:s23] =	ssyncadd.s32 $0xFFFFFFFF  }
0xa5: {  	s26 =	simm.s32 $execute0_lowered;
	[smem:$0x3FD2] =	sst s25  }
0xa6: {  	s4 =	sshll.u32 s26, $0x1;
	_ =	strace $0x80000046;
	[dreg:$0x1] =	wrdreg $0xFFFFFFFF  }
0xa7: {  	s28 =	simm.s32 $_size_execute0_lowered;
	s2 =	sadd.s32 s2, s4;
	[dreg:$0x0] =	wrdreg $0x0  }
0xa8: {  	s4 =	sshll.u32 s28, $0x1;
	[dreg:$0x2] =	wrdreg s2  }
0xa9: {  	[dreg:$0x3] =	wrdreg s4  }
0xaa: {  	[dreg:$0x4] =	wrdreg $0xC0  }
0xab: {  	_ =	task [dreg:s6], $0x5FFFF  }
0xac: {  	[dreg:$0x1] =	wrdreg $0xFFFFFFFF  }
0xad: {  	[dreg:$0x0] =	wrdreg $0x60  }
0xae: {  	[dreg:$0x2] =	wrdreg s24  }
0xaf: {  	[dreg:$0x3] =	wrdreg $0x81000  }
0xb0: {  	[dreg:$0x4] =	wrdreg $0x9  }
0xb1: {  	_ =	task.clear_ibuf [dreg:s6], $0x5FFFF;
	_ =	strace $0x90000046  }
0xb2: {  	s29 =	simm.s32 $0x9;
	_ =	strace $0x80000048  }
0xb3: {  	_ =	swait.ge [sflag:s29], $0x1  }
0xb4: {  	[sflag:s29] =	ssyncadd.s32 $0xFFFFFFFF  }
0xb5: {  	_ =	strace $0x90000048  }
0xb6: {  	_ =	sfence  }
0xb7: {  	s30 =	sld [smem:$0x0];
	_ =	sdelay $0x2  }
0xb8: {  	s31 =	sshll.u32 s1, $0xD;
	s1 =	sshrl.u32 s1, $0x2  }
0xb9: {  	s3 =	sand.u32 $0x4000, s31;
	s1 =	sadd.s32 s1, s30  }
0xba: {  	s0 =	sor.u32 s3, s0;
	s1 =	sshll.u32 s1, $0x11  }
0xbb: {  	s0 =	sor.u32 s1, s0  }
0xbc: {  	s0 =	sadd.s32 $0x8F2B, s0  }
0xbd: {  	[sflag:s0] =	ssyncadd.remote.s32 $0x1  }
0xbe: {  	_ =	sfence.sel $0xFFFF  }
0xbf: {  	[dreg:$0x0] =	wrdreg $0xFFFFFFFF;
	(pc) =	sbr.abs _section_cstart, $3  }
0xc0: {  	[dreg:$0x1] =	wrdreg $0xFFFFFFFF  }
0xc1: {  	_ =	task.clear_ibuf [dreg:s6], $0x2FFFF;
	_ =	strace $0x9FFFFFFF  }
0xc2: {  	(tm) =	ssettm $0x7FFFFFFF  }
0xc3: {  	_ =	shalt  }
tec
execute0_lowered:
.L_overlay_start_1:
0x0: {  	(tag) =	ssettag $0x1  }
0x1: {  	s5 =	rddreg [dreg:$0x0]  }
0x2: {  	s2 =	rddreg [dreg:$0x1]  }
0x3: {  	s0 =	rddreg [dreg:$0x2]  }
0x4: {  	s4 =	srdreg.scid;
	s1 =	stileid.u32;
	s3 =	simm.s32 $0x0  }
0x5: {  	s16 =	simm.s32 $0x4100;
	s17 =	simm.s32 $0x3;
	s18 =	simm.s32 $0x80  }
0x6: {  	s19 =	simm.s32 $0x1;
	s20 =	simm.s32 $0x100;
	s26 =	smul.u32 $0x2800, s1  }
0x7: {  	s21 =	simm.s32 $0x2;
	s23 =	simm.s32 $0x0;
	s10 =	smul.u32 $0x50000, s1  }
0x8: {  	s6 =	sand.u32 $0x1, s4;
	[smem:$0x7FF] =	sst s3;
	s11 =	smul.u32 $0x500, s1  }
0x9: {  	s4 =	sadd.s32 $0x2C00, s5;
	s22 =	sshll.u32 s1, $0x6;
	s7 =	smul.u32 $0x28000, s6  }
0xa: {  	_ =	strace $0x80000047;
	s8 =	ssub.s32 $0x2, s6;
	s28 =	sshll.u32 s6, $0x4  }
0xb: {  	s30 =	smul.u32 $0x5000, s6;
	s22 =	sor.u32 $0x1C03, s22;
	s9 =	sshrl.u32 s8, $0x1  }
0xc: {  	s29 =	sshrl.u32 s10, $0x2;
	s31 =	sor.u32 s1, s28;
	s7 =	sadd.s32 s26, s7  }
0xd: {  	s13 =	ssub.s32 s8, s9;
	s14 =	smul.u32 $0x500, s31;
	s10 =	sadd.s32 s11, s30  }
0xe: {  	s12 =	sadd.s32 s7, s5;
	s5 =	sadd.s32 s29, s2;
	s15 =	sadd.s32 s4, s10  }
0xf: {  	s13 =	smax.u32 s13, $0x1;
	s6 =	sadd.s32 $0x4000, s5;
	s7 =	sadd.s32 $0x8000, s5  }
0x10: {  	s8 =	sadd.s32 $0xC000, s5;
	s9 =	sadd.s32 $0x10000, s5;
	s11 =	sadd.s32 s4, s14  }
0x11: {  	v0 =	vimm.f32 $1.000000000e+00;
	v1 =	vimm.f32 $0.0e+00;
	s12 =	sadd.s32 $0xCC00, s12;
	s15 =	sadd.s32 $0x20, s15;
	s14 =	sadd.s32 $0x4F0, s11  }
.LBB2_1:
0x12: {  	s24 =	simm.s32 $0x200;
	s25 =	simm.s32 $0x0  }
.LBB2_2:
0x13: {  	p0 =	sne.s32 s24, $0xFE00;
	[tilespmem:s25+$0x100] =	vst v0;
	s26 =	smov.u32 s24;
	s24 =	sadd.s32 $0x200, s24  }
.Ltmp0:
0x14: {  	[tilespmem:s25+$0x4100] =	vst v1;
	(pc) =	sbr.rel @p0 .LBB2_2-.Ltmp0, $2  }
0x15: {  	_ =	sdelay $0x2  }
0x16: {  	s25 =	sshra.s32 s26, $0x2  }
0x17: {  	[tilespmem:s25+$0x100] =	vst v0  }
0x18: {  	[tilespmem:s25+$0x4100] =	vst v1  }
0x19: {  	[spmem:s5] =	stream.linear.scatter [tilespmem:s16], [sflag:$0x3], $0x4000, $0x38;
	[tilespmem:$0xA900] =	vst v63  }
0x1a: {  	_ =	swait.ge [sflag:s17], $0x4000  }
0x1b: {  	[sflag:s17] =	ssyncset.done $0x0  }
0x1c: {  	[sflag:s17] =	ssyncadd.s32 $0xFFFFC000  }
0x1d: {  	[spmem:s6] =	stream.linear.scatter [tilespmem:s16], [sflag:$0x3], $0x4000, $0x38;
	[tilespmem:$0xA900] =	vst v63  }
0x1e: {  	_ =	swait.ge [sflag:s17], $0x4000  }
0x1f: {  	[sflag:s17] =	ssyncset.done $0x0  }
0x20: {  	[sflag:s17] =	ssyncadd.s32 $0xFFFFC000  }
0x21: {  	[spmem:s7] =	stream.linear.scatter [tilespmem:s16], [sflag:$0x3], $0x4000, $0x38;
	[tilespmem:$0xA900] =	vst v63  }
0x22: {  	_ =	swait.ge [sflag:s17], $0x4000  }
0x23: {  	[sflag:s17] =	ssyncset.done $0x0  }
0x24: {  	[sflag:s17] =	ssyncadd.s32 $0xFFFFC000  }
0x25: {  	[spmem:s8] =	stream.linear.scatter [tilespmem:s16], [sflag:$0x3], $0x4000, $0x38;
	[tilespmem:$0xA900] =	vst v63  }
0x26: {  	_ =	swait.ge [sflag:s17], $0x4000  }
0x27: {  	[sflag:s17] =	ssyncset.done $0x0  }
0x28: {  	[sflag:s17] =	ssyncadd.s32 $0xFFFFC000  }
0x29: {  	[spmem:s9] =	stream.linear.scatter [tilespmem:s16], [sflag:$0x3], $0x4000, $0x38;
	[tilespmem:$0xA900] =	vst v63  }
0x2a: {  	_ =	swait.ge [sflag:s17], $0x4000  }
0x2b: {  	[sflag:s17] =	ssyncset.done $0x0  }
0x2c: {  	[sflag:s17] =	ssyncadd.s32 $0xFFFFC000  }
0x2d: {  	s24 =	simm.s32 $0x0;
	[bflag:$0x0] =	sbarrier.arrive $0xFFFF  }
0x2e: {  	[tilespmem:s24], [sflag:$0x1] =	stream.linear.gather [hbm4b:s11+s24], $0x80, $0x38;
	[tilespmem:$0xA900] =	vst v63  }
0x2f: {  	s29 =	sadd.s32 $0x0, s10;
	s24 =	sand.u32 $0x60, s24  }
0x30: {  	s25 =	sand.u32 $0xFFFFF80, s29;
	s24 =	sadd.s32 s24, s4  }
0x31: {  	s24 =	sadd.s32 s25, s24  }
0x32: {  	s24 =	sadd.s32 $0x10, s24  }
0x33: {  	[tilespmem:s18], [sflag:$0x2] =	stream.linear.gather [hbm4b:s24+s3], $0x80, $0x38;
	[tilespmem:$0xA900] =	vst v63  }
0x34: {  	_ =	swait.ge [sflag:s19], $0x80  }
0x35: {  	[sflag:s19] =	ssyncset.done $0x0  }
0x36: {  	[sflag:s19] =	ssyncadd.s32 $0xFFFFFF80  }
0x37: {  	[spmem:s2] =	stream.indirect.scatter.add.f32 [tilespmem:s20], [sflag:$0x3], $0x10, s3, s18, $0xb8;
	[tilespmem:$0xA900] =	vst v63  }
0x38: {  	_ =	swait.ge [sflag:s17], $0x800  }
0x39: {  	[sflag:s17] =	ssyncset.done $0x0  }
0x3a: {  	s30 =	sadd.s32 $0x0, s15;
	[sflag:s17] =	ssyncadd.s32 $0xFFFFF800  }
0x3b: {  	[tilespmem:s3], [sflag:$0x1] =	stream.linear.gather [hbm4b:s30+s3], $0x80, $0x38;
	[tilespmem:$0xA900] =	vst v63  }
0x3c: {  	_ =	swait.ge [sflag:s21], $0x80  }
0x3d: {  	s24 =	simm.s32 $0x20;
	[sflag:s21] =	ssyncset.done $0x0  }
0x3e: {  	s31 =	sadd.s32 $0x20, s10;
	s26 =	sand.u32 $0x60, s24;
	[sflag:s21] =	ssyncadd.s32 $0xFFFFFF80  }
0x3f: {  	[spmem:s2] =	stream.indirect.scatter.add.f32 [tilespmem:s20], [sflag:$0x3], $0x10, s18, s18, $0xb8;
	[tilespmem:$0xA900] =	vst v63  }
0x40: {  	s28 =	sand.u32 $0xFFFFF80, s31;
	s26 =	sadd.s32 s26, s4;
	_ =	swait.ge [sflag:s17], $0x800  }
0x41: {  	s25 =	simm.s32 $0x40;
	s26 =	sadd.s32 s28, s26;
	[sflag:s17] =	ssyncset.done $0x0  }
.LBB2_4:
0x42: {  	s26 =	sadd.s32 $0x10, s26  }
0x43: {  	[sflag:s17] =	ssyncadd.s32 $0xFFFFF800;
	s28 =	smov.u32 s25;
	s29 =	sadd.s32 $0x20, s25  }
0x44: {  	[tilespmem:s18], [sflag:$0x2] =	stream.linear.gather [hbm4b:s26+s3], $0x80, $0x38;
	[tilespmem:$0xA900] =	vst v63  }
0x45: {  	p0 =	sne.s32 s25, $0x4C0;
	_ =	swait.ge [sflag:s19], $0x80  }
0x46: {  	[sflag:s19] =	ssyncset.done $0x0  }
0x47: {  	[sflag:s19] =	ssyncadd.s32 $0xFFFFFF80  }
0x48: {  	[spmem:s2] =	stream.indirect.scatter.add.f32 [tilespmem:s20], [sflag:$0x3], $0x10, s3, s18, $0xb8;
	[tilespmem:$0xA900] =	vst v63  }
0x49: {  	_ =	swait.ge [sflag:s17], $0x800  }
0x4a: {  	[sflag:s17] =	ssyncset.done $0x0  }
0x4b: {  	s25 =	sadd.s32 s24, s15;
	s24 =	smov.u32 s28;
	[sflag:s17] =	ssyncadd.s32 $0xFFFFF800  }
0x4c: {  	[tilespmem:s3], [sflag:$0x1] =	stream.linear.gather [hbm4b:s25+s3], $0x80, $0x38;
	[tilespmem:$0xA900] =	vst v63  }
0x4d: {  	_ =	swait.ge [sflag:s21], $0x80  }
.Ltmp1:
0x4e: {  	[sflag:s21] =	ssyncset.done $0x0;
	(pc) =	sbr.rel @p0 .LBB2_4-.Ltmp1, $4  }
0x4f: {  	s26 =	sand.u32 $0x60, s24;
	s25 =	sadd.s32 s24, s10;
	[sflag:s21] =	ssyncadd.s32 $0xFFFFFF80  }
0x50: {  	[spmem:s2] =	stream.indirect.scatter.add.f32 [tilespmem:s20], [sflag:$0x3], $0x10, s18, s18, $0xb8;
	[tilespmem:$0xA900] =	vst v63  }
0x51: {  	s26 =	sadd.s32 s26, s4;
	s25 =	sand.u32 $0xFFFFF80, s25;
	_ =	swait.ge [sflag:s17], $0x800  }
0x52: {  	s26 =	sadd.s32 s25, s26;
	s25 =	smov.u32 s29;
	[sflag:s17] =	ssyncset.done $0x0  }
0x53: {  	s25 =	sadd.s32 $0x10, s26;
	[sflag:s17] =	ssyncadd.s32 $0xFFFFF800  }
0x54: {  	[tilespmem:s18], [sflag:$0x2] =	stream.linear.gather [hbm4b:s25+s3], $0x80, $0x38;
	[tilespmem:$0xA900] =	vst v63  }
0x55: {  	_ =	swait.ge [sflag:s19], $0x80  }
0x56: {  	[sflag:s19] =	ssyncset.done $0x0  }
0x57: {  	[sflag:s19] =	ssyncadd.s32 $0xFFFFFF80  }
0x58: {  	[spmem:s2] =	stream.indirect.scatter.add.f32 [tilespmem:s20], [sflag:$0x3], $0x10, s3, s18, $0xb8;
	[tilespmem:$0xA900] =	vst v63  }
0x59: {  	_ =	swait.ge [sflag:s17], $0x800  }
0x5a: {  	[sflag:s17] =	ssyncset.done $0x0  }
0x5b: {  	s24 =	sadd.s32 s24, s15;
	[sflag:s17] =	ssyncadd.s32 $0xFFFFF800  }
0x5c: {  	[tilespmem:s3], [sflag:$0x1] =	stream.linear.gather [hbm4b:s24+s3], $0x80, $0x38;
	[tilespmem:$0xA900] =	vst v63  }
0x5d: {  	_ =	swait.ge [sflag:s21], $0x80  }
0x5e: {  	[sflag:s21] =	ssyncset.done $0x0  }
0x5f: {  	[sflag:s21] =	ssyncadd.s32 $0xFFFFFF80  }
0x60: {  	[spmem:s2] =	stream.indirect.scatter.add.f32 [tilespmem:s20], [sflag:$0x3], $0x10, s18, s18, $0xb8;
	[tilespmem:$0xA900] =	vst v63  }
0x61: {  	_ =	swait.ge [sflag:s17], $0x800  }
0x62: {  	[sflag:s17] =	ssyncset.done $0x0  }
0x63: {  	[sflag:s17] =	ssyncadd.s32 $0xFFFFF800  }
0x64: {  	[tilespmem:s18], [sflag:$0x2] =	stream.linear.gather [hbm4b:s14+s3], $0x80, $0x38;
	[tilespmem:$0xA900] =	vst v63  }
0x65: {  	_ =	swait.ge [sflag:s19], $0x80  }
0x66: {  	[sflag:s19] =	ssyncset.done $0x0  }
0x67: {  	[sflag:s19] =	ssyncadd.s32 $0xFFFFFF80  }
0x68: {  	[spmem:s2] =	stream.indirect.scatter.add.f32 [tilespmem:s20], [sflag:$0x3], $0x10, s3, s18, $0xb8;
	[tilespmem:$0xA900] =	vst v63  }
0x69: {  	_ =	swait.ge [sflag:s17], $0x800  }
0x6a: {  	[sflag:s17] =	ssyncset.done $0x0  }
0x6b: {  	[sflag:s17] =	ssyncadd.s32 $0xFFFFF800  }
0x6c: {  	_ =	swait.ge [sflag:s21], $0x80  }
0x6d: {  	[sflag:s21] =	ssyncset.done $0x0  }
0x6e: {  	[sflag:s21] =	ssyncadd.s32 $0xFFFFFF80  }
0x6f: {  	[spmem:s2] =	stream.indirect.scatter.add.f32 [tilespmem:s20], [sflag:$0x3], $0x10, s18, s18, $0xb8;
	[tilespmem:$0xA900] =	vst v63  }
0x70: {  	_ =	swait.ge [sflag:s17], $0x800  }
0x71: {  	s23 =	sadd.s32 $0x1, s23;
	[sflag:s17] =	ssyncset.done $0x0  }
0x72: {  	p0 =	sne.s32 s23, s13;
	[sflag:s17] =	ssyncadd.s32 $0xFFFFF800  }
.Ltmp2:
0x73: {  	s31 =	sshrl.u32 s5, $0x3;
	[bflag:$0x0] =	sbarrier.arrive $0xFFFF;
	(pc) =	sbr.rel @p0 .LBB2_1-.Ltmp2, $4  }
0x74: {  	[hbm:s12], [sflag:s22] =	dma.local [spmem:s31], $0x2800  }
0x75: {  	_ =	swait.ge [sflag:s17], $0x2800  }
0x76: {  	[sflag:s17] =	ssyncset.done $0x0  }
0x77: {  	[sflag:s17] =	ssyncadd.s32 $0xFFFFD800  }
0x78: {  	_ =	sfence.sel $0x180000  }
0x79: {  	[bflag:$0x0] =	sbarrier.arrive $0xFFFF  }
0x7a: {  	p0 =	sne.s32 s1, $0x0;
	_ =	strace $0x90000047  }
0x7b: {  	s0 =	sadd.s32 @!p0 $0x100000, s0;
	[bflag:$0x2] =	sbarrier.arrive $0xFFFF  }
0x7c: {  	[sflag:s0] =	ssyncadd.tile.s32 @!p0 $0x1;
	_ =	shalt  }
.Lfunc_end2:
_tile_overlayer_lowered:
.L_overlay_start_2:
0x7d: {  	(tag) =	ssettag $0x2  }
0x7e: {  	s0 =	rddreg [dreg:$0x0];
	s2 =	stileid.u32  }
0x7f: {  	s1 =	rddreg [dreg:$0x1];
	p0 =	sne.s32 s2, $0x0  }
0x80: {  	s3 =	rddreg [dreg:$0x2];
	[bflag:$0x3] =	sbarrier.arrive $0xFFFF;
	s2 =	simm.s32 @!p0 $0x1C03  }
0x81: {  	[timem:s3], [sflag:s2] =	dma.local @!p0 [hbm:s0], s1  }
0x82: {  	s0 =	simm.s32 @!p0 $0x3  }
0x83: {  	_ =	swait.ge @!p0 [sflag:s0], s1  }
0x84: {  	s1 =	ssub.s32 @!p0 $0x0, s1;
	[sflag:s0] =	ssyncset.done @!p0 $0x0  }
0x85: {  	[sflag:s0] =	ssyncadd.s32 @!p0 s1  }
0x86: {  	[bflag:$0x3] =	sbarrier.arrive $0xFFFF  }
0x87: {  	_ =	shalt  }

</sc_bundles>
